<compile_context>
chip_gen: v7x
topology: tpu7x:2x2x1
jax: 0.10.2.dev20260603
libtpu: 0.0.44.dev20260713+nightly
codegen_flags: <defaults>
</compile_context>

<pallas_src>
import functools

import jax
import jax.numpy as jnp
from jax import lax
from jax.experimental import pallas as pl
from jax.experimental.pallas import tpu as pltpu
from jax.experimental.pallas import tpu_sc as plsc

_D_IN = 128
_H1 = 512
_H2 = 256
_D_OUT = 100
_B, _L = 4096, 50
_N_TOK = _B * _L

_NC, _NS = 2, 16
_NW = _NC * _NS
_CHUNK = 128
_TB = 8192

_SLICES = (16384, 40960, 65536, 81920)
assert sum(_SLICES) == _N_TOK


def _make_sc_gather(sl_tok):
    per_w = sl_tok // _NW
    nchunk = per_w // _CHUNK
    mesh = plsc.VectorSubcoreMesh(core_axis_name="c", subcore_axis_name="s")

    @functools.partial(
        pl.kernel,
        mesh=mesh,
        out_type=jax.ShapeDtypeStruct((sl_tok, _D_IN), jnp.float32),
        scratch_types=[
            pltpu.VMEM((nchunk, _CHUNK), jnp.int32),
            pltpu.VMEM((2, _CHUNK, _D_IN), jnp.float32),
            pltpu.SemaphoreType.DMA,
            pltpu.SemaphoreType.DMA,
        ],
    )
    def gather_k(emb_hbm, tok_hbm, out_hbm, idx_v, rows_v, gsem, wsem):
        wid = lax.axis_index("s") * _NC + lax.axis_index("c")
        base = wid * per_w
        pltpu.sync_copy(tok_hbm.at[wid], idx_v)

        def issue_gather(j, slot):
            pltpu.async_copy(emb_hbm.at[idx_v.at[j]], rows_v.at[slot], gsem)

        def issue_write(j, slot):
            pltpu.async_copy(
                rows_v.at[slot], out_hbm.at[pl.ds(base + j * _CHUNK, _CHUNK)], wsem
            )

        def wait_gather(slot):
            pltpu.make_async_copy(
                emb_hbm.at[idx_v.at[0]], rows_v.at[slot], gsem
            ).wait()

        def wait_write(slot):
            pltpu.make_async_copy(
                rows_v.at[slot], out_hbm.at[pl.ds(0, _CHUNK)], wsem
            ).wait()

        issue_gather(0, 0)

        def pair(g, _):
            j0 = 2 * g
            @pl.when(g >= 1)
            def _():
                wait_write(1)

            issue_gather(j0 + 1, 1)
            wait_gather(0)
            issue_write(j0, 0)
            wait_write(0)

            @pl.when(g < nchunk // 2 - 1)
            def _():
                issue_gather(j0 + 2, 0)

            wait_gather(1)
            issue_write(j0 + 1, 1)
            return 0

        lax.fori_loop(0, nchunk // 2, pair, 0)
        wait_write(1)

    return gather_k


_sc_gathers = {n: _make_sc_gather(n) for n in sorted(set(_SLICES))}


def _mlp_body(x_ref, w1_ref, b1_ref, w2_ref, b2_ref, w3_ref, b3_ref, o_ref):
    x = x_ref[...].astype(jnp.bfloat16)
    h = jnp.dot(x, w1_ref[...].astype(jnp.bfloat16),
                preferred_element_type=jnp.float32) + b1_ref[...]
    h = jnp.maximum(h, 0.0).astype(jnp.bfloat16)
    h = jnp.dot(h, w2_ref[...].astype(jnp.bfloat16),
                preferred_element_type=jnp.float32) + b2_ref[...]
    h = jnp.maximum(h, 0.0).astype(jnp.bfloat16)
    o = jnp.dot(h, w3_ref[...].astype(jnp.bfloat16),
                preferred_element_type=jnp.float32) + b3_ref[...]
    o_ref[...] = o.T


def _mlp_body_acc(acc_ref, x_ref, w1_ref, b1_ref, w2_ref, b2_ref, w3_ref,
                  b3_ref, o_ref):
    del acc_ref
    _mlp_body(x_ref, w1_ref, b1_ref, w2_ref, b2_ref, w3_ref, b3_ref, o_ref)


def _mlp_slice(acc, x, W1, b1, W2, b2, W3, b3, row0):
    nsteps = x.shape[0] // _TB
    step0 = row0 // _TB
    rep = lambda i: (0, 0)
    in_specs = [
        pl.BlockSpec((_TB, _D_IN), lambda i: (i, 0)),
        pl.BlockSpec((_D_IN, _H1), rep),
        pl.BlockSpec((1, _H1), rep),
        pl.BlockSpec((_H1, _H2), rep),
        pl.BlockSpec((1, _H2), rep),
        pl.BlockSpec((_H2, _D_OUT), rep),
        pl.BlockSpec((1, _D_OUT), rep),
    ]
    args = (x, W1, b1.reshape(1, _H1), W2, b2.reshape(1, _H2), W3,
            b3.reshape(1, _D_OUT))
    body = _mlp_body
    aliases = {}
    if acc is not None:
        in_specs = [pl.BlockSpec(memory_space=pl.ANY)] + in_specs
        args = (acc,) + args
        body = _mlp_body_acc
        aliases = {0: 0}
    return pl.pallas_call(
        body,
        grid=(nsteps,),
        in_specs=in_specs,
        out_specs=pl.BlockSpec((_D_OUT, _TB), lambda i: (0, step0 + i)),
        out_shape=jax.ShapeDtypeStruct((_D_OUT, _N_TOK), jnp.float32),
        input_output_aliases=aliases,
        compiler_params=pltpu.CompilerParams(
            dimension_semantics=("arbitrary",),
        ),
    )(*args)


def kernel(token_ids, emb, W1, b1, W2, b2, W3, b3):
    tok = token_ids.reshape(-1).astype(jnp.int32)
    xs = []
    off = 0
    for n in _SLICES:
        t = tok[off:off + n].reshape(_NW, n // _NW // _CHUNK, _CHUNK)
        xs.append(_sc_gathers[n](emb, t))
        off += n
    acc = None
    off = 0
    for n, x in zip(_SLICES, xs):
        acc = _mlp_slice(acc, x, W1, b1, W2, b2, W3, b3, off)
        off += n
    return acc.T

# --- scband reference (transcript-rebuilt; emitter-appended) ---
"""Pipeline reference for scband-nnwith-trainable-embeddings-23416161698015 (READ-ONLY COPY).

The authoritative reference and input builder live on the scoring server;
editing this copy changes nothing except your own understanding.
"""

import jax, jax.numpy as jnp
import numpy as np

VOCAB = 100000
PAD_ID = 100001
D_IN = 128
H1 = 512
H2 = 256
D_OUT = 100
B, L = 4096, 50


def setup_inputs(seed: int = 0) -> dict:
    key = jax.random.key(seed)
    ks = jax.random.split(key, 9)
    token_ids = jax.random.randint(ks[0], (B, L), 0, VOCAB + 2, dtype=jnp.int64 if jax.config.jax_enable_x64 else jnp.int32)
    emb = jax.random.normal(ks[1], (VOCAB + 2, D_IN), dtype=jnp.float32) * 0.02
    W1 = jax.random.normal(ks[2], (D_IN, H1), dtype=jnp.float32) * (1.0 / np.sqrt(D_IN))
    b1 = jnp.zeros((H1,), dtype=jnp.float32)
    W2 = jax.random.normal(ks[3], (H1, H2), dtype=jnp.float32) * (1.0 / np.sqrt(H1))
    b2 = jnp.zeros((H2,), dtype=jnp.float32)
    W3 = jax.random.normal(ks[4], (H2, D_OUT), dtype=jnp.float32) * (1.0 / np.sqrt(H2))
    b3 = jnp.zeros((D_OUT,), dtype=jnp.float32)
    return {"token_ids": token_ids, "emb": emb, "W1": W1, "b1": b1, "W2": W2, "b2": b2, "W3": W3, "b3": b3}


def reference(token_ids, emb, W1, b1, W2, b2, W3, b3):
    # Embedding lookup (gather)
    x = jnp.take(emb, token_ids, axis=0)          # [B, L, D_IN]
    x = x.reshape(-1, x.shape[-1])                 # [B*L, D_IN]
    # MLP (dropout is identity in eval mode)
    h = jax.nn.relu(x @ W1 + b1)
    h = jax.nn.relu(h @ W2 + b2)
    logits = h @ W3 + b3                           # [B*L, D_OUT]
    return logits

if __name__ == "__main__":
    import jax
    _d = setup_inputs()
    print(jax.jit(kernel)(*tuple(_d.values())))

</pallas_src>

<mosaic_0001>
#map = affine_map<(d0, d1) -> (0, 0)>
#map1 = affine_map<(d0, d1) -> (0, 0, 0)>
module attributes {stable_mosaic.version = 14 : i64} {
  func.func @gather_k(%arg0: i32, %arg1: i32, %arg2: memref<100002x128xf32, #tpu.memory_space<hbm>>, %arg3: memref<32x10x128xi32, #tpu.memory_space<hbm>>, %arg4: memref<40960x128xf32, #tpu.memory_space<hbm>>, %arg5: memref<10x128xi32, #tpu.memory_space<vmem>>, %arg6: memref<2x128x128xf32, #tpu.memory_space<vmem>>, %arg7: memref<!tpu.dma_semaphore, #tpu.memory_space<semaphore_mem>>, %arg8: memref<!tpu.dma_semaphore, #tpu.memory_space<semaphore_mem>>) attributes {dimension_semantics = [#tpu.dimension_semantics<core_parallel>, #tpu.dimension_semantics<subcore_parallel>], iteration_bounds = array<i64: 2, 16>, scalar_prefetch = 0 : i64, scratch_operands = 4 : i64, tpu.core_type = #tpu.core_type<sc_vector_subcore>, window_params = [{transform_indices = #map}, {transform_indices = #map1}, {transform_indices = #map}]} {
    %mul3A = arith.constant 2 : i32
    %mul3A_0 = arith.muli %arg1, %mul3A : i32
    %add3A = arith.addi %mul3A_0, %arg0 : i32
    %mul3A_1 = arith.constant 1280 : i32
    %mul3A_2 = arith.muli %add3A, %mul3A_1 : i32
    "tpu.region"() ({
      %run_scoped3A = tpu.sem_alloc : memref<!tpu.dma_semaphore, #tpu.memory_space<semaphore_mem>>
      %dma_start3A_34 = arith.constant 0 : i32
      %dma_start3A_35 = arith.constant 0 : i32
      %dma_start3A_36 = tpu.memref_slice %arg3[%add3A, %dma_start3A_34, %dma_start3A_35] : memref<32x10x128xi32, #tpu.memory_space<hbm>> -> memref<1x10x128xi32, #tpu.memory_space<hbm>>
      %dma_start3A_37 = tpu.memref_squeeze %dma_start3A_36 : memref<1x10x128xi32, #tpu.memory_space<hbm>> -> memref<10x128xi32, #tpu.memory_space<hbm>>
      %dma_start3A_38 = arith.constant 0 : i32
      %dma_start3A_39 = arith.constant 0 : i32
      %dma_start3A_40 = tpu.memref_slice %arg3[%add3A, %dma_start3A_38, %dma_start3A_39] : memref<32x10x128xi32, #tpu.memory_space<hbm>> -> memref<1x10x128xi32, #tpu.memory_space<hbm>>
      %dma_start3A_41 = tpu.memref_squeeze %dma_start3A_40 : memref<1x10x128xi32, #tpu.memory_space<hbm>> -> memref<10x128xi32, #tpu.memory_space<hbm>>
      tpu.enqueue_dma source(%dma_start3A_41 : memref<10x128xi32, #tpu.memory_space<hbm>>) target(%arg5 : memref<10x128xi32, #tpu.memory_space<vmem>>) target_semaphore(%run_scoped3A : memref<!tpu.dma_semaphore, #tpu.memory_space<semaphore_mem>>)
      %dma_wait3A_42 = arith.constant 0 : i32
      %dma_wait3A_43 = arith.constant 0 : i32
      %dma_wait3A_44 = tpu.memref_slice %arg3[%add3A, %dma_wait3A_42, %dma_wait3A_43] : memref<32x10x128xi32, #tpu.memory_space<hbm>> -> memref<1x10x128xi32, #tpu.memory_space<hbm>>
      %dma_wait3A_45 = tpu.memref_squeeze %dma_wait3A_44 : memref<1x10x128xi32, #tpu.memory_space<hbm>> -> memref<10x128xi32, #tpu.memory_space<hbm>>
      %dma_wait3A_46 = arith.constant 0 : i32
      %dma_wait3A_47 = arith.constant 0 : i32
      %dma_wait3A_48 = tpu.memref_slice %arg3[%add3A, %dma_wait3A_46, %dma_wait3A_47] : memref<32x10x128xi32, #tpu.memory_space<hbm>> -> memref<1x10x128xi32, #tpu.memory_space<hbm>>
      %dma_wait3A_49 = tpu.memref_squeeze %dma_wait3A_48 : memref<1x10x128xi32, #tpu.memory_space<hbm>> -> memref<10x128xi32, #tpu.memory_space<hbm>>
      tpu.wait_dma2 semaphore(%run_scoped3A : memref<!tpu.dma_semaphore, #tpu.memory_space<semaphore_mem>>) src(%dma_wait3A_49 : memref<10x128xi32, #tpu.memory_space<hbm>>) dst(%arg5 : memref<10x128xi32, #tpu.memory_space<vmem>>)
      tpu.yield
    }) : () -> ()
    %dma_start3A = arith.constant 0 : i32
    %dma_start3A_3 = arith.constant 0 : i32
    %dma_start3A_4 = arith.constant 0 : i32
    %dma_start3A_5 = arith.constant 0 : i32
    %dma_start3A_6 = tpu.memref_slice %arg6[%dma_start3A_3, %dma_start3A_4, %dma_start3A_5] : memref<2x128x128xf32, #tpu.memory_space<vmem>> -> memref<1x128x128xf32, #tpu.memory_space<vmem>>
    %dma_start3A_7 = tpu.memref_squeeze %dma_start3A_6 : memref<1x128x128xf32, #tpu.memory_space<vmem>> -> memref<128x128xf32, #tpu.memory_space<vmem>>
    %dma_start3A_8 = arith.constant 0 : i32
    %dma_start3A_9 = tpu.memref_slice %arg5[%dma_start3A, %dma_start3A_8] : memref<10x128xi32, #tpu.memory_space<vmem>> -> memref<1x128xi32, #tpu.memory_space<vmem>>
    %dma_start3A_10 = tpu.memref_squeeze %dma_start3A_9 : memref<1x128xi32, #tpu.memory_space<vmem>> -> memref<128xi32, #tpu.memory_space<vmem>>
    %dma_start3A_11 = arith.constant 0 : i32
    %dma_start3A_12 = arith.constant 0 : i32
    %dma_start3A_13 = tpu.memref_slice %arg2[%dma_start3A_11, %dma_start3A_12] : memref<100002x128xf32, #tpu.memory_space<hbm>> -> memref<100002x128xf32, #tpu.memory_space<hbm>>
    tpu.enqueue_indirect_dma source(%dma_start3A_13 : memref<100002x128xf32, #tpu.memory_space<hbm>>) target(%dma_start3A_7 : memref<128x128xf32, #tpu.memory_space<vmem>>) offsets(%dma_start3A_10 : memref<128xi32, #tpu.memory_space<vmem>>) semaphore(%arg7 : memref<!tpu.dma_semaphore, #tpu.memory_space<semaphore_mem>>)
    %scan3A = arith.constant 0 : i32
    %scan3A_14 = arith.constant 0 : i32
    %scan3A_15 = arith.constant 5 : i32
    %scan3A_16 = arith.addi %scan3A_14, %scan3A_15 : i32
    %scan3A_17 = arith.constant 1 : i32
    %scan3A_18 = scf.for %scan3A_34 = %scan3A_14 to %scan3A_16 step %scan3A_17 iter_args(%scan3A_35 = %scan3A) -> (i32)  : i32 {
      %mul3A_36 = arith.constant 2 : i32
      %mul3A_37 = arith.muli %mul3A_36, %scan3A_34 : i32
      %ge3A = arith.constant 1 : i32
      %ge3A_38 = arith.cmpi sge, %scan3A_34, %ge3A : i32
      %convert_element_type3A = arith.extui %ge3A_38 : i1 to i32
      %cond3A = arith.constant 0 : i32
      %cond3A_39 = arith.cmpi ne, %convert_element_type3A, %cond3A : i32
      scf.if %cond3A_39 {
        %dma_wait3A_131 = arith.constant 1 : i32
        %dma_wait3A_132 = arith.constant 0 : i32
        %dma_wait3A_133 = arith.constant 0 : i32
        %dma_wait3A_134 = tpu.memref_slice %arg6[%dma_wait3A_131, %dma_wait3A_132, %dma_wait3A_133] : memref<2x128x128xf32, #tpu.memory_space<vmem>> -> memref<1x128x128xf32, #tpu.memory_space<vmem>>
        %dma_wait3A_135 = tpu.memref_squeeze %dma_wait3A_134 : memref<1x128x128xf32, #tpu.memory_space<vmem>> -> memref<128x128xf32, #tpu.memory_space<vmem>>
        %dma_wait3A_136 = arith.constant 0 : i32
        %dma_wait3A_137 = arith.constant 0 : i32
        %dma_wait3A_138 = tpu.memref_slice %arg4[%dma_wait3A_136, %dma_wait3A_137] : memref<40960x128xf32, #tpu.memory_space<hbm>> -> memref<128x128xf32, #tpu.memory_space<hbm>>
        %dma_wait3A_139 = arith.constant 0 : i32
        %dma_wait3A_140 = arith.constant 0 : i32
        %dma_wait3A_141 = tpu.memref_slice %arg4[%dma_wait3A_139, %dma_wait3A_140] : memref<40960x128xf32, #tpu.memory_space<hbm>> -> memref<128x128xf32, #tpu.memory_space<hbm>>
        %dma_wait3A_142 = arith.constant 0 : i32
        %dma_wait3A_143 = arith.constant 0 : i32
        %dma_wait3A_144 = tpu.memref_slice %arg6[%dma_wait3A_131, %dma_wait3A_142, %dma_wait3A_143] : memref<2x128x128xf32, #tpu.memory_space<vmem>> -> memref<1x128x128xf32, #tpu.memory_space<vmem>>
        %dma_wait3A_145 = tpu.memref_squeeze %dma_wait3A_144 : memref<1x128x128xf32, #tpu.memory_space<vmem>> -> memref<128x128xf32, #tpu.memory_space<vmem>>
        tpu.wait_dma2 semaphore(%arg8 : memref<!tpu.dma_semaphore, #tpu.memory_space<semaphore_mem>>) src(%dma_wait3A_145 : memref<128x128xf32, #tpu.memory_space<vmem>>) dst(%dma_wait3A_141 : memref<128x128xf32, #tpu.memory_space<hbm>>)
      } else {
      }
      %add3A_40 = arith.constant 1 : i32
      %add3A_41 = arith.addi %mul3A_37, %add3A_40 : i32
      %dma_start3A_42 = arith.constant 1 : i32
      %dma_start3A_43 = arith.constant 0 : i32
      %dma_start3A_44 = arith.constant 0 : i32
      %dma_start3A_45 = tpu.memref_slice %arg6[%dma_start3A_42, %dma_start3A_43, %dma_start3A_44] : memref<2x128x128xf32, #tpu.memory_space<vmem>> -> memref<1x128x128xf32, #tpu.memory_space<vmem>>
      %dma_start3A_46 = tpu.memref_squeeze %dma_start3A_45 : memref<1x128x128xf32, #tpu.memory_space<vmem>> -> memref<128x128xf32, #tpu.memory_space<vmem>>
      %dma_start3A_47 = arith.constant 0 : i32
      %dma_start3A_48 = tpu.memref_slice %arg5[%add3A_41, %dma_start3A_47] : memref<10x128xi32, #tpu.memory_space<vmem>> -> memref<1x128xi32, #tpu.memory_space<vmem>>
      %dma_start3A_49 = tpu.memref_squeeze %dma_start3A_48 : memref<1x128xi32, #tpu.memory_space<vmem>> -> memref<128xi32, #tpu.memory_space<vmem>>
      %dma_start3A_50 = arith.constant 0 : i32
      %dma_start3A_51 = arith.constant 0 : i32
      %dma_start3A_52 = tpu.memref_slice %arg2[%dma_start3A_50, %dma_start3A_51] : memref<100002x128xf32, #tpu.memory_space<hbm>> -> memref<100002x128xf32, #tpu.memory_space<hbm>>
      tpu.enqueue_indirect_dma source(%dma_start3A_52 : memref<100002x128xf32, #tpu.memory_space<hbm>>) target(%dma_start3A_46 : memref<128x128xf32, #tpu.memory_space<vmem>>) offsets(%dma_start3A_49 : memref<128xi32, #tpu.memory_space<vmem>>) semaphore(%arg7 : memref<!tpu.dma_semaphore, #tpu.memory_space<semaphore_mem>>)
      %dma_wait3A_53 = arith.constant 0 : i32
      %dma_wait3A_54 = arith.constant 0 : i32
      %dma_wait3A_55 = arith.constant 0 : i32
      %dma_wait3A_56 = arith.constant 0 : i32
      %dma_wait3A_57 = tpu.memref_slice %arg6[%dma_wait3A_54, %dma_wait3A_55, %dma_wait3A_56] : memref<2x128x128xf32, #tpu.memory_space<vmem>> -> memref<1x128x128xf32, #tpu.memory_space<vmem>>
      %dma_wait3A_58 = tpu.memref_squeeze %dma_wait3A_57 : memref<1x128x128xf32, #tpu.memory_space<vmem>> -> memref<128x128xf32, #tpu.memory_space<vmem>>
      %dma_wait3A_59 = arith.constant 0 : i32
      %dma_wait3A_60 = tpu.memref_slice %arg5[%dma_wait3A_53, %dma_wait3A_59] : memref<10x128xi32, #tpu.memory_space<vmem>> -> memref<1x128xi32, #tpu.memory_space<vmem>>
      %dma_wait3A_61 = tpu.memref_squeeze %dma_wait3A_60 : memref<1x128xi32, #tpu.memory_space<vmem>> -> memref<128xi32, #tpu.memory_space<vmem>>
      %dma_wait3A_62 = arith.constant 0 : i32
      %dma_wait3A_63 = arith.constant 0 : i32
      %dma_wait3A_64 = tpu.memref_slice %arg2[%dma_wait3A_62, %dma_wait3A_63] : memref<100002x128xf32, #tpu.memory_space<hbm>> -> memref<100002x128xf32, #tpu.memory_space<hbm>>
      tpu.wait_indirect_dma semaphore(%arg7 : memref<!tpu.dma_semaphore, #tpu.memory_space<semaphore_mem>>) src(%dma_wait3A_64 : memref<100002x128xf32, #tpu.memory_space<hbm>>) dst(%dma_wait3A_58 : memref<128x128xf32, #tpu.memory_space<vmem>>)
      %mul3A_65 = arith.constant 128 : i32
      %mul3A_66 = arith.muli %mul3A_37, %mul3A_65 : i32
      %add3A_67 = arith.addi %mul3A_2, %mul3A_66 : i32
      %dma_start3A_68 = arith.constant 0 : i32
      %dma_start3A_69 = arith.constant 0 : i32
      %dma_start3A_70 = arith.constant 0 : i32
      %dma_start3A_71 = tpu.memref_slice %arg6[%dma_start3A_68, %dma_start3A_69, %dma_start3A_70] : memref<2x128x128xf32, #tpu.memory_space<vmem>> -> memref<1x128x128xf32, #tpu.memory_space<vmem>>
      %dma_start3A_72 = tpu.memref_squeeze %dma_start3A_71 : memref<1x128x128xf32, #tpu.memory_space<vmem>> -> memref<128x128xf32, #tpu.memory_space<vmem>>
      %dma_start3A_73 = arith.constant 0 : i32
      %dma_start3A_74 = tpu.memref_slice %arg4[%add3A_67, %dma_start3A_73] : memref<40960x128xf32, #tpu.memory_space<hbm>> -> memref<128x128xf32, #tpu.memory_space<hbm>>
      %dma_start3A_75 = arith.constant 0 : i32
      %dma_start3A_76 = tpu.memref_slice %arg4[%add3A_67, %dma_start3A_75] : memref<40960x128xf32, #tpu.memory_space<hbm>> -> memref<128x128xf32, #tpu.memory_space<hbm>>
      %dma_start3A_77 = arith.constant 0 : i32
      %dma_start3A_78 = arith.constant 0 : i32
      %dma_start3A_79 = tpu.memref_slice %arg6[%dma_start3A_68, %dma_start3A_77, %dma_start3A_78] : memref<2x128x128xf32, #tpu.memory_space<vmem>> -> memref<1x128x128xf32, #tpu.memory_space<vmem>>
      %dma_start3A_80 = tpu.memref_squeeze %dma_start3A_79 : memref<1x128x128xf32, #tpu.memory_space<vmem>> -> memref<128x128xf32, #tpu.memory_space<vmem>>
      tpu.enqueue_dma source(%dma_start3A_80 : memref<128x128xf32, #tpu.memory_space<vmem>>) target(%dma_start3A_76 : memref<128x128xf32, #tpu.memory_space<hbm>>) target_semaphore(%arg8 : memref<!tpu.dma_semaphore, #tpu.memory_space<semaphore_mem>>)
      %dma_wait3A_81 = arith.constant 0 : i32
      %dma_wait3A_82 = arith.constant 0 : i32
      %dma_wait3A_83 = arith.constant 0 : i32
      %dma_wait3A_84 = tpu.memref_slice %arg6[%dma_wait3A_81, %dma_wait3A_82, %dma_wait3A_83] : memref<2x128x128xf32, #tpu.memory_space<vmem>> -> memref<1x128x128xf32, #tpu.memory_space<vmem>>
      %dma_wait3A_85 = tpu.memref_squeeze %dma_wait3A_84 : memref<1x128x128xf32, #tpu.memory_space<vmem>> -> memref<128x128xf32, #tpu.memory_space<vmem>>
      %dma_wait3A_86 = arith.constant 0 : i32
      %dma_wait3A_87 = arith.constant 0 : i32
      %dma_wait3A_88 = tpu.memref_slice %arg4[%dma_wait3A_86, %dma_wait3A_87] : memref<40960x128xf32, #tpu.memory_space<hbm>> -> memref<128x128xf32, #tpu.memory_space<hbm>>
      %dma_wait3A_89 = arith.constant 0 : i32
      %dma_wait3A_90 = arith.constant 0 : i32
      %dma_wait3A_91 = tpu.memref_slice %arg4[%dma_wait3A_89, %dma_wait3A_90] : memref<40960x128xf32, #tpu.memory_space<hbm>> -> memref<128x128xf32, #tpu.memory_space<hbm>>
      %dma_wait3A_92 = arith.constant 0 : i32
      %dma_wait3A_93 = arith.constant 0 : i32
      %dma_wait3A_94 = tpu.memref_slice %arg6[%dma_wait3A_81, %dma_wait3A_92, %dma_wait3A_93] : memref<2x128x128xf32, #tpu.memory_space<vmem>> -> memref<1x128x128xf32, #tpu.memory_space<vmem>>
      %dma_wait3A_95 = tpu.memref_squeeze %dma_wait3A_94 : memref<1x128x128xf32, #tpu.memory_space<vmem>> -> memref<128x128xf32, #tpu.memory_space<vmem>>
      tpu.wait_dma2 semaphore(%arg8 : memref<!tpu.dma_semaphore, #tpu.memory_space<semaphore_mem>>) src(%dma_wait3A_95 : memref<128x128xf32, #tpu.memory_space<vmem>>) dst(%dma_wait3A_91 : memref<128x128xf32, #tpu.memory_space<hbm>>)
      %lt3A = arith.constant 4 : i32
      %lt3A_96 = arith.cmpi slt, %scan3A_34, %lt3A : i32
      %convert_element_type3A_97 = arith.extui %lt3A_96 : i1 to i32
      %cond3A_98 = arith.constant 0 : i32
      %cond3A_99 = arith.cmpi ne, %convert_element_type3A_97, %cond3A_98 : i32
      scf.if %cond3A_99 {
        %add3A_131 = arith.constant 2 : i32
        %add3A_132 = arith.addi %mul3A_37, %add3A_131 : i32
        %dma_start3A_133 = arith.constant 0 : i32
        %dma_start3A_134 = arith.constant 0 : i32
        %dma_start3A_135 = arith.constant 0 : i32
        %dma_start3A_136 = tpu.memref_slice %arg6[%dma_start3A_133, %dma_start3A_134, %dma_start3A_135] : memref<2x128x128xf32, #tpu.memory_space<vmem>> -> memref<1x128x128xf32, #tpu.memory_space<vmem>>
        %dma_start3A_137 = tpu.memref_squeeze %dma_start3A_136 : memref<1x128x128xf32, #tpu.memory_space<vmem>> -> memref<128x128xf32, #tpu.memory_space<vmem>>
        %dma_start3A_138 = arith.constant 0 : i32
        %dma_start3A_139 = tpu.memref_slice %arg5[%add3A_132, %dma_start3A_138] : memref<10x128xi32, #tpu.memory_space<vmem>> -> memref<1x128xi32, #tpu.memory_space<vmem>>
        %dma_start3A_140 = tpu.memref_squeeze %dma_start3A_139 : memref<1x128xi32, #tpu.memory_space<vmem>> -> memref<128xi32, #tpu.memory_space<vmem>>
        %dma_start3A_141 = arith.constant 0 : i32
        %dma_start3A_142 = arith.constant 0 : i32
        %dma_start3A_143 = tpu.memref_slice %arg2[%dma_start3A_141, %dma_start3A_142] : memref<100002x128xf32, #tpu.memory_space<hbm>> -> memref<100002x128xf32, #tpu.memory_space<hbm>>
        tpu.enqueue_indirect_dma source(%dma_start3A_143 : memref<100002x128xf32, #tpu.memory_space<hbm>>) target(%dma_start3A_137 : memref<128x128xf32, #tpu.memory_space<vmem>>) offsets(%dma_start3A_140 : memref<128xi32, #tpu.memory_space<vmem>>) semaphore(%arg7 : memref<!tpu.dma_semaphore, #tpu.memory_space<semaphore_mem>>)
      } else {
      }
      %dma_wait3A_100 = arith.constant 0 : i32
      %dma_wait3A_101 = arith.constant 1 : i32
      %dma_wait3A_102 = arith.constant 0 : i32
      %dma_wait3A_103 = arith.constant 0 : i32
      %dma_wait3A_104 = tpu.memref_slice %arg6[%dma_wait3A_101, %dma_wait3A_102, %dma_wait3A_103] : memref<2x128x128xf32, #tpu.memory_space<vmem>> -> memref<1x128x128xf32, #tpu.memory_space<vmem>>
      %dma_wait3A_105 = tpu.memref_squeeze %dma_wait3A_104 : memref<1x128x128xf32, #tpu.memory_space<vmem>> -> memref<128x128xf32, #tpu.memory_space<vmem>>
      %dma_wait3A_106 = arith.constant 0 : i32
      %dma_wait3A_107 = tpu.memref_slice %arg5[%dma_wait3A_100, %dma_wait3A_106] : memref<10x128xi32, #tpu.memory_space<vmem>> -> memref<1x128xi32, #tpu.memory_space<vmem>>
      %dma_wait3A_108 = tpu.memref_squeeze %dma_wait3A_107 : memref<1x128xi32, #tpu.memory_space<vmem>> -> memref<128xi32, #tpu.memory_space<vmem>>
      %dma_wait3A_109 = arith.constant 0 : i32
      %dma_wait3A_110 = arith.constant 0 : i32
      %dma_wait3A_111 = tpu.memref_slice %arg2[%dma_wait3A_109, %dma_wait3A_110] : memref<100002x128xf32, #tpu.memory_space<hbm>> -> memref<100002x128xf32, #tpu.memory_space<hbm>>
      tpu.wait_indirect_dma semaphore(%arg7 : memref<!tpu.dma_semaphore, #tpu.memory_space<semaphore_mem>>) src(%dma_wait3A_111 : memref<100002x128xf32, #tpu.memory_space<hbm>>) dst(%dma_wait3A_105 : memref<128x128xf32, #tpu.memory_space<vmem>>)
      %add3A_112 = arith.constant 1 : i32
      %add3A_113 = arith.addi %mul3A_37, %add3A_112 : i32
      %mul3A_114 = arith.constant 128 : i32
      %mul3A_115 = arith.muli %add3A_113, %mul3A_114 : i32
      %add3A_116 = arith.addi %mul3A_2, %mul3A_115 : i32
      %dma_start3A_117 = arith.constant 1 : i32
      %dma_start3A_118 = arith.constant 0 : i32
      %dma_start3A_119 = arith.constant 0 : i32
      %dma_start3A_120 = tpu.memref_slice %arg6[%dma_start3A_117, %dma_start3A_118, %dma_start3A_119] : memref<2x128x128xf32, #tpu.memory_space<vmem>> -> memref<1x128x128xf32, #tpu.memory_space<vmem>>
      %dma_start3A_121 = tpu.memref_squeeze %dma_start3A_120 : memref<1x128x128xf32, #tpu.memory_space<vmem>> -> memref<128x128xf32, #tpu.memory_space<vmem>>
      %dma_start3A_122 = arith.constant 0 : i32
      %dma_start3A_123 = tpu.memref_slice %arg4[%add3A_116, %dma_start3A_122] : memref<40960x128xf32, #tpu.memory_space<hbm>> -> memref<128x128xf32, #tpu.memory_space<hbm>>
      %dma_start3A_124 = arith.constant 0 : i32
      %dma_start3A_125 = tpu.memref_slice %arg4[%add3A_116, %dma_start3A_124] : memref<40960x128xf32, #tpu.memory_space<hbm>> -> memref<128x128xf32, #tpu.memory_space<hbm>>
      %dma_start3A_126 = arith.constant 0 : i32
      %dma_start3A_127 = arith.constant 0 : i32
      %dma_start3A_128 = tpu.memref_slice %arg6[%dma_start3A_117, %dma_start3A_126, %dma_start3A_127] : memref<2x128x128xf32, #tpu.memory_space<vmem>> -> memref<1x128x128xf32, #tpu.memory_space<vmem>>
      %dma_start3A_129 = tpu.memref_squeeze %dma_start3A_128 : memref<1x128x128xf32, #tpu.memory_space<vmem>> -> memref<128x128xf32, #tpu.memory_space<vmem>>
      tpu.enqueue_dma source(%dma_start3A_129 : memref<128x128xf32, #tpu.memory_space<vmem>>) target(%dma_start3A_125 : memref<128x128xf32, #tpu.memory_space<hbm>>) target_semaphore(%arg8 : memref<!tpu.dma_semaphore, #tpu.memory_space<semaphore_mem>>)
      %scan3A_130 = arith.constant 0 : i32
      scf.yield %scan3A_130 : i32
    }
    %scan3A_19 = arith.constant 5 : i32
    %dma_wait3A = arith.constant 1 : i32
    %dma_wait3A_20 = arith.constant 0 : i32
    %dma_wait3A_21 = arith.constant 0 : i32
    %dma_wait3A_22 = tpu.memref_slice %arg6[%dma_wait3A, %dma_wait3A_20, %dma_wait3A_21] : memref<2x128x128xf32, #tpu.memory_space<vmem>> -> memref<1x128x128xf32, #tpu.memory_space<vmem>>
    %dma_wait3A_23 = tpu.memref_squeeze %dma_wait3A_22 : memref<1x128x128xf32, #tpu.memory_space<vmem>> -> memref<128x128xf32, #tpu.memory_space<vmem>>
    %dma_wait3A_24 = arith.constant 0 : i32
    %dma_wait3A_25 = arith.constant 0 : i32
    %dma_wait3A_26 = tpu.memref_slice %arg4[%dma_wait3A_24, %dma_wait3A_25] : memref<40960x128xf32, #tpu.memory_space<hbm>> -> memref<128x128xf32, #tpu.memory_space<hbm>>
    %dma_wait3A_27 = arith.constant 0 : i32
    %dma_wait3A_28 = arith.constant 0 : i32
    %dma_wait3A_29 = tpu.memref_slice %arg4[%dma_wait3A_27, %dma_wait3A_28] : memref<40960x128xf32, #tpu.memory_space<hbm>> -> memref<128x128xf32, #tpu.memory_space<hbm>>
    %dma_wait3A_30 = arith.constant 0 : i32
    %dma_wait3A_31 = arith.constant 0 : i32
    %dma_wait3A_32 = tpu.memref_slice %arg6[%dma_wait3A, %dma_wait3A_30, %dma_wait3A_31] : memref<2x128x128xf32, #tpu.memory_space<vmem>> -> memref<1x128x128xf32, #tpu.memory_space<vmem>>
    %dma_wait3A_33 = tpu.memref_squeeze %dma_wait3A_32 : memref<1x128x128xf32, #tpu.memory_space<vmem>> -> memref<128x128xf32, #tpu.memory_space<vmem>>
    tpu.wait_dma2 semaphore(%arg8 : memref<!tpu.dma_semaphore, #tpu.memory_space<semaphore_mem>>) src(%dma_wait3A_33 : memref<128x128xf32, #tpu.memory_space<vmem>>) dst(%dma_wait3A_29 : memref<128x128xf32, #tpu.memory_space<hbm>>)
    return
  }
}

#map = affine_map<(d0, d1) -> (0, 0)>
#map1 = affine_map<(d0, d1) -> (0, 0, 0)>
module attributes {stable_mosaic.version = 14 : i64} {
  func.func @gather_k(%arg0: i32, %arg1: i32, %arg2: memref<100002x128xf32, #tpu.memory_space<hbm>>, %arg3: memref<32x20x128xi32, #tpu.memory_space<hbm>>, %arg4: memref<81920x128xf32, #tpu.memory_space<hbm>>, %arg5: memref<20x128xi32, #tpu.memory_space<vmem>>, %arg6: memref<2x128x128xf32, #tpu.memory_space<vmem>>, %arg7: memref<!tpu.dma_semaphore, #tpu.memory_space<semaphore_mem>>, %arg8: memref<!tpu.dma_semaphore, #tpu.memory_space<semaphore_mem>>) attributes {dimension_semantics = [#tpu.dimension_semantics<core_parallel>, #tpu.dimension_semantics<subcore_parallel>], iteration_bounds = array<i64: 2, 16>, scalar_prefetch = 0 : i64, scratch_operands = 4 : i64, tpu.core_type = #tpu.core_type<sc_vector_subcore>, window_params = [{transform_indices = #map}, {transform_indices = #map1}, {transform_indices = #map}]} {
    %mul3A = arith.constant 2 : i32
    %mul3A_0 = arith.muli %arg1, %mul3A : i32
    %add3A = arith.addi %mul3A_0, %arg0 : i32
    %mul3A_1 = arith.constant 2560 : i32
    %mul3A_2 = arith.muli %add3A, %mul3A_1 : i32
    "tpu.region"() ({
      %run_scoped3A = tpu.sem_alloc : memref<!tpu.dma_semaphore, #tpu.memory_space<semaphore_mem>>
      %dma_start3A_34 = arith.constant 0 : i32
      %dma_start3A_35 = arith.constant 0 : i32
      %dma_start3A_36 = tpu.memref_slice %arg3[%add3A, %dma_start3A_34, %dma_start3A_35] : memref<32x20x128xi32, #tpu.memory_space<hbm>> -> memref<1x20x128xi32, #tpu.memory_space<hbm>>
      %dma_start3A_37 = tpu.memref_squeeze %dma_start3A_36 : memref<1x20x128xi32, #tpu.memory_space<hbm>> -> memref<20x128xi32, #tpu.memory_space<hbm>>
      %dma_start3A_38 = arith.constant 0 : i32
      %dma_start3A_39 = arith.constant 0 : i32
      %dma_start3A_40 = tpu.memref_slice %arg3[%add3A, %dma_start3A_38, %dma_start3A_39] : memref<32x20x128xi32, #tpu.memory_space<hbm>> -> memref<1x20x128xi32, #tpu.memory_space<hbm>>
      %dma_start3A_41 = tpu.memref_squeeze %dma_start3A_40 : memref<1x20x128xi32, #tpu.memory_space<hbm>> -> memref<20x128xi32, #tpu.memory_space<hbm>>
      tpu.enqueue_dma source(%dma_start3A_41 : memref<20x128xi32, #tpu.memory_space<hbm>>) target(%arg5 : memref<20x128xi32, #tpu.memory_space<vmem>>) target_semaphore(%run_scoped3A : memref<!tpu.dma_semaphore, #tpu.memory_space<semaphore_mem>>)
      %dma_wait3A_42 = arith.constant 0 : i32
      %dma_wait3A_43 = arith.constant 0 : i32
      %dma_wait3A_44 = tpu.memref_slice %arg3[%add3A, %dma_wait3A_42, %dma_wait3A_43] : memref<32x20x128xi32, #tpu.memory_space<hbm>> -> memref<1x20x128xi32, #tpu.memory_space<hbm>>
      %dma_wait3A_45 = tpu.memref_squeeze %dma_wait3A_44 : memref<1x20x128xi32, #tpu.memory_space<hbm>> -> memref<20x128xi32, #tpu.memory_space<hbm>>
      %dma_wait3A_46 = arith.constant 0 : i32
      %dma_wait3A_47 = arith.constant 0 : i32
      %dma_wait3A_48 = tpu.memref_slice %arg3[%add3A, %dma_wait3A_46, %dma_wait3A_47] : memref<32x20x128xi32, #tpu.memory_space<hbm>> -> memref<1x20x128xi32, #tpu.memory_space<hbm>>
      %dma_wait3A_49 = tpu.memref_squeeze %dma_wait3A_48 : memref<1x20x128xi32, #tpu.memory_space<hbm>> -> memref<20x128xi32, #tpu.memory_space<hbm>>
      tpu.wait_dma2 semaphore(%run_scoped3A : memref<!tpu.dma_semaphore, #tpu.memory_space<semaphore_mem>>) src(%dma_wait3A_49 : memref<20x128xi32, #tpu.memory_space<hbm>>) dst(%arg5 : memref<20x128xi32, #tpu.memory_space<vmem>>)
      tpu.yield
    }) : () -> ()
    %dma_start3A = arith.constant 0 : i32
    %dma_start3A_3 = arith.constant 0 : i32
    %dma_start3A_4 = arith.constant 0 : i32
    %dma_start3A_5 = arith.constant 0 : i32
    %dma_start3A_6 = tpu.memref_slice %arg6[%dma_start3A_3, %dma_start3A_4, %dma_start3A_5] : memref<2x128x128xf32, #tpu.memory_space<vmem>> -> memref<1x128x128xf32, #tpu.memory_space<vmem>>
    %dma_start3A_7 = tpu.memref_squeeze %dma_start3A_6 : memref<1x128x128xf32, #tpu.memory_space<vmem>> -> memref<128x128xf32, #tpu.memory_space<vmem>>
    %dma_start3A_8 = arith.constant 0 : i32
    %dma_start3A_9 = tpu.memref_slice %arg5[%dma_start3A, %dma_start3A_8] : memref<20x128xi32, #tpu.memory_space<vmem>> -> memref<1x128xi32, #tpu.memory_space<vmem>>
    %dma_start3A_10 = tpu.memref_squeeze %dma_start3A_9 : memref<1x128xi32, #tpu.memory_space<vmem>> -> memref<128xi32, #tpu.memory_space<vmem>>
    %dma_start3A_11 = arith.constant 0 : i32
    %dma_start3A_12 = arith.constant 0 : i32
    %dma_start3A_13 = tpu.memref_slice %arg2[%dma_start3A_11, %dma_start3A_12] : memref<100002x128xf32, #tpu.memory_space<hbm>> -> memref<100002x128xf32, #tpu.memory_space<hbm>>
    tpu.enqueue_indirect_dma source(%dma_start3A_13 : memref<100002x128xf32, #tpu.memory_space<hbm>>) target(%dma_start3A_7 : memref<128x128xf32, #tpu.memory_space<vmem>>) offsets(%dma_start3A_10 : memref<128xi32, #tpu.memory_space<vmem>>) semaphore(%arg7 : memref<!tpu.dma_semaphore, #tpu.memory_space<semaphore_mem>>)
    %scan3A = arith.constant 0 : i32
    %scan3A_14 = arith.constant 0 : i32
    %scan3A_15 = arith.constant 10 : i32
    %scan3A_16 = arith.addi %scan3A_14, %scan3A_15 : i32
    %scan3A_17 = arith.constant 1 : i32
    %scan3A_18 = scf.for %scan3A_34 = %scan3A_14 to %scan3A_16 step %scan3A_17 iter_args(%scan3A_35 = %scan3A) -> (i32)  : i32 {
      %mul3A_36 = arith.constant 2 : i32
      %mul3A_37 = arith.muli %mul3A_36, %scan3A_34 : i32
      %ge3A = arith.constant 1 : i32
      %ge3A_38 = arith.cmpi sge, %scan3A_34, %ge3A : i32
      %convert_element_type3A = arith.extui %ge3A_38 : i1 to i32
      %cond3A = arith.constant 0 : i32
      %cond3A_39 = arith.cmpi ne, %convert_element_type3A, %cond3A : i32
      scf.if %cond3A_39 {
        %dma_wait3A_131 = arith.constant 1 : i32
        %dma_wait3A_132 = arith.constant 0 : i32
        %dma_wait3A_133 = arith.constant 0 : i32
        %dma_wait3A_134 = tpu.memref_slice %arg6[%dma_wait3A_131, %dma_wait3A_132, %dma_wait3A_133] : memref<2x128x128xf32, #tpu.memory_space<vmem>> -> memref<1x128x128xf32, #tpu.memory_space<vmem>>
        %dma_wait3A_135 = tpu.memref_squeeze %dma_wait3A_134 : memref<1x128x128xf32, #tpu.memory_space<vmem>> -> memref<128x128xf32, #tpu.memory_space<vmem>>
        %dma_wait3A_136 = arith.constant 0 : i32
        %dma_wait3A_137 = arith.constant 0 : i32
        %dma_wait3A_138 = tpu.memref_slice %arg4[%dma_wait3A_136, %dma_wait3A_137] : memref<81920x128xf32, #tpu.memory_space<hbm>> -> memref<128x128xf32, #tpu.memory_space<hbm>>
        %dma_wait3A_139 = arith.constant 0 : i32
        %dma_wait3A_140 = arith.constant 0 : i32
        %dma_wait3A_141 = tpu.memref_slice %arg4[%dma_wait3A_139, %dma_wait3A_140] : memref<81920x128xf32, #tpu.memory_space<hbm>> -> memref<128x128xf32, #tpu.memory_space<hbm>>
        %dma_wait3A_142 = arith.constant 0 : i32
        %dma_wait3A_143 = arith.constant 0 : i32
        %dma_wait3A_144 = tpu.memref_slice %arg6[%dma_wait3A_131, %dma_wait3A_142, %dma_wait3A_143] : memref<2x128x128xf32, #tpu.memory_space<vmem>> -> memref<1x128x128xf32, #tpu.memory_space<vmem>>
        %dma_wait3A_145 = tpu.memref_squeeze %dma_wait3A_144 : memref<1x128x128xf32, #tpu.memory_space<vmem>> -> memref<128x128xf32, #tpu.memory_space<vmem>>
        tpu.wait_dma2 semaphore(%arg8 : memref<!tpu.dma_semaphore, #tpu.memory_space<semaphore_mem>>) src(%dma_wait3A_145 : memref<128x128xf32, #tpu.memory_space<vmem>>) dst(%dma_wait3A_141 : memref<128x128xf32, #tpu.memory_space<hbm>>)
      } else {
      }
      %add3A_40 = arith.constant 1 : i32
      %add3A_41 = arith.addi %mul3A_37, %add3A_40 : i32
      %dma_start3A_42 = arith.constant 1 : i32
      %dma_start3A_43 = arith.constant 0 : i32
      %dma_start3A_44 = arith.constant 0 : i32
      %dma_start3A_45 = tpu.memref_slice %arg6[%dma_start3A_42, %dma_start3A_43, %dma_start3A_44] : memref<2x128x128xf32, #tpu.memory_space<vmem>> -> memref<1x128x128xf32, #tpu.memory_space<vmem>>
      %dma_start3A_46 = tpu.memref_squeeze %dma_start3A_45 : memref<1x128x128xf32, #tpu.memory_space<vmem>> -> memref<128x128xf32, #tpu.memory_space<vmem>>
      %dma_start3A_47 = arith.constant 0 : i32
      %dma_start3A_48 = tpu.memref_slice %arg5[%add3A_41, %dma_start3A_47] : memref<20x128xi32, #tpu.memory_space<vmem>> -> memref<1x128xi32, #tpu.memory_space<vmem>>
      %dma_start3A_49 = tpu.memref_squeeze %dma_start3A_48 : memref<1x128xi32, #tpu.memory_space<vmem>> -> memref<128xi32, #tpu.memory_space<vmem>>
      %dma_start3A_50 = arith.constant 0 : i32
      %dma_start3A_51 = arith.constant 0 : i32
      %dma_start3A_52 = tpu.memref_slice %arg2[%dma_start3A_50, %dma_start3A_51] : memref<100002x128xf32, #tpu.memory_space<hbm>> -> memref<100002x128xf32, #tpu.memory_space<hbm>>
      tpu.enqueue_indirect_dma source(%dma_start3A_52 : memref<100002x128xf32, #tpu.memory_space<hbm>>) target(%dma_start3A_46 : memref<128x128xf32, #tpu.memory_space<vmem>>) offsets(%dma_start3A_49 : memref<128xi32, #tpu.memory_space<vmem>>) semaphore(%arg7 : memref<!tpu.dma_semaphore, #tpu.memory_space<semaphore_mem>>)
      %dma_wait3A_53 = arith.constant 0 : i32
      %dma_wait3A_54 = arith.constant 0 : i32
      %dma_wait3A_55 = arith.constant 0 : i32
      %dma_wait3A_56 = arith.constant 0 : i32
      %dma_wait3A_57 = tpu.memref_slice %arg6[%dma_wait3A_54, %dma_wait3A_55, %dma_wait3A_56] : memref<2x128x128xf32, #tpu.memory_space<vmem>> -> memref<1x128x128xf32, #tpu.memory_space<vmem>>
      %dma_wait3A_58 = tpu.memref_squeeze %dma_wait3A_57 : memref<1x128x128xf32, #tpu.memory_space<vmem>> -> memref<128x128xf32, #tpu.memory_space<vmem>>
      %dma_wait3A_59 = arith.constant 0 : i32
      %dma_wait3A_60 = tpu.memref_slice %arg5[%dma_wait3A_53, %dma_wait3A_59] : memref<20x128xi32, #tpu.memory_space<vmem>> -> memref<1x128xi32, #tpu.memory_space<vmem>>
      %dma_wait3A_61 = tpu.memref_squeeze %dma_wait3A_60 : memref<1x128xi32, #tpu.memory_space<vmem>> -> memref<128xi32, #tpu.memory_space<vmem>>
      %dma_wait3A_62 = arith.constant 0 : i32
      %dma_wait3A_63 = arith.constant 0 : i32
      %dma_wait3A_64 = tpu.memref_slice %arg2[%dma_wait3A_62, %dma_wait3A_63] : memref<100002x128xf32, #tpu.memory_space<hbm>> -> memref<100002x128xf32, #tpu.memory_space<hbm>>
      tpu.wait_indirect_dma semaphore(%arg7 : memref<!tpu.dma_semaphore, #tpu.memory_space<semaphore_mem>>) src(%dma_wait3A_64 : memref<100002x128xf32, #tpu.memory_space<hbm>>) dst(%dma_wait3A_58 : memref<128x128xf32, #tpu.memory_space<vmem>>)
      %mul3A_65 = arith.constant 128 : i32
      %mul3A_66 = arith.muli %mul3A_37, %mul3A_65 : i32
      %add3A_67 = arith.addi %mul3A_2, %mul3A_66 : i32
      %dma_start3A_68 = arith.constant 0 : i32
      %dma_start3A_69 = arith.constant 0 : i32
      %dma_start3A_70 = arith.constant 0 : i32
      %dma_start3A_71 = tpu.memref_slice %arg6[%dma_start3A_68, %dma_start3A_69, %dma_start3A_70] : memref<2x128x128xf32, #tpu.memory_space<vmem>> -> memref<1x128x128xf32, #tpu.memory_space<vmem>>
      %dma_start3A_72 = tpu.memref_squeeze %dma_start3A_71 : memref<1x128x128xf32, #tpu.memory_space<vmem>> -> memref<128x128xf32, #tpu.memory_space<vmem>>
      %dma_start3A_73 = arith.constant 0 : i32
      %dma_start3A_74 = tpu.memref_slice %arg4[%add3A_67, %dma_start3A_73] : memref<81920x128xf32, #tpu.memory_space<hbm>> -> memref<128x128xf32, #tpu.memory_space<hbm>>
      %dma_start3A_75 = arith.constant 0 : i32
      %dma_start3A_76 = tpu.memref_slice %arg4[%add3A_67, %dma_start3A_75] : memref<81920x128xf32, #tpu.memory_space<hbm>> -> memref<128x128xf32, #tpu.memory_space<hbm>>
      %dma_start3A_77 = arith.constant 0 : i32
      %dma_start3A_78 = arith.constant 0 : i32
      %dma_start3A_79 = tpu.memref_slice %arg6[%dma_start3A_68, %dma_start3A_77, %dma_start3A_78] : memref<2x128x128xf32, #tpu.memory_space<vmem>> -> memref<1x128x128xf32, #tpu.memory_space<vmem>>
      %dma_start3A_80 = tpu.memref_squeeze %dma_start3A_79 : memref<1x128x128xf32, #tpu.memory_space<vmem>> -> memref<128x128xf32, #tpu.memory_space<vmem>>
      tpu.enqueue_dma source(%dma_start3A_80 : memref<128x128xf32, #tpu.memory_space<vmem>>) target(%dma_start3A_76 : memref<128x128xf32, #tpu.memory_space<hbm>>) target_semaphore(%arg8 : memref<!tpu.dma_semaphore, #tpu.memory_space<semaphore_mem>>)
      %dma_wait3A_81 = arith.constant 0 : i32
      %dma_wait3A_82 = arith.constant 0 : i32
      %dma_wait3A_83 = arith.constant 0 : i32
      %dma_wait3A_84 = tpu.memref_slice %arg6[%dma_wait3A_81, %dma_wait3A_82, %dma_wait3A_83] : memref<2x128x128xf32, #tpu.memory_space<vmem>> -> memref<1x128x128xf32, #tpu.memory_space<vmem>>
      %dma_wait3A_85 = tpu.memref_squeeze %dma_wait3A_84 : memref<1x128x128xf32, #tpu.memory_space<vmem>> -> memref<128x128xf32, #tpu.memory_space<vmem>>
      %dma_wait3A_86 = arith.constant 0 : i32
      %dma_wait3A_87 = arith.constant 0 : i32
      %dma_wait3A_88 = tpu.memref_slice %arg4[%dma_wait3A_86, %dma_wait3A_87] : memref<81920x128xf32, #tpu.memory_space<hbm>> -> memref<128x128xf32, #tpu.memory_space<hbm>>
      %dma_wait3A_89 = arith.constant 0 : i32
      %dma_wait3A_90 = arith.constant 0 : i32
      %dma_wait3A_91 = tpu.memref_slice %arg4[%dma_wait3A_89, %dma_wait3A_90] : memref<81920x128xf32, #tpu.memory_space<hbm>> -> memref<128x128xf32, #tpu.memory_space<hbm>>
      %dma_wait3A_92 = arith.constant 0 : i32
      %dma_wait3A_93 = arith.constant 0 : i32
      %dma_wait3A_94 = tpu.memref_slice %arg6[%dma_wait3A_81, %dma_wait3A_92, %dma_wait3A_93] : memref<2x128x128xf32, #tpu.memory_space<vmem>> -> memref<1x128x128xf32, #tpu.memory_space<vmem>>
      %dma_wait3A_95 = tpu.memref_squeeze %dma_wait3A_94 : memref<1x128x128xf32, #tpu.memory_space<vmem>> -> memref<128x128xf32, #tpu.memory_space<vmem>>
      tpu.wait_dma2 semaphore(%arg8 : memref<!tpu.dma_semaphore, #tpu.memory_space<semaphore_mem>>) src(%dma_wait3A_95 : memref<128x128xf32, #tpu.memory_space<vmem>>) dst(%dma_wait3A_91 : memref<128x128xf32, #tpu.memory_space<hbm>>)
      %lt3A = arith.constant 9 : i32
      %lt3A_96 = arith.cmpi slt, %scan3A_34, %lt3A : i32
      %convert_element_type3A_97 = arith.extui %lt3A_96 : i1 to i32
      %cond3A_98 = arith.constant 0 : i32
      %cond3A_99 = arith.cmpi ne, %convert_element_type3A_97, %cond3A_98 : i32
      scf.if %cond3A_99 {
        %add3A_131 = arith.constant 2 : i32
        %add3A_132 = arith.addi %mul3A_37, %add3A_131 : i32
        %dma_start3A_133 = arith.constant 0 : i32
        %dma_start3A_134 = arith.constant 0 : i32
        %dma_start3A_135 = arith.constant 0 : i32
        %dma_start3A_136 = tpu.memref_slice %arg6[%dma_start3A_133, %dma_start3A_134, %dma_start3A_135] : memref<2x128x128xf32, #tpu.memory_space<vmem>> -> memref<1x128x128xf32, #tpu.memory_space<vmem>>
        %dma_start3A_137 = tpu.memref_squeeze %dma_start3A_136 : memref<1x128x128xf32, #tpu.memory_space<vmem>> -> memref<128x128xf32, #tpu.memory_space<vmem>>
        %dma_start3A_138 = arith.constant 0 : i32
        %dma_start3A_139 = tpu.memref_slice %arg5[%add3A_132, %dma_start3A_138] : memref<20x128xi32, #tpu.memory_space<vmem>> -> memref<1x128xi32, #tpu.memory_space<vmem>>
        %dma_start3A_140 = tpu.memref_squeeze %dma_start3A_139 : memref<1x128xi32, #tpu.memory_space<vmem>> -> memref<128xi32, #tpu.memory_space<vmem>>
        %dma_start3A_141 = arith.constant 0 : i32
        %dma_start3A_142 = arith.constant 0 : i32
        %dma_start3A_143 = tpu.memref_slice %arg2[%dma_start3A_141, %dma_start3A_142] : memref<100002x128xf32, #tpu.memory_space<hbm>> -> memref<100002x128xf32, #tpu.memory_space<hbm>>
        tpu.enqueue_indirect_dma source(%dma_start3A_143 : memref<100002x128xf32, #tpu.memory_space<hbm>>) target(%dma_start3A_137 : memref<128x128xf32, #tpu.memory_space<vmem>>) offsets(%dma_start3A_140 : memref<128xi32, #tpu.memory_space<vmem>>) semaphore(%arg7 : memref<!tpu.dma_semaphore, #tpu.memory_space<semaphore_mem>>)
      } else {
      }
      %dma_wait3A_100 = arith.constant 0 : i32
      %dma_wait3A_101 = arith.constant 1 : i32
      %dma_wait3A_102 = arith.constant 0 : i32
      %dma_wait3A_103 = arith.constant 0 : i32
      %dma_wait3A_104 = tpu.memref_slice %arg6[%dma_wait3A_101, %dma_wait3A_102, %dma_wait3A_103] : memref<2x128x128xf32, #tpu.memory_space<vmem>> -> memref<1x128x128xf32, #tpu.memory_space<vmem>>
      %dma_wait3A_105 = tpu.memref_squeeze %dma_wait3A_104 : memref<1x128x128xf32, #tpu.memory_space<vmem>> -> memref<128x128xf32, #tpu.memory_space<vmem>>
      %dma_wait3A_106 = arith.constant 0 : i32
      %dma_wait3A_107 = tpu.memref_slice %arg5[%dma_wait3A_100, %dma_wait3A_106] : memref<20x128xi32, #tpu.memory_space<vmem>> -> memref<1x128xi32, #tpu.memory_space<vmem>>
      %dma_wait3A_108 = tpu.memref_squeeze %dma_wait3A_107 : memref<1x128xi32, #tpu.memory_space<vmem>> -> memref<128xi32, #tpu.memory_space<vmem>>
      %dma_wait3A_109 = arith.constant 0 : i32
      %dma_wait3A_110 = arith.constant 0 : i32
      %dma_wait3A_111 = tpu.memref_slice %arg2[%dma_wait3A_109, %dma_wait3A_110] : memref<100002x128xf32, #tpu.memory_space<hbm>> -> memref<100002x128xf32, #tpu.memory_space<hbm>>
      tpu.wait_indirect_dma semaphore(%arg7 : memref<!tpu.dma_semaphore, #tpu.memory_space<semaphore_mem>>) src(%dma_wait3A_111 : memref<100002x128xf32, #tpu.memory_space<hbm>>) dst(%dma_wait3A_105 : memref<128x128xf32, #tpu.memory_space<vmem>>)
      %add3A_112 = arith.constant 1 : i32
      %add3A_113 = arith.addi %mul3A_37, %add3A_112 : i32
      %mul3A_114 = arith.constant 128 : i32
      %mul3A_115 = arith.muli %add3A_113, %mul3A_114 : i32
      %add3A_116 = arith.addi %mul3A_2, %mul3A_115 : i32
      %dma_start3A_117 = arith.constant 1 : i32
      %dma_start3A_118 = arith.constant 0 : i32
      %dma_start3A_119 = arith.constant 0 : i32
      %dma_start3A_120 = tpu.memref_slice %arg6[%dma_start3A_117, %dma_start3A_118, %dma_start3A_119] : memref<2x128x128xf32, #tpu.memory_space<vmem>> -> memref<1x128x128xf32, #tpu.memory_space<vmem>>
      %dma_start3A_121 = tpu.memref_squeeze %dma_start3A_120 : memref<1x128x128xf32, #tpu.memory_space<vmem>> -> memref<128x128xf32, #tpu.memory_space<vmem>>
      %dma_start3A_122 = arith.constant 0 : i32
      %dma_start3A_123 = tpu.memref_slice %arg4[%add3A_116, %dma_start3A_122] : memref<81920x128xf32, #tpu.memory_space<hbm>> -> memref<128x128xf32, #tpu.memory_space<hbm>>
      %dma_start3A_124 = arith.constant 0 : i32
      %dma_start3A_125 = tpu.memref_slice %arg4[%add3A_116, %dma_start3A_124] : memref<81920x128xf32, #tpu.memory_space<hbm>> -> memref<128x128xf32, #tpu.memory_space<hbm>>
      %dma_start3A_126 = arith.constant 0 : i32
      %dma_start3A_127 = arith.constant 0 : i32
      %dma_start3A_128 = tpu.memref_slice %arg6[%dma_start3A_117, %dma_start3A_126, %dma_start3A_127] : memref<2x128x128xf32, #tpu.memory_space<vmem>> -> memref<1x128x128xf32, #tpu.memory_space<vmem>>
      %dma_start3A_129 = tpu.memref_squeeze %dma_start3A_128 : memref<1x128x128xf32, #tpu.memory_space<vmem>> -> memref<128x128xf32, #tpu.memory_space<vmem>>
      tpu.enqueue_dma source(%dma_start3A_129 : memref<128x128xf32, #tpu.memory_space<vmem>>) target(%dma_start3A_125 : memref<128x128xf32, #tpu.memory_space<hbm>>) target_semaphore(%arg8 : memref<!tpu.dma_semaphore, #tpu.memory_space<semaphore_mem>>)
      %scan3A_130 = arith.constant 0 : i32
      scf.yield %scan3A_130 : i32
    }
    %scan3A_19 = arith.constant 10 : i32
    %dma_wait3A = arith.constant 1 : i32
    %dma_wait3A_20 = arith.constant 0 : i32
    %dma_wait3A_21 = arith.constant 0 : i32
    %dma_wait3A_22 = tpu.memref_slice %arg6[%dma_wait3A, %dma_wait3A_20, %dma_wait3A_21] : memref<2x128x128xf32, #tpu.memory_space<vmem>> -> memref<1x128x128xf32, #tpu.memory_space<vmem>>
    %dma_wait3A_23 = tpu.memref_squeeze %dma_wait3A_22 : memref<1x128x128xf32, #tpu.memory_space<vmem>> -> memref<128x128xf32, #tpu.memory_space<vmem>>
    %dma_wait3A_24 = arith.constant 0 : i32
    %dma_wait3A_25 = arith.constant 0 : i32
    %dma_wait3A_26 = tpu.memref_slice %arg4[%dma_wait3A_24, %dma_wait3A_25] : memref<81920x128xf32, #tpu.memory_space<hbm>> -> memref<128x128xf32, #tpu.memory_space<hbm>>
    %dma_wait3A_27 = arith.constant 0 : i32
    %dma_wait3A_28 = arith.constant 0 : i32
    %dma_wait3A_29 = tpu.memref_slice %arg4[%dma_wait3A_27, %dma_wait3A_28] : memref<81920x128xf32, #tpu.memory_space<hbm>> -> memref<128x128xf32, #tpu.memory_space<hbm>>
    %dma_wait3A_30 = arith.constant 0 : i32
    %dma_wait3A_31 = arith.constant 0 : i32
    %dma_wait3A_32 = tpu.memref_slice %arg6[%dma_wait3A, %dma_wait3A_30, %dma_wait3A_31] : memref<2x128x128xf32, #tpu.memory_space<vmem>> -> memref<1x128x128xf32, #tpu.memory_space<vmem>>
    %dma_wait3A_33 = tpu.memref_squeeze %dma_wait3A_32 : memref<1x128x128xf32, #tpu.memory_space<vmem>> -> memref<128x128xf32, #tpu.memory_space<vmem>>
    tpu.wait_dma2 semaphore(%arg8 : memref<!tpu.dma_semaphore, #tpu.memory_space<semaphore_mem>>) src(%dma_wait3A_33 : memref<128x128xf32, #tpu.memory_space<vmem>>) dst(%dma_wait3A_29 : memref<128x128xf32, #tpu.memory_space<hbm>>)
    return
  }
}

#map = affine_map<(d0, d1) -> (0, 0)>
#map1 = affine_map<(d0, d1) -> (0, 0, 0)>
module attributes {stable_mosaic.version = 14 : i64} {
  func.func @gather_k(%arg0: i32, %arg1: i32, %arg2: memref<100002x128xf32, #tpu.memory_space<hbm>>, %arg3: memref<32x16x128xi32, #tpu.memory_space<hbm>>, %arg4: memref<65536x128xf32, #tpu.memory_space<hbm>>, %arg5: memref<16x128xi32, #tpu.memory_space<vmem>>, %arg6: memref<2x128x128xf32, #tpu.memory_space<vmem>>, %arg7: memref<!tpu.dma_semaphore, #tpu.memory_space<semaphore_mem>>, %arg8: memref<!tpu.dma_semaphore, #tpu.memory_space<semaphore_mem>>) attributes {dimension_semantics = [#tpu.dimension_semantics<core_parallel>, #tpu.dimension_semantics<subcore_parallel>], iteration_bounds = array<i64: 2, 16>, scalar_prefetch = 0 : i64, scratch_operands = 4 : i64, tpu.core_type = #tpu.core_type<sc_vector_subcore>, window_params = [{transform_indices = #map}, {transform_indices = #map1}, {transform_indices = #map}]} {
    %mul3A = arith.constant 2 : i32
    %mul3A_0 = arith.muli %arg1, %mul3A : i32
    %add3A = arith.addi %mul3A_0, %arg0 : i32
    %mul3A_1 = arith.constant 2048 : i32
    %mul3A_2 = arith.muli %add3A, %mul3A_1 : i32
    "tpu.region"() ({
      %run_scoped3A = tpu.sem_alloc : memref<!tpu.dma_semaphore, #tpu.memory_space<semaphore_mem>>
      %dma_start3A_34 = arith.constant 0 : i32
      %dma_start3A_35 = arith.constant 0 : i32
      %dma_start3A_36 = tpu.memref_slice %arg3[%add3A, %dma_start3A_34, %dma_start3A_35] : memref<32x16x128xi32, #tpu.memory_space<hbm>> -> memref<1x16x128xi32, #tpu.memory_space<hbm>>
      %dma_start3A_37 = tpu.memref_squeeze %dma_start3A_36 : memref<1x16x128xi32, #tpu.memory_space<hbm>> -> memref<16x128xi32, #tpu.memory_space<hbm>>
      %dma_start3A_38 = arith.constant 0 : i32
      %dma_start3A_39 = arith.constant 0 : i32
      %dma_start3A_40 = tpu.memref_slice %arg3[%add3A, %dma_start3A_38, %dma_start3A_39] : memref<32x16x128xi32, #tpu.memory_space<hbm>> -> memref<1x16x128xi32, #tpu.memory_space<hbm>>
      %dma_start3A_41 = tpu.memref_squeeze %dma_start3A_40 : memref<1x16x128xi32, #tpu.memory_space<hbm>> -> memref<16x128xi32, #tpu.memory_space<hbm>>
      tpu.enqueue_dma source(%dma_start3A_41 : memref<16x128xi32, #tpu.memory_space<hbm>>) target(%arg5 : memref<16x128xi32, #tpu.memory_space<vmem>>) target_semaphore(%run_scoped3A : memref<!tpu.dma_semaphore, #tpu.memory_space<semaphore_mem>>)
      %dma_wait3A_42 = arith.constant 0 : i32
      %dma_wait3A_43 = arith.constant 0 : i32
      %dma_wait3A_44 = tpu.memref_slice %arg3[%add3A, %dma_wait3A_42, %dma_wait3A_43] : memref<32x16x128xi32, #tpu.memory_space<hbm>> -> memref<1x16x128xi32, #tpu.memory_space<hbm>>
      %dma_wait3A_45 = tpu.memref_squeeze %dma_wait3A_44 : memref<1x16x128xi32, #tpu.memory_space<hbm>> -> memref<16x128xi32, #tpu.memory_space<hbm>>
      %dma_wait3A_46 = arith.constant 0 : i32
      %dma_wait3A_47 = arith.constant 0 : i32
      %dma_wait3A_48 = tpu.memref_slice %arg3[%add3A, %dma_wait3A_46, %dma_wait3A_47] : memref<32x16x128xi32, #tpu.memory_space<hbm>> -> memref<1x16x128xi32, #tpu.memory_space<hbm>>
      %dma_wait3A_49 = tpu.memref_squeeze %dma_wait3A_48 : memref<1x16x128xi32, #tpu.memory_space<hbm>> -> memref<16x128xi32, #tpu.memory_space<hbm>>
      tpu.wait_dma2 semaphore(%run_scoped3A : memref<!tpu.dma_semaphore, #tpu.memory_space<semaphore_mem>>) src(%dma_wait3A_49 : memref<16x128xi32, #tpu.memory_space<hbm>>) dst(%arg5 : memref<16x128xi32, #tpu.memory_space<vmem>>)
      tpu.yield
    }) : () -> ()
    %dma_start3A = arith.constant 0 : i32
    %dma_start3A_3 = arith.constant 0 : i32
    %dma_start3A_4 = arith.constant 0 : i32
    %dma_start3A_5 = arith.constant 0 : i32
    %dma_start3A_6 = tpu.memref_slice %arg6[%dma_start3A_3, %dma_start3A_4, %dma_start3A_5] : memref<2x128x128xf32, #tpu.memory_space<vmem>> -> memref<1x128x128xf32, #tpu.memory_space<vmem>>
    %dma_start3A_7 = tpu.memref_squeeze %dma_start3A_6 : memref<1x128x128xf32, #tpu.memory_space<vmem>> -> memref<128x128xf32, #tpu.memory_space<vmem>>
    %dma_start3A_8 = arith.constant 0 : i32
    %dma_start3A_9 = tpu.memref_slice %arg5[%dma_start3A, %dma_start3A_8] : memref<16x128xi32, #tpu.memory_space<vmem>> -> memref<1x128xi32, #tpu.memory_space<vmem>>
    %dma_start3A_10 = tpu.memref_squeeze %dma_start3A_9 : memref<1x128xi32, #tpu.memory_space<vmem>> -> memref<128xi32, #tpu.memory_space<vmem>>
    %dma_start3A_11 = arith.constant 0 : i32
    %dma_start3A_12 = arith.constant 0 : i32
    %dma_start3A_13 = tpu.memref_slice %arg2[%dma_start3A_11, %dma_start3A_12] : memref<100002x128xf32, #tpu.memory_space<hbm>> -> memref<100002x128xf32, #tpu.memory_space<hbm>>
    tpu.enqueue_indirect_dma source(%dma_start3A_13 : memref<100002x128xf32, #tpu.memory_space<hbm>>) target(%dma_start3A_7 : memref<128x128xf32, #tpu.memory_space<vmem>>) offsets(%dma_start3A_10 : memref<128xi32, #tpu.memory_space<vmem>>) semaphore(%arg7 : memref<!tpu.dma_semaphore, #tpu.memory_space<semaphore_mem>>)
    %scan3A = arith.constant 0 : i32
    %scan3A_14 = arith.constant 0 : i32
    %scan3A_15 = arith.constant 8 : i32
    %scan3A_16 = arith.addi %scan3A_14, %scan3A_15 : i32
    %scan3A_17 = arith.constant 1 : i32
    %scan3A_18 = scf.for %scan3A_34 = %scan3A_14 to %scan3A_16 step %scan3A_17 iter_args(%scan3A_35 = %scan3A) -> (i32)  : i32 {
      %mul3A_36 = arith.constant 2 : i32
      %mul3A_37 = arith.muli %mul3A_36, %scan3A_34 : i32
      %ge3A = arith.constant 1 : i32
      %ge3A_38 = arith.cmpi sge, %scan3A_34, %ge3A : i32
      %convert_element_type3A = arith.extui %ge3A_38 : i1 to i32
      %cond3A = arith.constant 0 : i32
      %cond3A_39 = arith.cmpi ne, %convert_element_type3A, %cond3A : i32
      scf.if %cond3A_39 {
        %dma_wait3A_131 = arith.constant 1 : i32
        %dma_wait3A_132 = arith.constant 0 : i32
        %dma_wait3A_133 = arith.constant 0 : i32
        %dma_wait3A_134 = tpu.memref_slice %arg6[%dma_wait3A_131, %dma_wait3A_132, %dma_wait3A_133] : memref<2x128x128xf32, #tpu.memory_space<vmem>> -> memref<1x128x128xf32, #tpu.memory_space<vmem>>
        %dma_wait3A_135 = tpu.memref_squeeze %dma_wait3A_134 : memref<1x128x128xf32, #tpu.memory_space<vmem>> -> memref<128x128xf32, #tpu.memory_space<vmem>>
        %dma_wait3A_136 = arith.constant 0 : i32
        %dma_wait3A_137 = arith.constant 0 : i32
        %dma_wait3A_138 = tpu.memref_slice %arg4[%dma_wait3A_136, %dma_wait3A_137] : memref<65536x128xf32, #tpu.memory_space<hbm>> -> memref<128x128xf32, #tpu.memory_space<hbm>>
        %dma_wait3A_139 = arith.constant 0 : i32
        %dma_wait3A_140 = arith.constant 0 : i32
        %dma_wait3A_141 = tpu.memref_slice %arg4[%dma_wait3A_139, %dma_wait3A_140] : memref<65536x128xf32, #tpu.memory_space<hbm>> -> memref<128x128xf32, #tpu.memory_space<hbm>>
        %dma_wait3A_142 = arith.constant 0 : i32
        %dma_wait3A_143 = arith.constant 0 : i32
        %dma_wait3A_144 = tpu.memref_slice %arg6[%dma_wait3A_131, %dma_wait3A_142, %dma_wait3A_143] : memref<2x128x128xf32, #tpu.memory_space<vmem>> -> memref<1x128x128xf32, #tpu.memory_space<vmem>>
        %dma_wait3A_145 = tpu.memref_squeeze %dma_wait3A_144 : memref<1x128x128xf32, #tpu.memory_space<vmem>> -> memref<128x128xf32, #tpu.memory_space<vmem>>
        tpu.wait_dma2 semaphore(%arg8 : memref<!tpu.dma_semaphore, #tpu.memory_space<semaphore_mem>>) src(%dma_wait3A_145 : memref<128x128xf32, #tpu.memory_space<vmem>>) dst(%dma_wait3A_141 : memref<128x128xf32, #tpu.memory_space<hbm>>)
      } else {
      }
      %add3A_40 = arith.constant 1 : i32
      %add3A_41 = arith.addi %mul3A_37, %add3A_40 : i32
      %dma_start3A_42 = arith.constant 1 : i32
      %dma_start3A_43 = arith.constant 0 : i32
      %dma_start3A_44 = arith.constant 0 : i32
      %dma_start3A_45 = tpu.memref_slice %arg6[%dma_start3A_42, %dma_start3A_43, %dma_start3A_44] : memref<2x128x128xf32, #tpu.memory_space<vmem>> -> memref<1x128x128xf32, #tpu.memory_space<vmem>>
      %dma_start3A_46 = tpu.memref_squeeze %dma_start3A_45 : memref<1x128x128xf32, #tpu.memory_space<vmem>> -> memref<128x128xf32, #tpu.memory_space<vmem>>
      %dma_start3A_47 = arith.constant 0 : i32
      %dma_start3A_48 = tpu.memref_slice %arg5[%add3A_41, %dma_start3A_47] : memref<16x128xi32, #tpu.memory_space<vmem>> -> memref<1x128xi32, #tpu.memory_space<vmem>>
      %dma_start3A_49 = tpu.memref_squeeze %dma_start3A_48 : memref<1x128xi32, #tpu.memory_space<vmem>> -> memref<128xi32, #tpu.memory_space<vmem>>
      %dma_start3A_50 = arith.constant 0 : i32
      %dma_start3A_51 = arith.constant 0 : i32
      %dma_start3A_52 = tpu.memref_slice %arg2[%dma_start3A_50, %dma_start3A_51] : memref<100002x128xf32, #tpu.memory_space<hbm>> -> memref<100002x128xf32, #tpu.memory_space<hbm>>
      tpu.enqueue_indirect_dma source(%dma_start3A_52 : memref<100002x128xf32, #tpu.memory_space<hbm>>) target(%dma_start3A_46 : memref<128x128xf32, #tpu.memory_space<vmem>>) offsets(%dma_start3A_49 : memref<128xi32, #tpu.memory_space<vmem>>) semaphore(%arg7 : memref<!tpu.dma_semaphore, #tpu.memory_space<semaphore_mem>>)
      %dma_wait3A_53 = arith.constant 0 : i32
      %dma_wait3A_54 = arith.constant 0 : i32
      %dma_wait3A_55 = arith.constant 0 : i32
      %dma_wait3A_56 = arith.constant 0 : i32
      %dma_wait3A_57 = tpu.memref_slice %arg6[%dma_wait3A_54, %dma_wait3A_55, %dma_wait3A_56] : memref<2x128x128xf32, #tpu.memory_space<vmem>> -> memref<1x128x128xf32, #tpu.memory_space<vmem>>
      %dma_wait3A_58 = tpu.memref_squeeze %dma_wait3A_57 : memref<1x128x128xf32, #tpu.memory_space<vmem>> -> memref<128x128xf32, #tpu.memory_space<vmem>>
      %dma_wait3A_59 = arith.constant 0 : i32
      %dma_wait3A_60 = tpu.memref_slice %arg5[%dma_wait3A_53, %dma_wait3A_59] : memref<16x128xi32, #tpu.memory_space<vmem>> -> memref<1x128xi32, #tpu.memory_space<vmem>>
      %dma_wait3A_61 = tpu.memref_squeeze %dma_wait3A_60 : memref<1x128xi32, #tpu.memory_space<vmem>> -> memref<128xi32, #tpu.memory_space<vmem>>
      %dma_wait3A_62 = arith.constant 0 : i32
      %dma_wait3A_63 = arith.constant 0 : i32
      %dma_wait3A_64 = tpu.memref_slice %arg2[%dma_wait3A_62, %dma_wait3A_63] : memref<100002x128xf32, #tpu.memory_space<hbm>> -> memref<100002x128xf32, #tpu.memory_space<hbm>>
      tpu.wait_indirect_dma semaphore(%arg7 : memref<!tpu.dma_semaphore, #tpu.memory_space<semaphore_mem>>) src(%dma_wait3A_64 : memref<100002x128xf32, #tpu.memory_space<hbm>>) dst(%dma_wait3A_58 : memref<128x128xf32, #tpu.memory_space<vmem>>)
      %mul3A_65 = arith.constant 128 : i32
      %mul3A_66 = arith.muli %mul3A_37, %mul3A_65 : i32
      %add3A_67 = arith.addi %mul3A_2, %mul3A_66 : i32
      %dma_start3A_68 = arith.constant 0 : i32
      %dma_start3A_69 = arith.constant 0 : i32
      %dma_start3A_70 = arith.constant 0 : i32
      %dma_start3A_71 = tpu.memref_slice %arg6[%dma_start3A_68, %dma_start3A_69, %dma_start3A_70] : memref<2x128x128xf32, #tpu.memory_space<vmem>> -> memref<1x128x128xf32, #tpu.memory_space<vmem>>
      %dma_start3A_72 = tpu.memref_squeeze %dma_start3A_71 : memref<1x128x128xf32, #tpu.memory_space<vmem>> -> memref<128x128xf32, #tpu.memory_space<vmem>>
      %dma_start3A_73 = arith.constant 0 : i32
      %dma_start3A_74 = tpu.memref_slice %arg4[%add3A_67, %dma_start3A_73] : memref<65536x128xf32, #tpu.memory_space<hbm>> -> memref<128x128xf32, #tpu.memory_space<hbm>>
      %dma_start3A_75 = arith.constant 0 : i32
      %dma_start3A_76 = tpu.memref_slice %arg4[%add3A_67, %dma_start3A_75] : memref<65536x128xf32, #tpu.memory_space<hbm>> -> memref<128x128xf32, #tpu.memory_space<hbm>>
      %dma_start3A_77 = arith.constant 0 : i32
      %dma_start3A_78 = arith.constant 0 : i32
      %dma_start3A_79 = tpu.memref_slice %arg6[%dma_start3A_68, %dma_start3A_77, %dma_start3A_78] : memref<2x128x128xf32, #tpu.memory_space<vmem>> -> memref<1x128x128xf32, #tpu.memory_space<vmem>>
      %dma_start3A_80 = tpu.memref_squeeze %dma_start3A_79 : memref<1x128x128xf32, #tpu.memory_space<vmem>> -> memref<128x128xf32, #tpu.memory_space<vmem>>
      tpu.enqueue_dma source(%dma_start3A_80 : memref<128x128xf32, #tpu.memory_space<vmem>>) target(%dma_start3A_76 : memref<128x128xf32, #tpu.memory_space<hbm>>) target_semaphore(%arg8 : memref<!tpu.dma_semaphore, #tpu.memory_space<semaphore_mem>>)
      %dma_wait3A_81 = arith.constant 0 : i32
      %dma_wait3A_82 = arith.constant 0 : i32
      %dma_wait3A_83 = arith.constant 0 : i32
      %dma_wait3A_84 = tpu.memref_slice %arg6[%dma_wait3A_81, %dma_wait3A_82, %dma_wait3A_83] : memref<2x128x128xf32, #tpu.memory_space<vmem>> -> memref<1x128x128xf32, #tpu.memory_space<vmem>>
      %dma_wait3A_85 = tpu.memref_squeeze %dma_wait3A_84 : memref<1x128x128xf32, #tpu.memory_space<vmem>> -> memref<128x128xf32, #tpu.memory_space<vmem>>
      %dma_wait3A_86 = arith.constant 0 : i32
      %dma_wait3A_87 = arith.constant 0 : i32
      %dma_wait3A_88 = tpu.memref_slice %arg4[%dma_wait3A_86, %dma_wait3A_87] : memref<65536x128xf32, #tpu.memory_space<hbm>> -> memref<128x128xf32, #tpu.memory_space<hbm>>
      %dma_wait3A_89 = arith.constant 0 : i32
      %dma_wait3A_90 = arith.constant 0 : i32
      %dma_wait3A_91 = tpu.memref_slice %arg4[%dma_wait3A_89, %dma_wait3A_90] : memref<65536x128xf32, #tpu.memory_space<hbm>> -> memref<128x128xf32, #tpu.memory_space<hbm>>
      %dma_wait3A_92 = arith.constant 0 : i32
      %dma_wait3A_93 = arith.constant 0 : i32
      %dma_wait3A_94 = tpu.memref_slice %arg6[%dma_wait3A_81, %dma_wait3A_92, %dma_wait3A_93] : memref<2x128x128xf32, #tpu.memory_space<vmem>> -> memref<1x128x128xf32, #tpu.memory_space<vmem>>
      %dma_wait3A_95 = tpu.memref_squeeze %dma_wait3A_94 : memref<1x128x128xf32, #tpu.memory_space<vmem>> -> memref<128x128xf32, #tpu.memory_space<vmem>>
      tpu.wait_dma2 semaphore(%arg8 : memref<!tpu.dma_semaphore, #tpu.memory_space<semaphore_mem>>) src(%dma_wait3A_95 : memref<128x128xf32, #tpu.memory_space<vmem>>) dst(%dma_wait3A_91 : memref<128x128xf32, #tpu.memory_space<hbm>>)
      %lt3A = arith.constant 7 : i32
      %lt3A_96 = arith.cmpi slt, %scan3A_34, %lt3A : i32
      %convert_element_type3A_97 = arith.extui %lt3A_96 : i1 to i32
      %cond3A_98 = arith.constant 0 : i32
      %cond3A_99 = arith.cmpi ne, %convert_element_type3A_97, %cond3A_98 : i32
      scf.if %cond3A_99 {
        %add3A_131 = arith.constant 2 : i32
        %add3A_132 = arith.addi %mul3A_37, %add3A_131 : i32
        %dma_start3A_133 = arith.constant 0 : i32
        %dma_start3A_134 = arith.constant 0 : i32
        %dma_start3A_135 = arith.constant 0 : i32
        %dma_start3A_136 = tpu.memref_slice %arg6[%dma_start3A_133, %dma_start3A_134, %dma_start3A_135] : memref<2x128x128xf32, #tpu.memory_space<vmem>> -> memref<1x128x128xf32, #tpu.memory_space<vmem>>
        %dma_start3A_137 = tpu.memref_squeeze %dma_start3A_136 : memref<1x128x128xf32, #tpu.memory_space<vmem>> -> memref<128x128xf32, #tpu.memory_space<vmem>>
        %dma_start3A_138 = arith.constant 0 : i32
        %dma_start3A_139 = tpu.memref_slice %arg5[%add3A_132, %dma_start3A_138] : memref<16x128xi32, #tpu.memory_space<vmem>> -> memref<1x128xi32, #tpu.memory_space<vmem>>
        %dma_start3A_140 = tpu.memref_squeeze %dma_start3A_139 : memref<1x128xi32, #tpu.memory_space<vmem>> -> memref<128xi32, #tpu.memory_space<vmem>>
        %dma_start3A_141 = arith.constant 0 : i32
        %dma_start3A_142 = arith.constant 0 : i32
        %dma_start3A_143 = tpu.memref_slice %arg2[%dma_start3A_141, %dma_start3A_142] : memref<100002x128xf32, #tpu.memory_space<hbm>> -> memref<100002x128xf32, #tpu.memory_space<hbm>>
        tpu.enqueue_indirect_dma source(%dma_start3A_143 : memref<100002x128xf32, #tpu.memory_space<hbm>>) target(%dma_start3A_137 : memref<128x128xf32, #tpu.memory_space<vmem>>) offsets(%dma_start3A_140 : memref<128xi32, #tpu.memory_space<vmem>>) semaphore(%arg7 : memref<!tpu.dma_semaphore, #tpu.memory_space<semaphore_mem>>)
      } else {
      }
      %dma_wait3A_100 = arith.constant 0 : i32
      %dma_wait3A_101 = arith.constant 1 : i32
      %dma_wait3A_102 = arith.constant 0 : i32
      %dma_wait3A_103 = arith.constant 0 : i32
      %dma_wait3A_104 = tpu.memref_slice %arg6[%dma_wait3A_101, %dma_wait3A_102, %dma_wait3A_103] : memref<2x128x128xf32, #tpu.memory_space<vmem>> -> memref<1x128x128xf32, #tpu.memory_space<vmem>>
      %dma_wait3A_105 = tpu.memref_squeeze %dma_wait3A_104 : memref<1x128x128xf32, #tpu.memory_space<vmem>> -> memref<128x128xf32, #tpu.memory_space<vmem>>
      %dma_wait3A_106 = arith.constant 0 : i32
      %dma_wait3A_107 = tpu.memref_slice %arg5[%dma_wait3A_100, %dma_wait3A_106] : memref<16x128xi32, #tpu.memory_space<vmem>> -> memref<1x128xi32, #tpu.memory_space<vmem>>
      %dma_wait3A_108 = tpu.memref_squeeze %dma_wait3A_107 : memref<1x128xi32, #tpu.memory_space<vmem>> -> memref<128xi32, #tpu.memory_space<vmem>>
      %dma_wait3A_109 = arith.constant 0 : i32
      %dma_wait3A_110 = arith.constant 0 : i32
      %dma_wait3A_111 = tpu.memref_slice %arg2[%dma_wait3A_109, %dma_wait3A_110] : memref<100002x128xf32, #tpu.memory_space<hbm>> -> memref<100002x128xf32, #tpu.memory_space<hbm>>
      tpu.wait_indirect_dma semaphore(%arg7 : memref<!tpu.dma_semaphore, #tpu.memory_space<semaphore_mem>>) src(%dma_wait3A_111 : memref<100002x128xf32, #tpu.memory_space<hbm>>) dst(%dma_wait3A_105 : memref<128x128xf32, #tpu.memory_space<vmem>>)
      %add3A_112 = arith.constant 1 : i32
      %add3A_113 = arith.addi %mul3A_37, %add3A_112 : i32
      %mul3A_114 = arith.constant 128 : i32
      %mul3A_115 = arith.muli %add3A_113, %mul3A_114 : i32
      %add3A_116 = arith.addi %mul3A_2, %mul3A_115 : i32
      %dma_start3A_117 = arith.constant 1 : i32
      %dma_start3A_118 = arith.constant 0 : i32
      %dma_start3A_119 = arith.constant 0 : i32
      %dma_start3A_120 = tpu.memref_slice %arg6[%dma_start3A_117, %dma_start3A_118, %dma_start3A_119] : memref<2x128x128xf32, #tpu.memory_space<vmem>> -> memref<1x128x128xf32, #tpu.memory_space<vmem>>
      %dma_start3A_121 = tpu.memref_squeeze %dma_start3A_120 : memref<1x128x128xf32, #tpu.memory_space<vmem>> -> memref<128x128xf32, #tpu.memory_space<vmem>>
      %dma_start3A_122 = arith.constant 0 : i32
      %dma_start3A_123 = tpu.memref_slice %arg4[%add3A_116, %dma_start3A_122] : memref<65536x128xf32, #tpu.memory_space<hbm>> -> memref<128x128xf32, #tpu.memory_space<hbm>>
      %dma_start3A_124 = arith.constant 0 : i32
      %dma_start3A_125 = tpu.memref_slice %arg4[%add3A_116, %dma_start3A_124] : memref<65536x128xf32, #tpu.memory_space<hbm>> -> memref<128x128xf32, #tpu.memory_space<hbm>>
      %dma_start3A_126 = arith.constant 0 : i32
      %dma_start3A_127 = arith.constant 0 : i32
      %dma_start3A_128 = tpu.memref_slice %arg6[%dma_start3A_117, %dma_start3A_126, %dma_start3A_127] : memref<2x128x128xf32, #tpu.memory_space<vmem>> -> memref<1x128x128xf32, #tpu.memory_space<vmem>>
      %dma_start3A_129 = tpu.memref_squeeze %dma_start3A_128 : memref<1x128x128xf32, #tpu.memory_space<vmem>> -> memref<128x128xf32, #tpu.memory_space<vmem>>
      tpu.enqueue_dma source(%dma_start3A_129 : memref<128x128xf32, #tpu.memory_space<vmem>>) target(%dma_start3A_125 : memref<128x128xf32, #tpu.memory_space<hbm>>) target_semaphore(%arg8 : memref<!tpu.dma_semaphore, #tpu.memory_space<semaphore_mem>>)
      %scan3A_130 = arith.constant 0 : i32
      scf.yield %scan3A_130 : i32
    }
    %scan3A_19 = arith.constant 8 : i32
    %dma_wait3A = arith.constant 1 : i32
    %dma_wait3A_20 = arith.constant 0 : i32
    %dma_wait3A_21 = arith.constant 0 : i32
    %dma_wait3A_22 = tpu.memref_slice %arg6[%dma_wait3A, %dma_wait3A_20, %dma_wait3A_21] : memref<2x128x128xf32, #tpu.memory_space<vmem>> -> memref<1x128x128xf32, #tpu.memory_space<vmem>>
    %dma_wait3A_23 = tpu.memref_squeeze %dma_wait3A_22 : memref<1x128x128xf32, #tpu.memory_space<vmem>> -> memref<128x128xf32, #tpu.memory_space<vmem>>
    %dma_wait3A_24 = arith.constant 0 : i32
    %dma_wait3A_25 = arith.constant 0 : i32
    %dma_wait3A_26 = tpu.memref_slice %arg4[%dma_wait3A_24, %dma_wait3A_25] : memref<65536x128xf32, #tpu.memory_space<hbm>> -> memref<128x128xf32, #tpu.memory_space<hbm>>
    %dma_wait3A_27 = arith.constant 0 : i32
    %dma_wait3A_28 = arith.constant 0 : i32
    %dma_wait3A_29 = tpu.memref_slice %arg4[%dma_wait3A_27, %dma_wait3A_28] : memref<65536x128xf32, #tpu.memory_space<hbm>> -> memref<128x128xf32, #tpu.memory_space<hbm>>
    %dma_wait3A_30 = arith.constant 0 : i32
    %dma_wait3A_31 = arith.constant 0 : i32
    %dma_wait3A_32 = tpu.memref_slice %arg6[%dma_wait3A, %dma_wait3A_30, %dma_wait3A_31] : memref<2x128x128xf32, #tpu.memory_space<vmem>> -> memref<1x128x128xf32, #tpu.memory_space<vmem>>
    %dma_wait3A_33 = tpu.memref_squeeze %dma_wait3A_32 : memref<1x128x128xf32, #tpu.memory_space<vmem>> -> memref<128x128xf32, #tpu.memory_space<vmem>>
    tpu.wait_dma2 semaphore(%arg8 : memref<!tpu.dma_semaphore, #tpu.memory_space<semaphore_mem>>) src(%dma_wait3A_33 : memref<128x128xf32, #tpu.memory_space<vmem>>) dst(%dma_wait3A_29 : memref<128x128xf32, #tpu.memory_space<hbm>>)
    return
  }
}

#map = affine_map<(d0, d1) -> (0, 0)>
#map1 = affine_map<(d0, d1) -> (0, 0, 0)>
module attributes {stable_mosaic.version = 14 : i64} {
  func.func @gather_k(%arg0: i32, %arg1: i32, %arg2: memref<100002x128xf32, #tpu.memory_space<hbm>>, %arg3: memref<32x4x128xi32, #tpu.memory_space<hbm>>, %arg4: memref<16384x128xf32, #tpu.memory_space<hbm>>, %arg5: memref<4x128xi32, #tpu.memory_space<vmem>>, %arg6: memref<2x128x128xf32, #tpu.memory_space<vmem>>, %arg7: memref<!tpu.dma_semaphore, #tpu.memory_space<semaphore_mem>>, %arg8: memref<!tpu.dma_semaphore, #tpu.memory_space<semaphore_mem>>) attributes {dimension_semantics = [#tpu.dimension_semantics<core_parallel>, #tpu.dimension_semantics<subcore_parallel>], iteration_bounds = array<i64: 2, 16>, scalar_prefetch = 0 : i64, scratch_operands = 4 : i64, tpu.core_type = #tpu.core_type<sc_vector_subcore>, window_params = [{transform_indices = #map}, {transform_indices = #map1}, {transform_indices = #map}]} {
    %mul3A = arith.constant 2 : i32
    %mul3A_0 = arith.muli %arg1, %mul3A : i32
    %add3A = arith.addi %mul3A_0, %arg0 : i32
    %mul3A_1 = arith.constant 512 : i32
    %mul3A_2 = arith.muli %add3A, %mul3A_1 : i32
    "tpu.region"() ({
      %run_scoped3A = tpu.sem_alloc : memref<!tpu.dma_semaphore, #tpu.memory_space<semaphore_mem>>
      %dma_start3A_34 = arith.constant 0 : i32
      %dma_start3A_35 = arith.constant 0 : i32
      %dma_start3A_36 = tpu.memref_slice %arg3[%add3A, %dma_start3A_34, %dma_start3A_35] : memref<32x4x128xi32, #tpu.memory_space<hbm>> -> memref<1x4x128xi32, #tpu.memory_space<hbm>>
      %dma_start3A_37 = tpu.memref_squeeze %dma_start3A_36 : memref<1x4x128xi32, #tpu.memory_space<hbm>> -> memref<4x128xi32, #tpu.memory_space<hbm>>
      %dma_start3A_38 = arith.constant 0 : i32
      %dma_start3A_39 = arith.constant 0 : i32
      %dma_start3A_40 = tpu.memref_slice %arg3[%add3A, %dma_start3A_38, %dma_start3A_39] : memref<32x4x128xi32, #tpu.memory_space<hbm>> -> memref<1x4x128xi32, #tpu.memory_space<hbm>>
      %dma_start3A_41 = tpu.memref_squeeze %dma_start3A_40 : memref<1x4x128xi32, #tpu.memory_space<hbm>> -> memref<4x128xi32, #tpu.memory_space<hbm>>
      tpu.enqueue_dma source(%dma_start3A_41 : memref<4x128xi32, #tpu.memory_space<hbm>>) target(%arg5 : memref<4x128xi32, #tpu.memory_space<vmem>>) target_semaphore(%run_scoped3A : memref<!tpu.dma_semaphore, #tpu.memory_space<semaphore_mem>>)
      %dma_wait3A_42 = arith.constant 0 : i32
      %dma_wait3A_43 = arith.constant 0 : i32
      %dma_wait3A_44 = tpu.memref_slice %arg3[%add3A, %dma_wait3A_42, %dma_wait3A_43] : memref<32x4x128xi32, #tpu.memory_space<hbm>> -> memref<1x4x128xi32, #tpu.memory_space<hbm>>
      %dma_wait3A_45 = tpu.memref_squeeze %dma_wait3A_44 : memref<1x4x128xi32, #tpu.memory_space<hbm>> -> memref<4x128xi32, #tpu.memory_space<hbm>>
      %dma_wait3A_46 = arith.constant 0 : i32
      %dma_wait3A_47 = arith.constant 0 : i32
      %dma_wait3A_48 = tpu.memref_slice %arg3[%add3A, %dma_wait3A_46, %dma_wait3A_47] : memref<32x4x128xi32, #tpu.memory_space<hbm>> -> memref<1x4x128xi32, #tpu.memory_space<hbm>>
      %dma_wait3A_49 = tpu.memref_squeeze %dma_wait3A_48 : memref<1x4x128xi32, #tpu.memory_space<hbm>> -> memref<4x128xi32, #tpu.memory_space<hbm>>
      tpu.wait_dma2 semaphore(%run_scoped3A : memref<!tpu.dma_semaphore, #tpu.memory_space<semaphore_mem>>) src(%dma_wait3A_49 : memref<4x128xi32, #tpu.memory_space<hbm>>) dst(%arg5 : memref<4x128xi32, #tpu.memory_space<vmem>>)
      tpu.yield
    }) : () -> ()
    %dma_start3A = arith.constant 0 : i32
    %dma_start3A_3 = arith.constant 0 : i32
    %dma_start3A_4 = arith.constant 0 : i32
    %dma_start3A_5 = arith.constant 0 : i32
    %dma_start3A_6 = tpu.memref_slice %arg6[%dma_start3A_3, %dma_start3A_4, %dma_start3A_5] : memref<2x128x128xf32, #tpu.memory_space<vmem>> -> memref<1x128x128xf32, #tpu.memory_space<vmem>>
    %dma_start3A_7 = tpu.memref_squeeze %dma_start3A_6 : memref<1x128x128xf32, #tpu.memory_space<vmem>> -> memref<128x128xf32, #tpu.memory_space<vmem>>
    %dma_start3A_8 = arith.constant 0 : i32
    %dma_start3A_9 = tpu.memref_slice %arg5[%dma_start3A, %dma_start3A_8] : memref<4x128xi32, #tpu.memory_space<vmem>> -> memref<1x128xi32, #tpu.memory_space<vmem>>
    %dma_start3A_10 = tpu.memref_squeeze %dma_start3A_9 : memref<1x128xi32, #tpu.memory_space<vmem>> -> memref<128xi32, #tpu.memory_space<vmem>>
    %dma_start3A_11 = arith.constant 0 : i32
    %dma_start3A_12 = arith.constant 0 : i32
    %dma_start3A_13 = tpu.memref_slice %arg2[%dma_start3A_11, %dma_start3A_12] : memref<100002x128xf32, #tpu.memory_space<hbm>> -> memref<100002x128xf32, #tpu.memory_space<hbm>>
    tpu.enqueue_indirect_dma source(%dma_start3A_13 : memref<100002x128xf32, #tpu.memory_space<hbm>>) target(%dma_start3A_7 : memref<128x128xf32, #tpu.memory_space<vmem>>) offsets(%dma_start3A_10 : memref<128xi32, #tpu.memory_space<vmem>>) semaphore(%arg7 : memref<!tpu.dma_semaphore, #tpu.memory_space<semaphore_mem>>)
    %scan3A = arith.constant 0 : i32
    %scan3A_14 = arith.constant 0 : i32
    %scan3A_15 = arith.constant 2 : i32
    %scan3A_16 = arith.addi %scan3A_14, %scan3A_15 : i32
    %scan3A_17 = arith.constant 1 : i32
    %scan3A_18 = scf.for %scan3A_34 = %scan3A_14 to %scan3A_16 step %scan3A_17 iter_args(%scan3A_35 = %scan3A) -> (i32)  : i32 {
      %mul3A_36 = arith.constant 2 : i32
      %mul3A_37 = arith.muli %mul3A_36, %scan3A_34 : i32
      %ge3A = arith.constant 1 : i32
      %ge3A_38 = arith.cmpi sge, %scan3A_34, %ge3A : i32
      %convert_element_type3A = arith.extui %ge3A_38 : i1 to i32
      %cond3A = arith.constant 0 : i32
      %cond3A_39 = arith.cmpi ne, %convert_element_type3A, %cond3A : i32
      scf.if %cond3A_39 {
        %dma_wait3A_131 = arith.constant 1 : i32
        %dma_wait3A_132 = arith.constant 0 : i32
        %dma_wait3A_133 = arith.constant 0 : i32
        %dma_wait3A_134 = tpu.memref_slice %arg6[%dma_wait3A_131, %dma_wait3A_132, %dma_wait3A_133] : memref<2x128x128xf32, #tpu.memory_space<vmem>> -> memref<1x128x128xf32, #tpu.memory_space<vmem>>
        %dma_wait3A_135 = tpu.memref_squeeze %dma_wait3A_134 : memref<1x128x128xf32, #tpu.memory_space<vmem>> -> memref<128x128xf32, #tpu.memory_space<vmem>>
        %dma_wait3A_136 = arith.constant 0 : i32
        %dma_wait3A_137 = arith.constant 0 : i32
        %dma_wait3A_138 = tpu.memref_slice %arg4[%dma_wait3A_136, %dma_wait3A_137] : memref<16384x128xf32, #tpu.memory_space<hbm>> -> memref<128x128xf32, #tpu.memory_space<hbm>>
        %dma_wait3A_139 = arith.constant 0 : i32
        %dma_wait3A_140 = arith.constant 0 : i32
        %dma_wait3A_141 = tpu.memref_slice %arg4[%dma_wait3A_139, %dma_wait3A_140] : memref<16384x128xf32, #tpu.memory_space<hbm>> -> memref<128x128xf32, #tpu.memory_space<hbm>>
        %dma_wait3A_142 = arith.constant 0 : i32
        %dma_wait3A_143 = arith.constant 0 : i32
        %dma_wait3A_144 = tpu.memref_slice %arg6[%dma_wait3A_131, %dma_wait3A_142, %dma_wait3A_143] : memref<2x128x128xf32, #tpu.memory_space<vmem>> -> memref<1x128x128xf32, #tpu.memory_space<vmem>>
        %dma_wait3A_145 = tpu.memref_squeeze %dma_wait3A_144 : memref<1x128x128xf32, #tpu.memory_space<vmem>> -> memref<128x128xf32, #tpu.memory_space<vmem>>
        tpu.wait_dma2 semaphore(%arg8 : memref<!tpu.dma_semaphore, #tpu.memory_space<semaphore_mem>>) src(%dma_wait3A_145 : memref<128x128xf32, #tpu.memory_space<vmem>>) dst(%dma_wait3A_141 : memref<128x128xf32, #tpu.memory_space<hbm>>)
      } else {
      }
      %add3A_40 = arith.constant 1 : i32
      %add3A_41 = arith.addi %mul3A_37, %add3A_40 : i32
      %dma_start3A_42 = arith.constant 1 : i32
      %dma_start3A_43 = arith.constant 0 : i32
      %dma_start3A_44 = arith.constant 0 : i32
      %dma_start3A_45 = tpu.memref_slice %arg6[%dma_start3A_42, %dma_start3A_43, %dma_start3A_44] : memref<2x128x128xf32, #tpu.memory_space<vmem>> -> memref<1x128x128xf32, #tpu.memory_space<vmem>>
      %dma_start3A_46 = tpu.memref_squeeze %dma_start3A_45 : memref<1x128x128xf32, #tpu.memory_space<vmem>> -> memref<128x128xf32, #tpu.memory_space<vmem>>
      %dma_start3A_47 = arith.constant 0 : i32
      %dma_start3A_48 = tpu.memref_slice %arg5[%add3A_41, %dma_start3A_47] : memref<4x128xi32, #tpu.memory_space<vmem>> -> memref<1x128xi32, #tpu.memory_space<vmem>>
      %dma_start3A_49 = tpu.memref_squeeze %dma_start3A_48 : memref<1x128xi32, #tpu.memory_space<vmem>> -> memref<128xi32, #tpu.memory_space<vmem>>
      %dma_start3A_50 = arith.constant 0 : i32
      %dma_start3A_51 = arith.constant 0 : i32
      %dma_start3A_52 = tpu.memref_slice %arg2[%dma_start3A_50, %dma_start3A_51] : memref<100002x128xf32, #tpu.memory_space<hbm>> -> memref<100002x128xf32, #tpu.memory_space<hbm>>
      tpu.enqueue_indirect_dma source(%dma_start3A_52 : memref<100002x128xf32, #tpu.memory_space<hbm>>) target(%dma_start3A_46 : memref<128x128xf32, #tpu.memory_space<vmem>>) offsets(%dma_start3A_49 : memref<128xi32, #tpu.memory_space<vmem>>) semaphore(%arg7 : memref<!tpu.dma_semaphore, #tpu.memory_space<semaphore_mem>>)
      %dma_wait3A_53 = arith.constant 0 : i32
      %dma_wait3A_54 = arith.constant 0 : i32
      %dma_wait3A_55 = arith.constant 0 : i32
      %dma_wait3A_56 = arith.constant 0 : i32
      %dma_wait3A_57 = tpu.memref_slice %arg6[%dma_wait3A_54, %dma_wait3A_55, %dma_wait3A_56] : memref<2x128x128xf32, #tpu.memory_space<vmem>> -> memref<1x128x128xf32, #tpu.memory_space<vmem>>
      %dma_wait3A_58 = tpu.memref_squeeze %dma_wait3A_57 : memref<1x128x128xf32, #tpu.memory_space<vmem>> -> memref<128x128xf32, #tpu.memory_space<vmem>>
      %dma_wait3A_59 = arith.constant 0 : i32
      %dma_wait3A_60 = tpu.memref_slice %arg5[%dma_wait3A_53, %dma_wait3A_59] : memref<4x128xi32, #tpu.memory_space<vmem>> -> memref<1x128xi32, #tpu.memory_space<vmem>>
      %dma_wait3A_61 = tpu.memref_squeeze %dma_wait3A_60 : memref<1x128xi32, #tpu.memory_space<vmem>> -> memref<128xi32, #tpu.memory_space<vmem>>
      %dma_wait3A_62 = arith.constant 0 : i32
      %dma_wait3A_63 = arith.constant 0 : i32
      %dma_wait3A_64 = tpu.memref_slice %arg2[%dma_wait3A_62, %dma_wait3A_63] : memref<100002x128xf32, #tpu.memory_space<hbm>> -> memref<100002x128xf32, #tpu.memory_space<hbm>>
      tpu.wait_indirect_dma semaphore(%arg7 : memref<!tpu.dma_semaphore, #tpu.memory_space<semaphore_mem>>) src(%dma_wait3A_64 : memref<100002x128xf32, #tpu.memory_space<hbm>>) dst(%dma_wait3A_58 : memref<128x128xf32, #tpu.memory_space<vmem>>)
      %mul3A_65 = arith.constant 128 : i32
      %mul3A_66 = arith.muli %mul3A_37, %mul3A_65 : i32
      %add3A_67 = arith.addi %mul3A_2, %mul3A_66 : i32
      %dma_start3A_68 = arith.constant 0 : i32
      %dma_start3A_69 = arith.constant 0 : i32
      %dma_start3A_70 = arith.constant 0 : i32
      %dma_start3A_71 = tpu.memref_slice %arg6[%dma_start3A_68, %dma_start3A_69, %dma_start3A_70] : memref<2x128x128xf32, #tpu.memory_space<vmem>> -> memref<1x128x128xf32, #tpu.memory_space<vmem>>
      %dma_start3A_72 = tpu.memref_squeeze %dma_start3A_71 : memref<1x128x128xf32, #tpu.memory_space<vmem>> -> memref<128x128xf32, #tpu.memory_space<vmem>>
      %dma_start3A_73 = arith.constant 0 : i32
      %dma_start3A_74 = tpu.memref_slice %arg4[%add3A_67, %dma_start3A_73] : memref<16384x128xf32, #tpu.memory_space<hbm>> -> memref<128x128xf32, #tpu.memory_space<hbm>>
      %dma_start3A_75 = arith.constant 0 : i32
      %dma_start3A_76 = tpu.memref_slice %arg4[%add3A_67, %dma_start3A_75] : memref<16384x128xf32, #tpu.memory_space<hbm>> -> memref<128x128xf32, #tpu.memory_space<hbm>>
      %dma_start3A_77 = arith.constant 0 : i32
      %dma_start3A_78 = arith.constant 0 : i32
      %dma_start3A_79 = tpu.memref_slice %arg6[%dma_start3A_68, %dma_start3A_77, %dma_start3A_78] : memref<2x128x128xf32, #tpu.memory_space<vmem>> -> memref<1x128x128xf32, #tpu.memory_space<vmem>>
      %dma_start3A_80 = tpu.memref_squeeze %dma_start3A_79 : memref<1x128x128xf32, #tpu.memory_space<vmem>> -> memref<128x128xf32, #tpu.memory_space<vmem>>
      tpu.enqueue_dma source(%dma_start3A_80 : memref<128x128xf32, #tpu.memory_space<vmem>>) target(%dma_start3A_76 : memref<128x128xf32, #tpu.memory_space<hbm>>) target_semaphore(%arg8 : memref<!tpu.dma_semaphore, #tpu.memory_space<semaphore_mem>>)
      %dma_wait3A_81 = arith.constant 0 : i32
      %dma_wait3A_82 = arith.constant 0 : i32
      %dma_wait3A_83 = arith.constant 0 : i32
      %dma_wait3A_84 = tpu.memref_slice %arg6[%dma_wait3A_81, %dma_wait3A_82, %dma_wait3A_83] : memref<2x128x128xf32, #tpu.memory_space<vmem>> -> memref<1x128x128xf32, #tpu.memory_space<vmem>>
      %dma_wait3A_85 = tpu.memref_squeeze %dma_wait3A_84 : memref<1x128x128xf32, #tpu.memory_space<vmem>> -> memref<128x128xf32, #tpu.memory_space<vmem>>
      %dma_wait3A_86 = arith.constant 0 : i32
      %dma_wait3A_87 = arith.constant 0 : i32
      %dma_wait3A_88 = tpu.memref_slice %arg4[%dma_wait3A_86, %dma_wait3A_87] : memref<16384x128xf32, #tpu.memory_space<hbm>> -> memref<128x128xf32, #tpu.memory_space<hbm>>
      %dma_wait3A_89 = arith.constant 0 : i32
      %dma_wait3A_90 = arith.constant 0 : i32
      %dma_wait3A_91 = tpu.memref_slice %arg4[%dma_wait3A_89, %dma_wait3A_90] : memref<16384x128xf32, #tpu.memory_space<hbm>> -> memref<128x128xf32, #tpu.memory_space<hbm>>
      %dma_wait3A_92 = arith.constant 0 : i32
      %dma_wait3A_93 = arith.constant 0 : i32
      %dma_wait3A_94 = tpu.memref_slice %arg6[%dma_wait3A_81, %dma_wait3A_92, %dma_wait3A_93] : memref<2x128x128xf32, #tpu.memory_space<vmem>> -> memref<1x128x128xf32, #tpu.memory_space<vmem>>
      %dma_wait3A_95 = tpu.memref_squeeze %dma_wait3A_94 : memref<1x128x128xf32, #tpu.memory_space<vmem>> -> memref<128x128xf32, #tpu.memory_space<vmem>>
      tpu.wait_dma2 semaphore(%arg8 : memref<!tpu.dma_semaphore, #tpu.memory_space<semaphore_mem>>) src(%dma_wait3A_95 : memref<128x128xf32, #tpu.memory_space<vmem>>) dst(%dma_wait3A_91 : memref<128x128xf32, #tpu.memory_space<hbm>>)
      %lt3A = arith.constant 1 : i32
      %lt3A_96 = arith.cmpi slt, %scan3A_34, %lt3A : i32
      %convert_element_type3A_97 = arith.extui %lt3A_96 : i1 to i32
      %cond3A_98 = arith.constant 0 : i32
      %cond3A_99 = arith.cmpi ne, %convert_element_type3A_97, %cond3A_98 : i32
      scf.if %cond3A_99 {
        %add3A_131 = arith.constant 2 : i32
        %add3A_132 = arith.addi %mul3A_37, %add3A_131 : i32
        %dma_start3A_133 = arith.constant 0 : i32
        %dma_start3A_134 = arith.constant 0 : i32
        %dma_start3A_135 = arith.constant 0 : i32
        %dma_start3A_136 = tpu.memref_slice %arg6[%dma_start3A_133, %dma_start3A_134, %dma_start3A_135] : memref<2x128x128xf32, #tpu.memory_space<vmem>> -> memref<1x128x128xf32, #tpu.memory_space<vmem>>
        %dma_start3A_137 = tpu.memref_squeeze %dma_start3A_136 : memref<1x128x128xf32, #tpu.memory_space<vmem>> -> memref<128x128xf32, #tpu.memory_space<vmem>>
        %dma_start3A_138 = arith.constant 0 : i32
        %dma_start3A_139 = tpu.memref_slice %arg5[%add3A_132, %dma_start3A_138] : memref<4x128xi32, #tpu.memory_space<vmem>> -> memref<1x128xi32, #tpu.memory_space<vmem>>
        %dma_start3A_140 = tpu.memref_squeeze %dma_start3A_139 : memref<1x128xi32, #tpu.memory_space<vmem>> -> memref<128xi32, #tpu.memory_space<vmem>>
        %dma_start3A_141 = arith.constant 0 : i32
        %dma_start3A_142 = arith.constant 0 : i32
        %dma_start3A_143 = tpu.memref_slice %arg2[%dma_start3A_141, %dma_start3A_142] : memref<100002x128xf32, #tpu.memory_space<hbm>> -> memref<100002x128xf32, #tpu.memory_space<hbm>>
        tpu.enqueue_indirect_dma source(%dma_start3A_143 : memref<100002x128xf32, #tpu.memory_space<hbm>>) target(%dma_start3A_137 : memref<128x128xf32, #tpu.memory_space<vmem>>) offsets(%dma_start3A_140 : memref<128xi32, #tpu.memory_space<vmem>>) semaphore(%arg7 : memref<!tpu.dma_semaphore, #tpu.memory_space<semaphore_mem>>)
      } else {
      }
      %dma_wait3A_100 = arith.constant 0 : i32
      %dma_wait3A_101 = arith.constant 1 : i32
      %dma_wait3A_102 = arith.constant 0 : i32
      %dma_wait3A_103 = arith.constant 0 : i32
      %dma_wait3A_104 = tpu.memref_slice %arg6[%dma_wait3A_101, %dma_wait3A_102, %dma_wait3A_103] : memref<2x128x128xf32, #tpu.memory_space<vmem>> -> memref<1x128x128xf32, #tpu.memory_space<vmem>>
      %dma_wait3A_105 = tpu.memref_squeeze %dma_wait3A_104 : memref<1x128x128xf32, #tpu.memory_space<vmem>> -> memref<128x128xf32, #tpu.memory_space<vmem>>
      %dma_wait3A_106 = arith.constant 0 : i32
      %dma_wait3A_107 = tpu.memref_slice %arg5[%dma_wait3A_100, %dma_wait3A_106] : memref<4x128xi32, #tpu.memory_space<vmem>> -> memref<1x128xi32, #tpu.memory_space<vmem>>
      %dma_wait3A_108 = tpu.memref_squeeze %dma_wait3A_107 : memref<1x128xi32, #tpu.memory_space<vmem>> -> memref<128xi32, #tpu.memory_space<vmem>>
      %dma_wait3A_109 = arith.constant 0 : i32
      %dma_wait3A_110 = arith.constant 0 : i32
      %dma_wait3A_111 = tpu.memref_slice %arg2[%dma_wait3A_109, %dma_wait3A_110] : memref<100002x128xf32, #tpu.memory_space<hbm>> -> memref<100002x128xf32, #tpu.memory_space<hbm>>
      tpu.wait_indirect_dma semaphore(%arg7 : memref<!tpu.dma_semaphore, #tpu.memory_space<semaphore_mem>>) src(%dma_wait3A_111 : memref<100002x128xf32, #tpu.memory_space<hbm>>) dst(%dma_wait3A_105 : memref<128x128xf32, #tpu.memory_space<vmem>>)
      %add3A_112 = arith.constant 1 : i32
      %add3A_113 = arith.addi %mul3A_37, %add3A_112 : i32
      %mul3A_114 = arith.constant 128 : i32
      %mul3A_115 = arith.muli %add3A_113, %mul3A_114 : i32
      %add3A_116 = arith.addi %mul3A_2, %mul3A_115 : i32
      %dma_start3A_117 = arith.constant 1 : i32
      %dma_start3A_118 = arith.constant 0 : i32
      %dma_start3A_119 = arith.constant 0 : i32
      %dma_start3A_120 = tpu.memref_slice %arg6[%dma_start3A_117, %dma_start3A_118, %dma_start3A_119] : memref<2x128x128xf32, #tpu.memory_space<vmem>> -> memref<1x128x128xf32, #tpu.memory_space<vmem>>
      %dma_start3A_121 = tpu.memref_squeeze %dma_start3A_120 : memref<1x128x128xf32, #tpu.memory_space<vmem>> -> memref<128x128xf32, #tpu.memory_space<vmem>>
      %dma_start3A_122 = arith.constant 0 : i32
      %dma_start3A_123 = tpu.memref_slice %arg4[%add3A_116, %dma_start3A_122] : memref<16384x128xf32, #tpu.memory_space<hbm>> -> memref<128x128xf32, #tpu.memory_space<hbm>>
      %dma_start3A_124 = arith.constant 0 : i32
      %dma_start3A_125 = tpu.memref_slice %arg4[%add3A_116, %dma_start3A_124] : memref<16384x128xf32, #tpu.memory_space<hbm>> -> memref<128x128xf32, #tpu.memory_space<hbm>>
      %dma_start3A_126 = arith.constant 0 : i32
      %dma_start3A_127 = arith.constant 0 : i32
      %dma_start3A_128 = tpu.memref_slice %arg6[%dma_start3A_117, %dma_start3A_126, %dma_start3A_127] : memref<2x128x128xf32, #tpu.memory_space<vmem>> -> memref<1x128x128xf32, #tpu.memory_space<vmem>>
      %dma_start3A_129 = tpu.memref_squeeze %dma_start3A_128 : memref<1x128x128xf32, #tpu.memory_space<vmem>> -> memref<128x128xf32, #tpu.memory_space<vmem>>
      tpu.enqueue_dma source(%dma_start3A_129 : memref<128x128xf32, #tpu.memory_space<vmem>>) target(%dma_start3A_125 : memref<128x128xf32, #tpu.memory_space<hbm>>) target_semaphore(%arg8 : memref<!tpu.dma_semaphore, #tpu.memory_space<semaphore_mem>>)
      %scan3A_130 = arith.constant 0 : i32
      scf.yield %scan3A_130 : i32
    }
    %scan3A_19 = arith.constant 2 : i32
    %dma_wait3A = arith.constant 1 : i32
    %dma_wait3A_20 = arith.constant 0 : i32
    %dma_wait3A_21 = arith.constant 0 : i32
    %dma_wait3A_22 = tpu.memref_slice %arg6[%dma_wait3A, %dma_wait3A_20, %dma_wait3A_21] : memref<2x128x128xf32, #tpu.memory_space<vmem>> -> memref<1x128x128xf32, #tpu.memory_space<vmem>>
    %dma_wait3A_23 = tpu.memref_squeeze %dma_wait3A_22 : memref<1x128x128xf32, #tpu.memory_space<vmem>> -> memref<128x128xf32, #tpu.memory_space<vmem>>
    %dma_wait3A_24 = arith.constant 0 : i32
    %dma_wait3A_25 = arith.constant 0 : i32
    %dma_wait3A_26 = tpu.memref_slice %arg4[%dma_wait3A_24, %dma_wait3A_25] : memref<16384x128xf32, #tpu.memory_space<hbm>> -> memref<128x128xf32, #tpu.memory_space<hbm>>
    %dma_wait3A_27 = arith.constant 0 : i32
    %dma_wait3A_28 = arith.constant 0 : i32
    %dma_wait3A_29 = tpu.memref_slice %arg4[%dma_wait3A_27, %dma_wait3A_28] : memref<16384x128xf32, #tpu.memory_space<hbm>> -> memref<128x128xf32, #tpu.memory_space<hbm>>
    %dma_wait3A_30 = arith.constant 0 : i32
    %dma_wait3A_31 = arith.constant 0 : i32
    %dma_wait3A_32 = tpu.memref_slice %arg6[%dma_wait3A, %dma_wait3A_30, %dma_wait3A_31] : memref<2x128x128xf32, #tpu.memory_space<vmem>> -> memref<1x128x128xf32, #tpu.memory_space<vmem>>
    %dma_wait3A_33 = tpu.memref_squeeze %dma_wait3A_32 : memref<1x128x128xf32, #tpu.memory_space<vmem>> -> memref<128x128xf32, #tpu.memory_space<vmem>>
    tpu.wait_dma2 semaphore(%arg8 : memref<!tpu.dma_semaphore, #tpu.memory_space<semaphore_mem>>) src(%dma_wait3A_33 : memref<128x128xf32, #tpu.memory_space<vmem>>) dst(%dma_wait3A_29 : memref<128x128xf32, #tpu.memory_space<hbm>>)
    return
  }
}

module attributes {stable_mosaic.version = 14 : i64} {
  func.func @_mlp_body_acc(%arg0: i32, %arg1: memref<100x204800xf32, #tpu.memory_space<any>>, %arg2: memref<8192x128xf32, #tpu.memory_space<vmem>>, %arg3: memref<128x512xf32, #tpu.memory_space<vmem>>, %arg4: memref<1x512xf32, #tpu.memory_space<vmem>>, %arg5: memref<512x256xf32, #tpu.memory_space<vmem>>, %arg6: memref<1x256xf32, #tpu.memory_space<vmem>>, %arg7: memref<256x100xf32, #tpu.memory_space<vmem>>, %arg8: memref<1x100xf32, #tpu.memory_space<vmem>>, %arg9: memref<100x8192xf32, #tpu.memory_space<vmem>>) attributes {dimension_semantics = [#tpu.dimension_semantics<arbitrary>], iteration_bounds = array<i64: 5>, scalar_prefetch = 0 : i64, scratch_operands = 0 : i64, tpu.core_type = #tpu.core_type<tc>, window_params = [{}, {transform_indices = @transform_1, window_bounds = array<i64: 8192, 128>}, {pipeline_mode = #tpu.pipeline_mode<synchronous>, transform_indices = @transform_2, window_bounds = array<i64: 128, 512>}, {pipeline_mode = #tpu.pipeline_mode<synchronous>, transform_indices = @transform_3, window_bounds = array<i64: 1, 512>}, {pipeline_mode = #tpu.pipeline_mode<synchronous>, transform_indices = @transform_4, window_bounds = array<i64: 512, 256>}, {pipeline_mode = #tpu.pipeline_mode<synchronous>, transform_indices = @transform_5, window_bounds = array<i64: 1, 256>}, {pipeline_mode = #tpu.pipeline_mode<synchronous>, transform_indices = @transform_6, window_bounds = array<i64: 256, 100>}, {pipeline_mode = #tpu.pipeline_mode<synchronous>, transform_indices = @transform_7, window_bounds = array<i64: 1, 100>}, {transform_indices = @transform_8, window_bounds = array<i64: 100, 8192>}]} {
    %get3A = arith.constant 0 : index
    %get3A_0 = arith.constant 0 : index
    %get3A_1 = vector.load %arg2[%get3A, %get3A_0] : memref<8192x128xf32, #tpu.memory_space<vmem>>, vector<8192x128xf32>
    %convert_element_type3A = arith.truncf %get3A_1 : vector<8192x128xf32> to vector<8192x128xbf16>
    %get3A_2 = arith.constant 0 : index
    %get3A_3 = arith.constant 0 : index
    %get3A_4 = vector.load %arg3[%get3A_2, %get3A_3] : memref<128x512xf32, #tpu.memory_space<vmem>>, vector<128x512xf32>
    %convert_element_type3A_5 = arith.truncf %get3A_4 : vector<128x512xf32> to vector<128x512xbf16>
    %dot_general3A = arith.constant dense<0.000000e+00> : vector<8192x512xf32>
    %dot_general3A_6 = tpu.matmul %convert_element_type3A, %convert_element_type3A_5, %dot_general3A {dimension_numbers = #tpu.dot_dimension_numbers<[1], [0], [0], [1], [0, 0, 1, 1], [], []>, transpose_lhs_hint = false} : vector<8192x128xbf16>, vector<128x512xbf16>, vector<8192x512xf32> -> vector<8192x512xf32>
    %get3A_7 = arith.constant 0 : index
    %get3A_8 = arith.constant 0 : index
    %get3A_9 = vector.load %arg4[%get3A_7, %get3A_8] : memref<1x512xf32, #tpu.memory_space<vmem>>, vector<1x512xf32>
    %add3A = vector.broadcast %get3A_9 : vector<1x512xf32> to vector<8192x512xf32>
    %add3A_10 = arith.addf %dot_general3A_6, %add3A : vector<8192x512xf32>
    %max3A = arith.constant 0.000000e+00 : f32
    %max3A_11 = vector.broadcast %max3A : f32 to vector<8192x512xf32>
    %max3A_12 = arith.maximumf %add3A_10, %max3A_11 : vector<8192x512xf32>
    %convert_element_type3A_13 = arith.truncf %max3A_12 : vector<8192x512xf32> to vector<8192x512xbf16>
    %get3A_14 = arith.constant 0 : index
    %get3A_15 = arith.constant 0 : index
    %get3A_16 = vector.load %arg5[%get3A_14, %get3A_15] : memref<512x256xf32, #tpu.memory_space<vmem>>, vector<512x256xf32>
    %convert_element_type3A_17 = arith.truncf %get3A_16 : vector<512x256xf32> to vector<512x256xbf16>
    %dot_general3A_18 = arith.constant dense<0.000000e+00> : vector<8192x256xf32>
    %dot_general3A_19 = tpu.matmul %convert_element_type3A_13, %convert_element_type3A_17, %dot_general3A_18 {dimension_numbers = #tpu.dot_dimension_numbers<[1], [0], [0], [1], [0, 0, 1, 1], [], []>, transpose_lhs_hint = false} : vector<8192x512xbf16>, vector<512x256xbf16>, vector<8192x256xf32> -> vector<8192x256xf32>
    %get3A_20 = arith.constant 0 : index
    %get3A_21 = arith.constant 0 : index
    %get3A_22 = vector.load %arg6[%get3A_20, %get3A_21] : memref<1x256xf32, #tpu.memory_space<vmem>>, vector<1x256xf32>
    %add3A_23 = vector.broadcast %get3A_22 : vector<1x256xf32> to vector<8192x256xf32>
    %add3A_24 = arith.addf %dot_general3A_19, %add3A_23 : vector<8192x256xf32>
    %max3A_25 = arith.constant 0.000000e+00 : f32
    %max3A_26 = vector.broadcast %max3A_25 : f32 to vector<8192x256xf32>
    %max3A_27 = arith.maximumf %add3A_24, %max3A_26 : vector<8192x256xf32>
    %convert_element_type3A_28 = arith.truncf %max3A_27 : vector<8192x256xf32> to vector<8192x256xbf16>
    %get3A_29 = arith.constant 0 : index
    %get3A_30 = arith.constant 0 : index
    %get3A_31 = vector.load %arg7[%get3A_29, %get3A_30] : memref<256x100xf32, #tpu.memory_space<vmem>>, vector<256x100xf32>
    %convert_element_type3A_32 = arith.truncf %get3A_31 : vector<256x100xf32> to vector<256x100xbf16>
    %dot_general3A_33 = arith.constant dense<0.000000e+00> : vector<8192x100xf32>
    %dot_general3A_34 = tpu.matmul %convert_element_type3A_28, %convert_element_type3A_32, %dot_general3A_33 {dimension_numbers = #tpu.dot_dimension_numbers<[1], [0], [0], [1], [0, 0, 1, 1], [], []>, transpose_lhs_hint = false} : vector<8192x256xbf16>, vector<256x100xbf16>, vector<8192x100xf32> -> vector<8192x100xf32>
    %get3A_35 = arith.constant 0 : index
    %get3A_36 = arith.constant 0 : index
    %get3A_37 = vector.load %arg8[%get3A_35, %get3A_36] : memref<1x100xf32, #tpu.memory_space<vmem>>, vector<1x100xf32>
    %add3A_38 = vector.broadcast %get3A_37 : vector<1x100xf32> to vector<8192x100xf32>
    %add3A_39 = arith.addf %dot_general3A_34, %add3A_38 : vector<8192x100xf32>
    %transpose3A = tpu.transpose %add3A_39, [1, 0] : vector<8192x100xf32> -> vector<100x8192xf32>
    %swap3A = arith.constant 0 : index
    %swap3A_40 = arith.constant 0 : index
    %swap3A_41 = vector.load %arg9[%swap3A, %swap3A_40] : memref<100x8192xf32, #tpu.memory_space<vmem>>, vector<100x8192xf32>
    tpu.vector_store %arg9[%swap3A, %swap3A_40], %transpose3A {strides = array<i32>} : memref<100x8192xf32, #tpu.memory_space<vmem>>, vector<100x8192xf32>,
    return
  }
  func.func @transform_1(%arg0: i32) -> (i32, i32) {
    %c0_i32 = arith.constant 0 : i32
    %c0_i32_0 = arith.constant 0 : i32
    return %arg0, %c0_i32 : i32, i32
  }
  func.func @transform_2(%arg0: i32) -> (i32, i32) {
    %c0_i32 = arith.constant 0 : i32
    %c0_i32_0 = arith.constant 0 : i32
    %c0_i32_1 = arith.constant 0 : i32
    return %c0_i32, %c0_i32_0 : i32, i32
  }
  func.func @transform_3(%arg0: i32) -> (i32, i32) {
    %c0_i32 = arith.constant 0 : i32
    %c0_i32_0 = arith.constant 0 : i32
    %c0_i32_1 = arith.constant 0 : i32
    return %c0_i32, %c0_i32_0 : i32, i32
  }
  func.func @transform_4(%arg0: i32) -> (i32, i32) {
    %c0_i32 = arith.constant 0 : i32
    %c0_i32_0 = arith.constant 0 : i32
    %c0_i32_1 = arith.constant 0 : i32
    return %c0_i32, %c0_i32_0 : i32, i32
  }
  func.func @transform_5(%arg0: i32) -> (i32, i32) {
    %c0_i32 = arith.constant 0 : i32
    %c0_i32_0 = arith.constant 0 : i32
    %c0_i32_1 = arith.constant 0 : i32
    return %c0_i32, %c0_i32_0 : i32, i32
  }
  func.func @transform_6(%arg0: i32) -> (i32, i32) {
    %c0_i32 = arith.constant 0 : i32
    %c0_i32_0 = arith.constant 0 : i32
    %c0_i32_1 = arith.constant 0 : i32
    return %c0_i32, %c0_i32_0 : i32, i32
  }
  func.func @transform_7(%arg0: i32) -> (i32, i32) {
    %c0_i32 = arith.constant 0 : i32
    %c0_i32_0 = arith.constant 0 : i32
    %c0_i32_1 = arith.constant 0 : i32
    return %c0_i32, %c0_i32_0 : i32, i32
  }
  func.func @transform_8(%arg0: i32) -> (i32, i32) {
    %add3A = arith.constant 2 : i32
    %add3A_0 = arith.addi %add3A, %arg0 : i32
    %c0_i32 = arith.constant 0 : i32
    %c0_i32_1 = arith.constant 0 : i32
    return %c0_i32, %add3A_0 : i32, i32
  }
}

module attributes {stable_mosaic.version = 14 : i64} {
  func.func @_mlp_body(%arg0: i32, %arg1: memref<8192x128xf32, #tpu.memory_space<vmem>>, %arg2: memref<128x512xf32, #tpu.memory_space<vmem>>, %arg3: memref<1x512xf32, #tpu.memory_space<vmem>>, %arg4: memref<512x256xf32, #tpu.memory_space<vmem>>, %arg5: memref<1x256xf32, #tpu.memory_space<vmem>>, %arg6: memref<256x100xf32, #tpu.memory_space<vmem>>, %arg7: memref<1x100xf32, #tpu.memory_space<vmem>>, %arg8: memref<100x8192xf32, #tpu.memory_space<vmem>>) attributes {dimension_semantics = [#tpu.dimension_semantics<arbitrary>], iteration_bounds = array<i64: 2>, scalar_prefetch = 0 : i64, scratch_operands = 0 : i64, tpu.core_type = #tpu.core_type<tc>, window_params = [{transform_indices = @transform_0, window_bounds = array<i64: 8192, 128>}, {pipeline_mode = #tpu.pipeline_mode<synchronous>, transform_indices = @transform_1, window_bounds = array<i64: 128, 512>}, {pipeline_mode = #tpu.pipeline_mode<synchronous>, transform_indices = @transform_2, window_bounds = array<i64: 1, 512>}, {pipeline_mode = #tpu.pipeline_mode<synchronous>, transform_indices = @transform_3, window_bounds = array<i64: 512, 256>}, {pipeline_mode = #tpu.pipeline_mode<synchronous>, transform_indices = @transform_4, window_bounds = array<i64: 1, 256>}, {pipeline_mode = #tpu.pipeline_mode<synchronous>, transform_indices = @transform_5, window_bounds = array<i64: 256, 100>}, {pipeline_mode = #tpu.pipeline_mode<synchronous>, transform_indices = @transform_6, window_bounds = array<i64: 1, 100>}, {transform_indices = @transform_7, window_bounds = array<i64: 100, 8192>}]} {
    %get3A = arith.constant 0 : index
    %get3A_0 = arith.constant 0 : index
    %get3A_1 = vector.load %arg1[%get3A, %get3A_0] : memref<8192x128xf32, #tpu.memory_space<vmem>>, vector<8192x128xf32>
    %convert_element_type3A = arith.truncf %get3A_1 : vector<8192x128xf32> to vector<8192x128xbf16>
    %get3A_2 = arith.constant 0 : index
    %get3A_3 = arith.constant 0 : index
    %get3A_4 = vector.load %arg2[%get3A_2, %get3A_3] : memref<128x512xf32, #tpu.memory_space<vmem>>, vector<128x512xf32>
    %convert_element_type3A_5 = arith.truncf %get3A_4 : vector<128x512xf32> to vector<128x512xbf16>
    %dot_general3A = arith.constant dense<0.000000e+00> : vector<8192x512xf32>
    %dot_general3A_6 = tpu.matmul %convert_element_type3A, %convert_element_type3A_5, %dot_general3A {dimension_numbers = #tpu.dot_dimension_numbers<[1], [0], [0], [1], [0, 0, 1, 1], [], []>, transpose_lhs_hint = false} : vector<8192x128xbf16>, vector<128x512xbf16>, vector<8192x512xf32> -> vector<8192x512xf32>
    %get3A_7 = arith.constant 0 : index
    %get3A_8 = arith.constant 0 : index
    %get3A_9 = vector.load %arg3[%get3A_7, %get3A_8] : memref<1x512xf32, #tpu.memory_space<vmem>>, vector<1x512xf32>
    %add3A = vector.broadcast %get3A_9 : vector<1x512xf32> to vector<8192x512xf32>
    %add3A_10 = arith.addf %dot_general3A_6, %add3A : vector<8192x512xf32>
    %max3A = arith.constant 0.000000e+00 : f32
    %max3A_11 = vector.broadcast %max3A : f32 to vector<8192x512xf32>
    %max3A_12 = arith.maximumf %add3A_10, %max3A_11 : vector<8192x512xf32>
    %convert_element_type3A_13 = arith.truncf %max3A_12 : vector<8192x512xf32> to vector<8192x512xbf16>
    %get3A_14 = arith.constant 0 : index
    %get3A_15 = arith.constant 0 : index
    %get3A_16 = vector.load %arg4[%get3A_14, %get3A_15] : memref<512x256xf32, #tpu.memory_space<vmem>>, vector<512x256xf32>
    %convert_element_type3A_17 = arith.truncf %get3A_16 : vector<512x256xf32> to vector<512x256xbf16>
    %dot_general3A_18 = arith.constant dense<0.000000e+00> : vector<8192x256xf32>
    %dot_general3A_19 = tpu.matmul %convert_element_type3A_13, %convert_element_type3A_17, %dot_general3A_18 {dimension_numbers = #tpu.dot_dimension_numbers<[1], [0], [0], [1], [0, 0, 1, 1], [], []>, transpose_lhs_hint = false} : vector<8192x512xbf16>, vector<512x256xbf16>, vector<8192x256xf32> -> vector<8192x256xf32>
    %get3A_20 = arith.constant 0 : index
    %get3A_21 = arith.constant 0 : index
    %get3A_22 = vector.load %arg5[%get3A_20, %get3A_21] : memref<1x256xf32, #tpu.memory_space<vmem>>, vector<1x256xf32>
    %add3A_23 = vector.broadcast %get3A_22 : vector<1x256xf32> to vector<8192x256xf32>
    %add3A_24 = arith.addf %dot_general3A_19, %add3A_23 : vector<8192x256xf32>
    %max3A_25 = arith.constant 0.000000e+00 : f32
    %max3A_26 = vector.broadcast %max3A_25 : f32 to vector<8192x256xf32>
    %max3A_27 = arith.maximumf %add3A_24, %max3A_26 : vector<8192x256xf32>
    %convert_element_type3A_28 = arith.truncf %max3A_27 : vector<8192x256xf32> to vector<8192x256xbf16>
    %get3A_29 = arith.constant 0 : index
    %get3A_30 = arith.constant 0 : index
    %get3A_31 = vector.load %arg6[%get3A_29, %get3A_30] : memref<256x100xf32, #tpu.memory_space<vmem>>, vector<256x100xf32>
    %convert_element_type3A_32 = arith.truncf %get3A_31 : vector<256x100xf32> to vector<256x100xbf16>
    %dot_general3A_33 = arith.constant dense<0.000000e+00> : vector<8192x100xf32>
    %dot_general3A_34 = tpu.matmul %convert_element_type3A_28, %convert_element_type3A_32, %dot_general3A_33 {dimension_numbers = #tpu.dot_dimension_numbers<[1], [0], [0], [1], [0, 0, 1, 1], [], []>, transpose_lhs_hint = false} : vector<8192x256xbf16>, vector<256x100xbf16>, vector<8192x100xf32> -> vector<8192x100xf32>
    %get3A_35 = arith.constant 0 : index
    %get3A_36 = arith.constant 0 : index
    %get3A_37 = vector.load %arg7[%get3A_35, %get3A_36] : memref<1x100xf32, #tpu.memory_space<vmem>>, vector<1x100xf32>
    %add3A_38 = vector.broadcast %get3A_37 : vector<1x100xf32> to vector<8192x100xf32>
    %add3A_39 = arith.addf %dot_general3A_34, %add3A_38 : vector<8192x100xf32>
    %transpose3A = tpu.transpose %add3A_39, [1, 0] : vector<8192x100xf32> -> vector<100x8192xf32>
    %swap3A = arith.constant 0 : index
    %swap3A_40 = arith.constant 0 : index
    %swap3A_41 = vector.load %arg8[%swap3A, %swap3A_40] : memref<100x8192xf32, #tpu.memory_space<vmem>>, vector<100x8192xf32>
    tpu.vector_store %arg8[%swap3A, %swap3A_40], %transpose3A {strides = array<i32>} : memref<100x8192xf32, #tpu.memory_space<vmem>>, vector<100x8192xf32>,
    return
  }
  func.func @transform_0(%arg0: i32) -> (i32, i32) {
    %c0_i32 = arith.constant 0 : i32
    %c0_i32_0 = arith.constant 0 : i32
    return %arg0, %c0_i32 : i32, i32
  }
  func.func @transform_1(%arg0: i32) -> (i32, i32) {
    %c0_i32 = arith.constant 0 : i32
    %c0_i32_0 = arith.constant 0 : i32
    %c0_i32_1 = arith.constant 0 : i32
    return %c0_i32, %c0_i32_0 : i32, i32
  }
  func.func @transform_2(%arg0: i32) -> (i32, i32) {
    %c0_i32 = arith.constant 0 : i32
    %c0_i32_0 = arith.constant 0 : i32
    %c0_i32_1 = arith.constant 0 : i32
    return %c0_i32, %c0_i32_0 : i32, i32
  }
  func.func @transform_3(%arg0: i32) -> (i32, i32) {
    %c0_i32 = arith.constant 0 : i32
    %c0_i32_0 = arith.constant 0 : i32
    %c0_i32_1 = arith.constant 0 : i32
    return %c0_i32, %c0_i32_0 : i32, i32
  }
  func.func @transform_4(%arg0: i32) -> (i32, i32) {
    %c0_i32 = arith.constant 0 : i32
    %c0_i32_0 = arith.constant 0 : i32
    %c0_i32_1 = arith.constant 0 : i32
    return %c0_i32, %c0_i32_0 : i32, i32
  }
  func.func @transform_5(%arg0: i32) -> (i32, i32) {
    %c0_i32 = arith.constant 0 : i32
    %c0_i32_0 = arith.constant 0 : i32
    %c0_i32_1 = arith.constant 0 : i32
    return %c0_i32, %c0_i32_0 : i32, i32
  }
  func.func @transform_6(%arg0: i32) -> (i32, i32) {
    %c0_i32 = arith.constant 0 : i32
    %c0_i32_0 = arith.constant 0 : i32
    %c0_i32_1 = arith.constant 0 : i32
    return %c0_i32, %c0_i32_0 : i32, i32
  }
  func.func @transform_7(%arg0: i32) -> (i32, i32) {
    %add3A = arith.constant 0 : i32
    %add3A_0 = arith.addi %add3A, %arg0 : i32
    %c0_i32 = arith.constant 0 : i32
    %c0_i32_1 = arith.constant 0 : i32
    return %c0_i32, %add3A_0 : i32, i32
  }
}

module attributes {stable_mosaic.version = 14 : i64} {
  func.func @_mlp_body_acc(%arg0: i32, %arg1: memref<100x204800xf32, #tpu.memory_space<any>>, %arg2: memref<8192x128xf32, #tpu.memory_space<vmem>>, %arg3: memref<128x512xf32, #tpu.memory_space<vmem>>, %arg4: memref<1x512xf32, #tpu.memory_space<vmem>>, %arg5: memref<512x256xf32, #tpu.memory_space<vmem>>, %arg6: memref<1x256xf32, #tpu.memory_space<vmem>>, %arg7: memref<256x100xf32, #tpu.memory_space<vmem>>, %arg8: memref<1x100xf32, #tpu.memory_space<vmem>>, %arg9: memref<100x8192xf32, #tpu.memory_space<vmem>>) attributes {dimension_semantics = [#tpu.dimension_semantics<arbitrary>], iteration_bounds = array<i64: 8>, scalar_prefetch = 0 : i64, scratch_operands = 0 : i64, tpu.core_type = #tpu.core_type<tc>, window_params = [{}, {transform_indices = @transform_1, window_bounds = array<i64: 8192, 128>}, {pipeline_mode = #tpu.pipeline_mode<synchronous>, transform_indices = @transform_2, window_bounds = array<i64: 128, 512>}, {pipeline_mode = #tpu.pipeline_mode<synchronous>, transform_indices = @transform_3, window_bounds = array<i64: 1, 512>}, {pipeline_mode = #tpu.pipeline_mode<synchronous>, transform_indices = @transform_4, window_bounds = array<i64: 512, 256>}, {pipeline_mode = #tpu.pipeline_mode<synchronous>, transform_indices = @transform_5, window_bounds = array<i64: 1, 256>}, {pipeline_mode = #tpu.pipeline_mode<synchronous>, transform_indices = @transform_6, window_bounds = array<i64: 256, 100>}, {pipeline_mode = #tpu.pipeline_mode<synchronous>, transform_indices = @transform_7, window_bounds = array<i64: 1, 100>}, {transform_indices = @transform_8, window_bounds = array<i64: 100, 8192>}]} {
    %get3A = arith.constant 0 : index
    %get3A_0 = arith.constant 0 : index
    %get3A_1 = vector.load %arg2[%get3A, %get3A_0] : memref<8192x128xf32, #tpu.memory_space<vmem>>, vector<8192x128xf32>
    %convert_element_type3A = arith.truncf %get3A_1 : vector<8192x128xf32> to vector<8192x128xbf16>
    %get3A_2 = arith.constant 0 : index
    %get3A_3 = arith.constant 0 : index
    %get3A_4 = vector.load %arg3[%get3A_2, %get3A_3] : memref<128x512xf32, #tpu.memory_space<vmem>>, vector<128x512xf32>
    %convert_element_type3A_5 = arith.truncf %get3A_4 : vector<128x512xf32> to vector<128x512xbf16>
    %dot_general3A = arith.constant dense<0.000000e+00> : vector<8192x512xf32>
    %dot_general3A_6 = tpu.matmul %convert_element_type3A, %convert_element_type3A_5, %dot_general3A {dimension_numbers = #tpu.dot_dimension_numbers<[1], [0], [0], [1], [0, 0, 1, 1], [], []>, transpose_lhs_hint = false} : vector<8192x128xbf16>, vector<128x512xbf16>, vector<8192x512xf32> -> vector<8192x512xf32>
    %get3A_7 = arith.constant 0 : index
    %get3A_8 = arith.constant 0 : index
    %get3A_9 = vector.load %arg4[%get3A_7, %get3A_8] : memref<1x512xf32, #tpu.memory_space<vmem>>, vector<1x512xf32>
    %add3A = vector.broadcast %get3A_9 : vector<1x512xf32> to vector<8192x512xf32>
    %add3A_10 = arith.addf %dot_general3A_6, %add3A : vector<8192x512xf32>
    %max3A = arith.constant 0.000000e+00 : f32
    %max3A_11 = vector.broadcast %max3A : f32 to vector<8192x512xf32>
    %max3A_12 = arith.maximumf %add3A_10, %max3A_11 : vector<8192x512xf32>
    %convert_element_type3A_13 = arith.truncf %max3A_12 : vector<8192x512xf32> to vector<8192x512xbf16>
    %get3A_14 = arith.constant 0 : index
    %get3A_15 = arith.constant 0 : index
    %get3A_16 = vector.load %arg5[%get3A_14, %get3A_15] : memref<512x256xf32, #tpu.memory_space<vmem>>, vector<512x256xf32>
    %convert_element_type3A_17 = arith.truncf %get3A_16 : vector<512x256xf32> to vector<512x256xbf16>
    %dot_general3A_18 = arith.constant dense<0.000000e+00> : vector<8192x256xf32>
    %dot_general3A_19 = tpu.matmul %convert_element_type3A_13, %convert_element_type3A_17, %dot_general3A_18 {dimension_numbers = #tpu.dot_dimension_numbers<[1], [0], [0], [1], [0, 0, 1, 1], [], []>, transpose_lhs_hint = false} : vector<8192x512xbf16>, vector<512x256xbf16>, vector<8192x256xf32> -> vector<8192x256xf32>
    %get3A_20 = arith.constant 0 : index
    %get3A_21 = arith.constant 0 : index
    %get3A_22 = vector.load %arg6[%get3A_20, %get3A_21] : memref<1x256xf32, #tpu.memory_space<vmem>>, vector<1x256xf32>
    %add3A_23 = vector.broadcast %get3A_22 : vector<1x256xf32> to vector<8192x256xf32>
    %add3A_24 = arith.addf %dot_general3A_19, %add3A_23 : vector<8192x256xf32>
    %max3A_25 = arith.constant 0.000000e+00 : f32
    %max3A_26 = vector.broadcast %max3A_25 : f32 to vector<8192x256xf32>
    %max3A_27 = arith.maximumf %add3A_24, %max3A_26 : vector<8192x256xf32>
    %convert_element_type3A_28 = arith.truncf %max3A_27 : vector<8192x256xf32> to vector<8192x256xbf16>
    %get3A_29 = arith.constant 0 : index
    %get3A_30 = arith.constant 0 : index
    %get3A_31 = vector.load %arg7[%get3A_29, %get3A_30] : memref<256x100xf32, #tpu.memory_space<vmem>>, vector<256x100xf32>
    %convert_element_type3A_32 = arith.truncf %get3A_31 : vector<256x100xf32> to vector<256x100xbf16>
    %dot_general3A_33 = arith.constant dense<0.000000e+00> : vector<8192x100xf32>
    %dot_general3A_34 = tpu.matmul %convert_element_type3A_28, %convert_element_type3A_32, %dot_general3A_33 {dimension_numbers = #tpu.dot_dimension_numbers<[1], [0], [0], [1], [0, 0, 1, 1], [], []>, transpose_lhs_hint = false} : vector<8192x256xbf16>, vector<256x100xbf16>, vector<8192x100xf32> -> vector<8192x100xf32>
    %get3A_35 = arith.constant 0 : index
    %get3A_36 = arith.constant 0 : index
    %get3A_37 = vector.load %arg8[%get3A_35, %get3A_36] : memref<1x100xf32, #tpu.memory_space<vmem>>, vector<1x100xf32>
    %add3A_38 = vector.broadcast %get3A_37 : vector<1x100xf32> to vector<8192x100xf32>
    %add3A_39 = arith.addf %dot_general3A_34, %add3A_38 : vector<8192x100xf32>
    %transpose3A = tpu.transpose %add3A_39, [1, 0] : vector<8192x100xf32> -> vector<100x8192xf32>
    %swap3A = arith.constant 0 : index
    %swap3A_40 = arith.constant 0 : index
    %swap3A_41 = vector.load %arg9[%swap3A, %swap3A_40] : memref<100x8192xf32, #tpu.memory_space<vmem>>, vector<100x8192xf32>
    tpu.vector_store %arg9[%swap3A, %swap3A_40], %transpose3A {strides = array<i32>} : memref<100x8192xf32, #tpu.memory_space<vmem>>, vector<100x8192xf32>,
    return
  }
  func.func @transform_1(%arg0: i32) -> (i32, i32) {
    %c0_i32 = arith.constant 0 : i32
    %c0_i32_0 = arith.constant 0 : i32
    return %arg0, %c0_i32 : i32, i32
  }
  func.func @transform_2(%arg0: i32) -> (i32, i32) {
    %c0_i32 = arith.constant 0 : i32
    %c0_i32_0 = arith.constant 0 : i32
    %c0_i32_1 = arith.constant 0 : i32
    return %c0_i32, %c0_i32_0 : i32, i32
  }
  func.func @transform_3(%arg0: i32) -> (i32, i32) {
    %c0_i32 = arith.constant 0 : i32
    %c0_i32_0 = arith.constant 0 : i32
    %c0_i32_1 = arith.constant 0 : i32
    return %c0_i32, %c0_i32_0 : i32, i32
  }
  func.func @transform_4(%arg0: i32) -> (i32, i32) {
    %c0_i32 = arith.constant 0 : i32
    %c0_i32_0 = arith.constant 0 : i32
    %c0_i32_1 = arith.constant 0 : i32
    return %c0_i32, %c0_i32_0 : i32, i32
  }
  func.func @transform_5(%arg0: i32) -> (i32, i32) {
    %c0_i32 = arith.constant 0 : i32
    %c0_i32_0 = arith.constant 0 : i32
    %c0_i32_1 = arith.constant 0 : i32
    return %c0_i32, %c0_i32_0 : i32, i32
  }
  func.func @transform_6(%arg0: i32) -> (i32, i32) {
    %c0_i32 = arith.constant 0 : i32
    %c0_i32_0 = arith.constant 0 : i32
    %c0_i32_1 = arith.constant 0 : i32
    return %c0_i32, %c0_i32_0 : i32, i32
  }
  func.func @transform_7(%arg0: i32) -> (i32, i32) {
    %c0_i32 = arith.constant 0 : i32
    %c0_i32_0 = arith.constant 0 : i32
    %c0_i32_1 = arith.constant 0 : i32
    return %c0_i32, %c0_i32_0 : i32, i32
  }
  func.func @transform_8(%arg0: i32) -> (i32, i32) {
    %add3A = arith.constant 7 : i32
    %add3A_0 = arith.addi %add3A, %arg0 : i32
    %c0_i32 = arith.constant 0 : i32
    %c0_i32_1 = arith.constant 0 : i32
    return %c0_i32, %add3A_0 : i32, i32
  }
}

module attributes {stable_mosaic.version = 14 : i64} {
  func.func @_mlp_body_acc(%arg0: i32, %arg1: memref<100x204800xf32, #tpu.memory_space<any>>, %arg2: memref<8192x128xf32, #tpu.memory_space<vmem>>, %arg3: memref<128x512xf32, #tpu.memory_space<vmem>>, %arg4: memref<1x512xf32, #tpu.memory_space<vmem>>, %arg5: memref<512x256xf32, #tpu.memory_space<vmem>>, %arg6: memref<1x256xf32, #tpu.memory_space<vmem>>, %arg7: memref<256x100xf32, #tpu.memory_space<vmem>>, %arg8: memref<1x100xf32, #tpu.memory_space<vmem>>, %arg9: memref<100x8192xf32, #tpu.memory_space<vmem>>) attributes {dimension_semantics = [#tpu.dimension_semantics<arbitrary>], iteration_bounds = array<i64: 10>, scalar_prefetch = 0 : i64, scratch_operands = 0 : i64, tpu.core_type = #tpu.core_type<tc>, window_params = [{}, {transform_indices = @transform_1, window_bounds = array<i64: 8192, 128>}, {pipeline_mode = #tpu.pipeline_mode<synchronous>, transform_indices = @transform_2, window_bounds = array<i64: 128, 512>}, {pipeline_mode = #tpu.pipeline_mode<synchronous>, transform_indices = @transform_3, window_bounds = array<i64: 1, 512>}, {pipeline_mode = #tpu.pipeline_mode<synchronous>, transform_indices = @transform_4, window_bounds = array<i64: 512, 256>}, {pipeline_mode = #tpu.pipeline_mode<synchronous>, transform_indices = @transform_5, window_bounds = array<i64: 1, 256>}, {pipeline_mode = #tpu.pipeline_mode<synchronous>, transform_indices = @transform_6, window_bounds = array<i64: 256, 100>}, {pipeline_mode = #tpu.pipeline_mode<synchronous>, transform_indices = @transform_7, window_bounds = array<i64: 1, 100>}, {transform_indices = @transform_8, window_bounds = array<i64: 100, 8192>}]} {
    %get3A = arith.constant 0 : index
    %get3A_0 = arith.constant 0 : index
    %get3A_1 = vector.load %arg2[%get3A, %get3A_0] : memref<8192x128xf32, #tpu.memory_space<vmem>>, vector<8192x128xf32>
    %convert_element_type3A = arith.truncf %get3A_1 : vector<8192x128xf32> to vector<8192x128xbf16>
    %get3A_2 = arith.constant 0 : index
    %get3A_3 = arith.constant 0 : index
    %get3A_4 = vector.load %arg3[%get3A_2, %get3A_3] : memref<128x512xf32, #tpu.memory_space<vmem>>, vector<128x512xf32>
    %convert_element_type3A_5 = arith.truncf %get3A_4 : vector<128x512xf32> to vector<128x512xbf16>
    %dot_general3A = arith.constant dense<0.000000e+00> : vector<8192x512xf32>
    %dot_general3A_6 = tpu.matmul %convert_element_type3A, %convert_element_type3A_5, %dot_general3A {dimension_numbers = #tpu.dot_dimension_numbers<[1], [0], [0], [1], [0, 0, 1, 1], [], []>, transpose_lhs_hint = false} : vector<8192x128xbf16>, vector<128x512xbf16>, vector<8192x512xf32> -> vector<8192x512xf32>
    %get3A_7 = arith.constant 0 : index
    %get3A_8 = arith.constant 0 : index
    %get3A_9 = vector.load %arg4[%get3A_7, %get3A_8] : memref<1x512xf32, #tpu.memory_space<vmem>>, vector<1x512xf32>
    %add3A = vector.broadcast %get3A_9 : vector<1x512xf32> to vector<8192x512xf32>
    %add3A_10 = arith.addf %dot_general3A_6, %add3A : vector<8192x512xf32>
    %max3A = arith.constant 0.000000e+00 : f32
    %max3A_11 = vector.broadcast %max3A : f32 to vector<8192x512xf32>
    %max3A_12 = arith.maximumf %add3A_10, %max3A_11 : vector<8192x512xf32>
    %convert_element_type3A_13 = arith.truncf %max3A_12 : vector<8192x512xf32> to vector<8192x512xbf16>
    %get3A_14 = arith.constant 0 : index
    %get3A_15 = arith.constant 0 : index
    %get3A_16 = vector.load %arg5[%get3A_14, %get3A_15] : memref<512x256xf32, #tpu.memory_space<vmem>>, vector<512x256xf32>
    %convert_element_type3A_17 = arith.truncf %get3A_16 : vector<512x256xf32> to vector<512x256xbf16>
    %dot_general3A_18 = arith.constant dense<0.000000e+00> : vector<8192x256xf32>
    %dot_general3A_19 = tpu.matmul %convert_element_type3A_13, %convert_element_type3A_17, %dot_general3A_18 {dimension_numbers = #tpu.dot_dimension_numbers<[1], [0], [0], [1], [0, 0, 1, 1], [], []>, transpose_lhs_hint = false} : vector<8192x512xbf16>, vector<512x256xbf16>, vector<8192x256xf32> -> vector<8192x256xf32>
    %get3A_20 = arith.constant 0 : index
    %get3A_21 = arith.constant 0 : index
    %get3A_22 = vector.load %arg6[%get3A_20, %get3A_21] : memref<1x256xf32, #tpu.memory_space<vmem>>, vector<1x256xf32>
    %add3A_23 = vector.broadcast %get3A_22 : vector<1x256xf32> to vector<8192x256xf32>
    %add3A_24 = arith.addf %dot_general3A_19, %add3A_23 : vector<8192x256xf32>
    %max3A_25 = arith.constant 0.000000e+00 : f32
    %max3A_26 = vector.broadcast %max3A_25 : f32 to vector<8192x256xf32>
    %max3A_27 = arith.maximumf %add3A_24, %max3A_26 : vector<8192x256xf32>
    %convert_element_type3A_28 = arith.truncf %max3A_27 : vector<8192x256xf32> to vector<8192x256xbf16>
    %get3A_29 = arith.constant 0 : index
    %get3A_30 = arith.constant 0 : index
    %get3A_31 = vector.load %arg7[%get3A_29, %get3A_30] : memref<256x100xf32, #tpu.memory_space<vmem>>, vector<256x100xf32>
    %convert_element_type3A_32 = arith.truncf %get3A_31 : vector<256x100xf32> to vector<256x100xbf16>
    %dot_general3A_33 = arith.constant dense<0.000000e+00> : vector<8192x100xf32>
    %dot_general3A_34 = tpu.matmul %convert_element_type3A_28, %convert_element_type3A_32, %dot_general3A_33 {dimension_numbers = #tpu.dot_dimension_numbers<[1], [0], [0], [1], [0, 0, 1, 1], [], []>, transpose_lhs_hint = false} : vector<8192x256xbf16>, vector<256x100xbf16>, vector<8192x100xf32> -> vector<8192x100xf32>
    %get3A_35 = arith.constant 0 : index
    %get3A_36 = arith.constant 0 : index
    %get3A_37 = vector.load %arg8[%get3A_35, %get3A_36] : memref<1x100xf32, #tpu.memory_space<vmem>>, vector<1x100xf32>
    %add3A_38 = vector.broadcast %get3A_37 : vector<1x100xf32> to vector<8192x100xf32>
    %add3A_39 = arith.addf %dot_general3A_34, %add3A_38 : vector<8192x100xf32>
    %transpose3A = tpu.transpose %add3A_39, [1, 0] : vector<8192x100xf32> -> vector<100x8192xf32>
    %swap3A = arith.constant 0 : index
    %swap3A_40 = arith.constant 0 : index
    %swap3A_41 = vector.load %arg9[%swap3A, %swap3A_40] : memref<100x8192xf32, #tpu.memory_space<vmem>>, vector<100x8192xf32>
    tpu.vector_store %arg9[%swap3A, %swap3A_40], %transpose3A {strides = array<i32>} : memref<100x8192xf32, #tpu.memory_space<vmem>>, vector<100x8192xf32>,
    return
  }
  func.func @transform_1(%arg0: i32) -> (i32, i32) {
    %c0_i32 = arith.constant 0 : i32
    %c0_i32_0 = arith.constant 0 : i32
    return %arg0, %c0_i32 : i32, i32
  }
  func.func @transform_2(%arg0: i32) -> (i32, i32) {
    %c0_i32 = arith.constant 0 : i32
    %c0_i32_0 = arith.constant 0 : i32
    %c0_i32_1 = arith.constant 0 : i32
    return %c0_i32, %c0_i32_0 : i32, i32
  }
  func.func @transform_3(%arg0: i32) -> (i32, i32) {
    %c0_i32 = arith.constant 0 : i32
    %c0_i32_0 = arith.constant 0 : i32
    %c0_i32_1 = arith.constant 0 : i32
    return %c0_i32, %c0_i32_0 : i32, i32
  }
  func.func @transform_4(%arg0: i32) -> (i32, i32) {
    %c0_i32 = arith.constant 0 : i32
    %c0_i32_0 = arith.constant 0 : i32
    %c0_i32_1 = arith.constant 0 : i32
    return %c0_i32, %c0_i32_0 : i32, i32
  }
  func.func @transform_5(%arg0: i32) -> (i32, i32) {
    %c0_i32 = arith.constant 0 : i32
    %c0_i32_0 = arith.constant 0 : i32
    %c0_i32_1 = arith.constant 0 : i32
    return %c0_i32, %c0_i32_0 : i32, i32
  }
  func.func @transform_6(%arg0: i32) -> (i32, i32) {
    %c0_i32 = arith.constant 0 : i32
    %c0_i32_0 = arith.constant 0 : i32
    %c0_i32_1 = arith.constant 0 : i32
    return %c0_i32, %c0_i32_0 : i32, i32
  }
  func.func @transform_7(%arg0: i32) -> (i32, i32) {
    %c0_i32 = arith.constant 0 : i32
    %c0_i32_0 = arith.constant 0 : i32
    %c0_i32_1 = arith.constant 0 : i32
    return %c0_i32, %c0_i32_0 : i32, i32
  }
  func.func @transform_8(%arg0: i32) -> (i32, i32) {
    %add3A = arith.constant 15 : i32
    %add3A_0 = arith.addi %add3A, %arg0 : i32
    %c0_i32 = arith.constant 0 : i32
    %c0_i32_1 = arith.constant 0 : i32
    return %c0_i32, %add3A_0 : i32, i32
  }
}

</mosaic_0001>

<sc_bundles>
// kernel: kernel.10.cloned.1.call-start
scs
__scs_entry_jumppad:
0x0: {  	(pc) =	sbr.rel $0x88, $3  }
0x1: {  	(tag) =	ssettag $0x0;
	lr =	simm.s32 $0x1  }
0x2: {  	[smem:$0x3F99] =	sst lr;
	_ =	strace $0xD0000000  }
0x3: {  	_ = 	snop  }
0x4: {  	_ = 	snop  }
0x5: {  	_ = 	snop  }
0x6: {  	_ = 	snop  }
0x7: {  	_ = 	snop  }
__scs_overlays_trampoline_lowered:
0x8: {  	[smem:$0x3FA8] =	sst s0  }
0x9: {  	[smem:$0x3FA9] =	sst s1  }
0xa: {  	[smem:$0x3FAA] =	sst s2  }
0xb: {  	[smem:$0x3FAB] =	sst s3  }
0xc: {  	[smem:$0x3FAC] =	sst s4  }
0xd: {  	[smem:$0x3FAD] =	sst s5  }
0xe: {  	[smem:$0x3FAE] =	sst s6  }
0xf: {  	[smem:$0x3FAF] =	sst s7  }
0x10: {  	[smem:$0x3FB0] =	sst s8  }
0x11: {  	[smem:$0x3FB1] =	sst s9;
	s0 =	simm.s32 @!p0 $0x0  }
0x12: {  	s1 =	sld [smem:$0x3F97];
	s0 =	simm.s32 @p0 $0x1  }
0x13: {  	[smem:$0x3FB2] =	sst s0;
	s0 =	simm.s32 @!p1 $0x0  }
0x14: {  	s2 =	sld [smem:$0x3F96];
	s0 =	simm.s32 @p1 $0x1  }
0x15: {  	[smem:$0x3FB3] =	sst s0;
	s0 =	simm.s32 @!p2 $0x0  }
0x16: {  	s3 =	sld [smem:$0x3FDB];
	s0 =	simm.s32 @p2 $0x1  }
0x17: {  	s4 =	simm.s32 $0x1BF5;
	[smem:$0x3FB5] =	sst s0  }
0x18: {  	s0 =	sld [smem:$0x3F98];
	_ =	swait.ge [sflag:s4], $0x0  }
0x19: {  	s7 =	sld [smem:$0x3F99]  }
0x1a: {  	s8 =	sadd.s32 $0xFFFFE003, lr  }
0x1b: {  	s9 =	sadd.s32 $0xFFFFFEF7, lr;
	s5 =	simm.s32 $0xFFFFFFFF;
	p2 =	slt.u32 s8, $0xFFFFF086  }
0x1c: {  	p1 =	slt.u32 s9, $0xF7A;
	s5 =	simm.s32 @!p2 $0x0  }
0x1d: {  	s5 =	simm.s32 @p1 $0x1;
	p0 =	seq.s32 s7, s2  }
0x1e: {  	s7 =	smul.u32 @!p0 $0xF7A, s2;
	p2 =	seq.s32 @!p0 s5, $0x0  }
0x1f: {  	s9 =	smul.u32 $0xF7A, s1;
	s8 =	simm.s32 @!p0 $0x1BF5;
	p2 =	por !p2, p0  }
0x20: {  	[sflag:s8] =	ssyncset.s32 @!p0 $0xFFFFF086;
	s6 =	sadd.s32 @!p0 s3, s7;
	s7 =	simm.s32 @!p0 $0x108  }
0x21: {  	s3 =	sadd.s32 s3, s9;
	s6 =	sadd.s32 @!p0 $0x88, s6;
	s7 =	simm.s32 @p2 $0x1082  }
0x22: {  	[simem:s7], [sflag:s8] =	dma.local @!p0 [hbm:s6], $0xF7A  }
0x23: {  	s9 =	sor.u32 $0xD0000000, s2;
	s6 =	simm.s32 $0x108;
	_ =	swait.ge @!p0 [sflag:s8], $0x0  }
0x24: {  	s3 =	sadd.s32 $0x88, s3;
	s6 =	simm.s32 @!p1 $0x1082;
	[sflag:s4] =	ssyncset.s32 $0xFFFFF086  }
0x25: {  	[simem:s6], [sflag:s4] =	dma.local [hbm:s3], $0xF7A  }
0x26: {  	[smem:$0x3F99] =	sst s1;
	(tag) =	ssettag s2;
	_ =	strace s9  }
0x27: {  	s1 =	sld [smem:$0x3FA9]  }
0x28: {  	s2 =	sld [smem:$0x3FAA]  }
0x29: {  	s4 =	sld [smem:$0x3FAC]  }
0x2a: {  	p0 =	seq.s32 s5, $0x0;
	s5 =	sld [smem:$0x3FAD]  }
0x2b: {  	s6 =	sld [smem:$0x3FAE]  }
0x2c: {  	s7 =	sld [smem:$0x3FAF]  }
0x2d: {  	s3 =	simm.s32 $0x108;
	s8 =	sld [smem:$0x3FB0]  }
0x2e: {  	s3 =	simm.s32 @!p0 $0x1082;
	s9 =	sld [smem:$0x3FB1]  }
0x2f: {  	lr =	sadd.s32 s0, s3;
	s0 =	sld [smem:$0x3FA8]  }
0x30: {  	s3 =	sld [smem:$0x3FAB]  }
0x31: {  	[smem:$0x3FB4] =	sst s10  }
0x32: {  	s10 =	sld [smem:$0x3FB2];
	_ =	sdelay $0x3  }
0x33: {  	p0 =	seq.s32 s10, $0x1;
	s10 =	sld [smem:$0x3FB4];
	_ =	sdelay $0x3  }
0x34: {  	[smem:$0x3FB4] =	sst s10  }
0x35: {  	s10 =	sld [smem:$0x3FB3];
	_ =	sdelay $0x3  }
0x36: {  	p1 =	seq.s32 s10, $0x1;
	s10 =	sld [smem:$0x3FB4];
	_ =	sdelay $0x3  }
0x37: {  	[smem:$0x3FB4] =	sst s10  }
0x38: {  	s10 =	sld [smem:$0x3FB5]  }
0x39: {  	_ = 	snop;
	(pc) =	sbr.ind lr, $3  }
0x3a: {  	_ = 	snop  }
0x3b: {  	_ = 	snop  }
0x3c: {  	p2 =	seq.s32 s10, $0x1;
	s10 =	sld [smem:$0x3FB4]  }
0x3d: {  	_ =	shalt  }
0x3e: {  	_ =	shalt  }
0x3f: {  	_ =	shalt  }
0x40: {  	_ =	shalt  }
0x41: {  	_ =	shalt  }
0x42: {  	_ =	shalt  }
0x43: {  	_ =	shalt  }
0x44: {  	_ =	shalt  }
0x45: {  	_ =	shalt  }
0x46: {  	_ =	shalt  }
0x47: {  	_ =	shalt  }
0x48: {  	_ =	shalt  }
0x49: {  	_ =	shalt  }
0x4a: {  	_ =	shalt  }
0x4b: {  	_ =	shalt  }
0x4c: {  	_ =	shalt  }
0x4d: {  	_ =	shalt  }
0x4e: {  	_ =	shalt  }
0x4f: {  	_ =	shalt  }
0x50: {  	_ =	shalt  }
0x51: {  	_ =	shalt  }
0x52: {  	_ =	shalt  }
0x53: {  	_ =	shalt  }
0x54: {  	_ =	shalt  }
0x55: {  	_ =	shalt  }
0x56: {  	_ =	shalt  }
0x57: {  	_ =	shalt  }
0x58: {  	_ =	shalt  }
0x59: {  	_ =	shalt  }
0x5a: {  	_ =	shalt  }
0x5b: {  	_ =	shalt  }
0x5c: {  	_ =	shalt  }
0x5d: {  	_ =	shalt  }
0x5e: {  	_ =	shalt  }
0x5f: {  	_ =	shalt  }
0x60: {  	_ =	shalt  }
0x61: {  	_ =	shalt  }
0x62: {  	_ =	shalt  }
0x63: {  	_ =	shalt  }
0x64: {  	_ =	shalt  }
0x65: {  	_ =	shalt  }
0x66: {  	_ =	shalt  }
0x67: {  	_ =	shalt  }
0x68: {  	_ =	shalt  }
0x69: {  	_ =	shalt  }
0x6a: {  	_ =	shalt  }
0x6b: {  	_ =	shalt  }
0x6c: {  	_ =	shalt  }
0x6d: {  	_ =	shalt  }
0x6e: {  	_ =	shalt  }
0x6f: {  	_ =	shalt  }
0x70: {  	_ =	shalt  }
0x71: {  	_ =	shalt  }
0x72: {  	_ =	shalt  }
0x73: {  	_ =	shalt  }
0x74: {  	_ =	shalt  }
0x75: {  	_ =	shalt  }
0x76: {  	_ =	shalt  }
0x77: {  	_ =	shalt  }
0x78: {  	_ =	shalt  }
0x79: {  	_ =	shalt  }
0x7a: {  	_ =	shalt  }
0x7b: {  	_ =	shalt  }
0x7c: {  	_ =	shalt  }
0x7d: {  	_ =	shalt  }
0x7e: {  	_ =	shalt  }
0x7f: {  	_ =	shalt  }
0x80: {  	_ =	shalt  }
0x81: {  	_ =	shalt  }
0x82: {  	_ =	shalt  }
0x83: {  	_ =	shalt  }
0x84: {  	_ =	shalt  }
0x85: {  	_ =	shalt  }
0x86: {  	_ =	shalt  }
0x87: {  	_ =	shalt  }
.Lfunc_end0:
.L_simem_size_0:
called_computation_lowered:
.L_overlay_start_0:
0x88: {  	s2 =	sld [smem:$0x3FD9]  }
0x89: {  	s3 =	sld [smem:$0x3FFE];
	_ =	sdelay $0x1  }
0x8a: {  	s1 =	srdreg.scid  }
0x8b: {  	s0 =	sand.u32 $0x1, s1  }
0x8c: {  	s17 =	sshll.u32 s0, $0xA;
	s2 =	sadd.s32 s3, s2  }
0x8d: {  	s2 =	sadd.s32 s2, s17  }
0x8e: {  	[smem:$0x3FC0] =	sst s2  }
0x8f: {  	_ = 	snop  }
0x90: {  	s2 =	sld [smem:$0x3FC8]  }
0x91: {  	s18 =	sld [smem:$0x3FD0];
	(tm) =	ssettm $0x1  }
0x92: {  	s4 =	sld [smem:$0x3FFB];
	_ =	sdelay $0x3  }
0x93: {  	_ =	strace s4  }
0x94: {  	s4 =	sld [smem:$0x3FFC];
	_ =	sdelay $0x3  }
0x95: {  	_ =	strace s4  }
0x96: {  	s4 =	sld [smem:$0x3FFD];
	_ =	sdelay $0x3  }
0x97: {  	_ =	strace s4  }
0x98: {  	_ =	strace $0x8FFFFFFF  }
0x99: {  	s19 =	sld [smem:$0x3FDB];
	_ =	sdelay $0x1  }
0x9a: {  	s5 =	simm.s32 $_scs_section_size  }
0x9b: {  	s6 =	simm.s32 $_size__tile_overlayer_lowered;
	s7 =	simm.s32 $_tile_overlayer_lowered  }
0x9c: {  	s22 =	simm.s32 $0x1BFF;
	s21 =	sshll.u32 s7, $0x1;
	s4 =	sadd.s32 s5, s19  }
0x9d: {  	s8 =	simm.s32 $0x0;
	s20 =	sshll.u32 s6, $0x1;
	s6 =	sadd.s32 s21, s4  }
0x9e: {  	[timem:s8], [sflag:s22] =	dma.local [hbm:s6], s20  }
0x9f: {  	_ =	swait.ge [sflag:s22], s20  }
0xa0: {  	s5 =	ssub.s32 $0x0, s20;
	[sflag:s22] =	ssyncset.done $0x0  }
0xa1: {  	[sflag:s22] =	ssyncadd.s32 s5;
	_ =	sdelay $0x1  }
0xa2: {  	s23 =	simm.s32 $0x1B8B  }
0xa3: {  	_ =	swait.ge [sflag:s23], $0x1  }
0xa4: {  	[sflag:s23] =	ssyncset.done $0x0  }
0xa5: {  	s25 =	simm.s32 $0x1B8E;
	s24 =	sld [smem:$0x3FFE];
	[sflag:s23] =	ssyncadd.s32 $0xFFFFFFFF  }
0xa6: {  	s26 =	simm.s32 $execute0_lowered;
	[smem:$0x3FD2] =	sst s25  }
0xa7: {  	s6 =	sshll.u32 s26, $0x1;
	_ =	strace $0x80000046;
	[dreg:$0x1] =	wrdreg $0xFFFFFFFF  }
0xa8: {  	s28 =	simm.s32 $_size_execute0_lowered;
	s4 =	sadd.s32 s4, s6;
	[dreg:$0x0] =	wrdreg $0x0  }
0xa9: {  	s6 =	sshll.u32 s28, $0x1;
	[dreg:$0x2] =	wrdreg s4  }
0xaa: {  	[dreg:$0x3] =	wrdreg s6  }
0xab: {  	[dreg:$0x4] =	wrdreg $0xC0  }
0xac: {  	_ =	task [dreg:s8], $0x5FFFF  }
0xad: {  	[dreg:$0x1] =	wrdreg $0xFFFFFFFF  }
0xae: {  	[dreg:$0x0] =	wrdreg $0x60  }
0xaf: {  	[dreg:$0x2] =	wrdreg s2  }
0xb0: {  	[dreg:$0x3] =	wrdreg s24  }
0xb1: {  	[dreg:$0x4] =	wrdreg s18  }
0xb2: {  	[dreg:$0x5] =	wrdreg $0x9  }
0xb3: {  	_ =	task.clear_ibuf [dreg:s8], $0x6FFFF;
	_ =	strace $0x90000046  }
0xb4: {  	s29 =	simm.s32 $0x9;
	_ =	strace $0x80000048  }
0xb5: {  	_ =	swait.ge [sflag:s29], $0x1  }
0xb6: {  	[sflag:s29] =	ssyncadd.s32 $0xFFFFFFFF  }
0xb7: {  	_ =	strace $0x90000048  }
0xb8: {  	_ =	sfence  }
0xb9: {  	s30 =	sld [smem:$0x0];
	_ =	sdelay $0x2  }
0xba: {  	s31 =	sshll.u32 s1, $0xD;
	s1 =	sshrl.u32 s1, $0x2  }
0xbb: {  	s3 =	sand.u32 $0x4000, s31;
	s1 =	sadd.s32 s1, s30  }
0xbc: {  	s0 =	sor.u32 s3, s0;
	s1 =	sshll.u32 s1, $0x11  }
0xbd: {  	s0 =	sor.u32 s1, s0  }
0xbe: {  	s0 =	sadd.s32 $0x8F2B, s0  }
0xbf: {  	[sflag:s0] =	ssyncadd.remote.s32 $0x1  }
0xc0: {  	_ =	sfence.sel $0xFFFF  }
0xc1: {  	[dreg:$0x0] =	wrdreg $0xFFFFFFFF;
	(pc) =	sbr.abs _section_cstart, $3  }
0xc2: {  	[dreg:$0x1] =	wrdreg $0xFFFFFFFF  }
0xc3: {  	_ =	task.clear_ibuf [dreg:s8], $0x2FFFF;
	_ =	strace $0x9FFFFFFF  }
0xc4: {  	(tm) =	ssettm $0x7FFFFFFF  }
0xc5: {  	_ =	shalt  }
tec
execute0_lowered:
.L_overlay_start_1:
0x0: {  	(tag) =	ssettag $0x1  }
0x1: {  	s2 =	srdreg.scid  }
0x2: {  	s1 =	rddreg [dreg:$0x0];
	s0 =	stileid.u32;
	s16 =	sand.u32 $0x1, s2  }
0x3: {  	s4 =	rddreg [dreg:$0x1];
	s31 =	sshll.u32 s0, $0xA;
	s3 =	sshll.u32 s16, $0x9  }
0x4: {  	s10 =	rddreg [dreg:$0x2];
	s11 =	sor.u32 s3, s31  }
0x5: {  	s2 =	rddreg [dreg:$0x3];
	s3 =	simm.s32 $0x0;
	s5 =	sshrl.u32 s11, $0x3  }
0x6: {  	[smem:$0x7FF] =	sst s3;
	s4 =	sadd.s32 s5, s4  }
0x7: {  	_ =	strace $0x80000047;
	s5 =	simm.s32 $0x3;
	s4 =	sadd.s32 $0x2000, s4  }
0x8: {  	[tilespmem:s3], [sflag:$0x3] =	stream.linear.gather [hbm4b:s4+s3], $0x200, $0x38;
	[tilespmem:$0x8200] =	vst v63  }
0x9: {  	_ =	swait.ge [sflag:s5], $0x200  }
0xa: {  	[sflag:s5] =	ssyncset.done $0x0  }
0xb: {  	s6 =	simm.s32 $0x80;
	s7 =	simm.s32 $0x200;
	[sflag:s5] =	ssyncadd.s32 $0xFFFFFE00  }
0xc: {  	[tilespmem:s7], [sflag:$0x1] =	stream.indirect.gather [hbm4b:s1+s6], $0x80, s3, s6, $0xb8;
	[tilespmem:$0x8200] =	vst v63  }
0xd: {  	s8 =	simm.s32 $0x4200;
	s9 =	simm.s32 $0x1  }
0xe: {  	[tilespmem:s8], [sflag:$0x1] =	stream.indirect.gather [hbm4b:s1+s6], $0x80, s6, s6, $0xb8;
	[tilespmem:$0x8200] =	vst v63  }
0xf: {  	_ =	swait.ge [sflag:s9], $0x4000  }
0x10: {  	s11 =	sshll.u32 s11, $0x4;
	[sflag:s9] =	ssyncset.done $0x0  }
0x11: {  	s11 =	sadd.s32 s10, s11;
	s10 =	simm.s32 $0x2;
	[sflag:s9] =	ssyncadd.s32 $0xFFFFC000  }
0x12: {  	[hbm4b:s11+s3] =	stream.linear.scatter [tilespmem:s7], [sflag:$0x2], $0x4000, $0x38;
	[tilespmem:$0x8200] =	vst v63  }
0x13: {  	_ =	swait.ge [sflag:s10], $0x4000  }
0x14: {  	[sflag:s10] =	ssyncset.done $0x0  }
0x15: {  	s12 =	simm.s32 $0x100;
	[sflag:s10] =	ssyncadd.s32 $0xFFFFC000  }
0x16: {  	[tilespmem:s7], [sflag:$0x1] =	stream.indirect.gather [hbm4b:s1+s6], $0x80, s12, s6, $0xb8;
	[tilespmem:$0x8200] =	vst v63  }
0x17: {  	_ =	swait.ge [sflag:s9], $0x4000  }
0x18: {  	[sflag:s9] =	ssyncset.done $0x0  }
0x19: {  	s13 =	sadd.s32 $0x800, s11;
	[sflag:s9] =	ssyncadd.s32 $0xFFFFC000  }
0x1a: {  	[hbm4b:s13+s3] =	stream.linear.scatter [tilespmem:s8], [sflag:$0x2], $0x4000, $0x38;
	[tilespmem:$0x8200] =	vst v63  }
0x1b: {  	_ =	swait.ge [sflag:s10], $0x4000  }
0x1c: {  	[sflag:s10] =	ssyncset.done $0x0  }
0x1d: {  	s14 =	simm.s32 $0x180;
	[sflag:s10] =	ssyncadd.s32 $0xFFFFC000  }
0x1e: {  	[tilespmem:s8], [sflag:$0x1] =	stream.indirect.gather [hbm4b:s1+s6], $0x80, s14, s6, $0xb8;
	[tilespmem:$0x8200] =	vst v63  }
0x1f: {  	_ =	swait.ge [sflag:s9], $0x4000  }
0x20: {  	[sflag:s9] =	ssyncset.done $0x0  }
0x21: {  	s16 =	ssub.s32 $0x2, s16;
	s15 =	sadd.s32 $0x1000, s11;
	[sflag:s9] =	ssyncadd.s32 $0xFFFFC000  }
0x22: {  	[hbm4b:s15+s3] =	stream.linear.scatter [tilespmem:s7], [sflag:$0x2], $0x4000, $0x38;
	[tilespmem:$0x8200] =	vst v63  }
0x23: {  	s17 =	sshrl.u32 s16, $0x1;
	_ =	swait.ge [sflag:s10], $0x4000  }
0x24: {  	s16 =	ssub.s32 s16, s17;
	[sflag:s10] =	ssyncset.done $0x0  }
0x25: {  	s17 =	smax.u32 s16, $0x1;
	[sflag:s10] =	ssyncadd.s32 $0xFFFFC000  }
0x26: {  	p0 =	sne.s32 s17, $0x1;
	_ =	swait.ge [sflag:s9], $0x4000  }
.Ltmp0:
0x27: {  	[sflag:s9] =	ssyncset.done $0x0;
	(pc) =	sbr.rel @!p0 .LBB2_2-.Ltmp0, $4  }
0x28: {  	s16 =	sadd.s32 $0x1800, s11;
	[sflag:s9] =	ssyncadd.s32 $0xFFFFC000  }
0x29: {  	[hbm4b:s16+s3] =	stream.linear.scatter [tilespmem:s8], [sflag:$0x2], $0x4000, $0x38;
	[tilespmem:$0x8200] =	vst v63  }
0x2a: {  	_ =	swait.ge [sflag:s10], $0x4000  }
0x2b: {  	s17 =	sadd.s32 $0xFFFFFFFF, s17;
	[sflag:s10] =	ssyncset.done $0x0  }
.LBB2_1:
0x2c: {  	p0 =	sne.s32 s17, $0x1;
	s17 =	sadd.s32 $0xFFFFFFFF, s17;
	[sflag:s10] =	ssyncadd.s32 $0xFFFFC000  }
0x2d: {  	[tilespmem:s3], [sflag:$0x3] =	stream.linear.gather [hbm4b:s4+s3], $0x200, $0x38;
	[tilespmem:$0x8200] =	vst v63  }
0x2e: {  	_ =	swait.ge [sflag:s5], $0x200  }
0x2f: {  	[sflag:s5] =	ssyncset.done $0x0  }
0x30: {  	[sflag:s5] =	ssyncadd.s32 $0xFFFFFE00  }
0x31: {  	[tilespmem:s7], [sflag:$0x1] =	stream.indirect.gather [hbm4b:s1+s6], $0x80, s3, s6, $0xb8;
	[tilespmem:$0x8200] =	vst v63  }
0x32: {  	_ = 	snop  }
0x33: {  	[tilespmem:s8], [sflag:$0x1] =	stream.indirect.gather [hbm4b:s1+s6], $0x80, s6, s6, $0xb8;
	[tilespmem:$0x8200] =	vst v63  }
0x34: {  	_ =	swait.ge [sflag:s9], $0x4000  }
0x35: {  	[sflag:s9] =	ssyncset.done $0x0  }
0x36: {  	[sflag:s9] =	ssyncadd.s32 $0xFFFFC000  }
0x37: {  	[hbm4b:s11+s3] =	stream.linear.scatter [tilespmem:s7], [sflag:$0x2], $0x4000, $0x38;
	[tilespmem:$0x8200] =	vst v63  }
0x38: {  	_ =	swait.ge [sflag:s10], $0x4000  }
0x39: {  	[sflag:s10] =	ssyncset.done $0x0  }
0x3a: {  	[sflag:s10] =	ssyncadd.s32 $0xFFFFC000  }
0x3b: {  	[tilespmem:s7], [sflag:$0x1] =	stream.indirect.gather [hbm4b:s1+s6], $0x80, s12, s6, $0xb8;
	[tilespmem:$0x8200] =	vst v63  }
0x3c: {  	_ =	swait.ge [sflag:s9], $0x4000  }
0x3d: {  	[sflag:s9] =	ssyncset.done $0x0  }
0x3e: {  	[sflag:s9] =	ssyncadd.s32 $0xFFFFC000  }
0x3f: {  	[hbm4b:s13+s3] =	stream.linear.scatter [tilespmem:s8], [sflag:$0x2], $0x4000, $0x38;
	[tilespmem:$0x8200] =	vst v63  }
0x40: {  	_ =	swait.ge [sflag:s10], $0x4000  }
0x41: {  	[sflag:s10] =	ssyncset.done $0x0  }
0x42: {  	[sflag:s10] =	ssyncadd.s32 $0xFFFFC000  }
0x43: {  	[tilespmem:s8], [sflag:$0x1] =	stream.indirect.gather [hbm4b:s1+s6], $0x80, s14, s6, $0xb8;
	[tilespmem:$0x8200] =	vst v63  }
0x44: {  	_ =	swait.ge [sflag:s9], $0x4000  }
0x45: {  	[sflag:s9] =	ssyncset.done $0x0  }
0x46: {  	[sflag:s9] =	ssyncadd.s32 $0xFFFFC000  }
0x47: {  	[hbm4b:s15+s3] =	stream.linear.scatter [tilespmem:s7], [sflag:$0x2], $0x4000, $0x38;
	[tilespmem:$0x8200] =	vst v63  }
0x48: {  	_ =	swait.ge [sflag:s10], $0x4000  }
0x49: {  	[sflag:s10] =	ssyncset.done $0x0  }
0x4a: {  	[sflag:s10] =	ssyncadd.s32 $0xFFFFC000  }
0x4b: {  	_ =	swait.ge [sflag:s9], $0x4000  }
.Ltmp1:
0x4c: {  	[sflag:s9] =	ssyncset.done $0x0;
	(pc) =	sbr.rel @p0 .LBB2_1-.Ltmp1, $4  }
0x4d: {  	[sflag:s9] =	ssyncadd.s32 $0xFFFFC000  }
0x4e: {  	[hbm4b:s16+s3] =	stream.linear.scatter [tilespmem:s8], [sflag:$0x2], $0x4000, $0x38;
	[tilespmem:$0x8200] =	vst v63  }
0x4f: {  	_ =	swait.ge [sflag:s10], $0x4000  }
0x50: {  	[sflag:s10] =	ssyncset.done $0x0  }
.LBB2_2:
0x51: {  	[sflag:s10] =	ssyncadd.s32 $0xFFFFC000  }
0x52: {  	_ =	sfence.sel $0x180000  }
0x53: {  	[bflag:$0x0] =	sbarrier.arrive $0xFFFF  }
0x54: {  	p0 =	sne.s32 s0, $0x0;
	_ =	strace $0x90000047  }
0x55: {  	s0 =	sadd.s32 @!p0 $0x100000, s2;
	[bflag:$0x2] =	sbarrier.arrive $0xFFFF  }
0x56: {  	[sflag:s0] =	ssyncadd.tile.s32 @!p0 $0x1;
	_ =	shalt  }
.Lfunc_end2:
_tile_overlayer_lowered:
.L_overlay_start_2:
0x57: {  	(tag) =	ssettag $0x2  }
0x58: {  	s0 =	rddreg [dreg:$0x0];
	s2 =	stileid.u32  }
0x59: {  	s1 =	rddreg [dreg:$0x1];
	p0 =	sne.s32 s2, $0x0  }
0x5a: {  	s3 =	rddreg [dreg:$0x2];
	[bflag:$0x3] =	sbarrier.arrive $0xFFFF;
	s2 =	simm.s32 @!p0 $0x1C03  }
0x5b: {  	[timem:s3], [sflag:s2] =	dma.local @!p0 [hbm:s0], s1  }
0x5c: {  	s0 =	simm.s32 @!p0 $0x3  }
0x5d: {  	_ =	swait.ge @!p0 [sflag:s0], s1  }
0x5e: {  	s1 =	ssub.s32 @!p0 $0x0, s1;
	[sflag:s0] =	ssyncset.done @!p0 $0x0  }
0x5f: {  	[sflag:s0] =	ssyncadd.s32 @!p0 s1  }
0x60: {  	[bflag:$0x3] =	sbarrier.arrive $0xFFFF  }
0x61: {  	_ =	shalt  }

// kernel: kernel.13.cloned.1.call-start
scs
__scs_entry_jumppad:
0x0: {  	(pc) =	sbr.rel $0x88, $3  }
0x1: {  	(tag) =	ssettag $0x0;
	lr =	simm.s32 $0x1  }
0x2: {  	[smem:$0x3F99] =	sst lr;
	_ =	strace $0xD0000000  }
0x3: {  	_ = 	snop  }
0x4: {  	_ = 	snop  }
0x5: {  	_ = 	snop  }
0x6: {  	_ = 	snop  }
0x7: {  	_ = 	snop  }
__scs_overlays_trampoline_lowered:
0x8: {  	[smem:$0x3FA8] =	sst s0  }
0x9: {  	[smem:$0x3FA9] =	sst s1  }
0xa: {  	[smem:$0x3FAA] =	sst s2  }
0xb: {  	[smem:$0x3FAB] =	sst s3  }
0xc: {  	[smem:$0x3FAC] =	sst s4  }
0xd: {  	[smem:$0x3FAD] =	sst s5  }
0xe: {  	[smem:$0x3FAE] =	sst s6  }
0xf: {  	[smem:$0x3FAF] =	sst s7  }
0x10: {  	[smem:$0x3FB0] =	sst s8  }
0x11: {  	[smem:$0x3FB1] =	sst s9;
	s0 =	simm.s32 @!p0 $0x0  }
0x12: {  	s1 =	sld [smem:$0x3F97];
	s0 =	simm.s32 @p0 $0x1  }
0x13: {  	[smem:$0x3FB2] =	sst s0;
	s0 =	simm.s32 @!p1 $0x0  }
0x14: {  	s2 =	sld [smem:$0x3F96];
	s0 =	simm.s32 @p1 $0x1  }
0x15: {  	[smem:$0x3FB3] =	sst s0;
	s0 =	simm.s32 @!p2 $0x0  }
0x16: {  	s3 =	sld [smem:$0x3FDB];
	s0 =	simm.s32 @p2 $0x1  }
0x17: {  	s4 =	simm.s32 $0x1BF5;
	[smem:$0x3FB5] =	sst s0  }
0x18: {  	s0 =	sld [smem:$0x3F98];
	_ =	swait.ge [sflag:s4], $0x0  }
0x19: {  	s7 =	sld [smem:$0x3F99]  }
0x1a: {  	s8 =	sadd.s32 $0xFFFFE003, lr  }
0x1b: {  	s9 =	sadd.s32 $0xFFFFFEF7, lr;
	s5 =	simm.s32 $0xFFFFFFFF;
	p2 =	slt.u32 s8, $0xFFFFF086  }
0x1c: {  	p1 =	slt.u32 s9, $0xF7A;
	s5 =	simm.s32 @!p2 $0x0  }
0x1d: {  	s5 =	simm.s32 @p1 $0x1;
	p0 =	seq.s32 s7, s2  }
0x1e: {  	s7 =	smul.u32 @!p0 $0xF7A, s2;
	p2 =	seq.s32 @!p0 s5, $0x0  }
0x1f: {  	s9 =	smul.u32 $0xF7A, s1;
	s8 =	simm.s32 @!p0 $0x1BF5;
	p2 =	por !p2, p0  }
0x20: {  	[sflag:s8] =	ssyncset.s32 @!p0 $0xFFFFF086;
	s6 =	sadd.s32 @!p0 s3, s7;
	s7 =	simm.s32 @!p0 $0x108  }
0x21: {  	s3 =	sadd.s32 s3, s9;
	s6 =	sadd.s32 @!p0 $0x88, s6;
	s7 =	simm.s32 @p2 $0x1082  }
0x22: {  	[simem:s7], [sflag:s8] =	dma.local @!p0 [hbm:s6], $0xF7A  }
0x23: {  	s9 =	sor.u32 $0xD0000000, s2;
	s6 =	simm.s32 $0x108;
	_ =	swait.ge @!p0 [sflag:s8], $0x0  }
0x24: {  	s3 =	sadd.s32 $0x88, s3;
	s6 =	simm.s32 @!p1 $0x1082;
	[sflag:s4] =	ssyncset.s32 $0xFFFFF086  }
0x25: {  	[simem:s6], [sflag:s4] =	dma.local [hbm:s3], $0xF7A  }
0x26: {  	[smem:$0x3F99] =	sst s1;
	(tag) =	ssettag s2;
	_ =	strace s9  }
0x27: {  	s1 =	sld [smem:$0x3FA9]  }
0x28: {  	s2 =	sld [smem:$0x3FAA]  }
0x29: {  	s4 =	sld [smem:$0x3FAC]  }
0x2a: {  	p0 =	seq.s32 s5, $0x0;
	s5 =	sld [smem:$0x3FAD]  }
0x2b: {  	s6 =	sld [smem:$0x3FAE]  }
0x2c: {  	s7 =	sld [smem:$0x3FAF]  }
0x2d: {  	s3 =	simm.s32 $0x108;
	s8 =	sld [smem:$0x3FB0]  }
0x2e: {  	s3 =	simm.s32 @!p0 $0x1082;
	s9 =	sld [smem:$0x3FB1]  }
0x2f: {  	lr =	sadd.s32 s0, s3;
	s0 =	sld [smem:$0x3FA8]  }
0x30: {  	s3 =	sld [smem:$0x3FAB]  }
0x31: {  	[smem:$0x3FB4] =	sst s10  }
0x32: {  	s10 =	sld [smem:$0x3FB2];
	_ =	sdelay $0x3  }
0x33: {  	p0 =	seq.s32 s10, $0x1;
	s10 =	sld [smem:$0x3FB4];
	_ =	sdelay $0x3  }
0x34: {  	[smem:$0x3FB4] =	sst s10  }
0x35: {  	s10 =	sld [smem:$0x3FB3];
	_ =	sdelay $0x3  }
0x36: {  	p1 =	seq.s32 s10, $0x1;
	s10 =	sld [smem:$0x3FB4];
	_ =	sdelay $0x3  }
0x37: {  	[smem:$0x3FB4] =	sst s10  }
0x38: {  	s10 =	sld [smem:$0x3FB5]  }
0x39: {  	_ = 	snop;
	(pc) =	sbr.ind lr, $3  }
0x3a: {  	_ = 	snop  }
0x3b: {  	_ = 	snop  }
0x3c: {  	p2 =	seq.s32 s10, $0x1;
	s10 =	sld [smem:$0x3FB4]  }
0x3d: {  	_ =	shalt  }
0x3e: {  	_ =	shalt  }
0x3f: {  	_ =	shalt  }
0x40: {  	_ =	shalt  }
0x41: {  	_ =	shalt  }
0x42: {  	_ =	shalt  }
0x43: {  	_ =	shalt  }
0x44: {  	_ =	shalt  }
0x45: {  	_ =	shalt  }
0x46: {  	_ =	shalt  }
0x47: {  	_ =	shalt  }
0x48: {  	_ =	shalt  }
0x49: {  	_ =	shalt  }
0x4a: {  	_ =	shalt  }
0x4b: {  	_ =	shalt  }
0x4c: {  	_ =	shalt  }
0x4d: {  	_ =	shalt  }
0x4e: {  	_ =	shalt  }
0x4f: {  	_ =	shalt  }
0x50: {  	_ =	shalt  }
0x51: {  	_ =	shalt  }
0x52: {  	_ =	shalt  }
0x53: {  	_ =	shalt  }
0x54: {  	_ =	shalt  }
0x55: {  	_ =	shalt  }
0x56: {  	_ =	shalt  }
0x57: {  	_ =	shalt  }
0x58: {  	_ =	shalt  }
0x59: {  	_ =	shalt  }
0x5a: {  	_ =	shalt  }
0x5b: {  	_ =	shalt  }
0x5c: {  	_ =	shalt  }
0x5d: {  	_ =	shalt  }
0x5e: {  	_ =	shalt  }
0x5f: {  	_ =	shalt  }
0x60: {  	_ =	shalt  }
0x61: {  	_ =	shalt  }
0x62: {  	_ =	shalt  }
0x63: {  	_ =	shalt  }
0x64: {  	_ =	shalt  }
0x65: {  	_ =	shalt  }
0x66: {  	_ =	shalt  }
0x67: {  	_ =	shalt  }
0x68: {  	_ =	shalt  }
0x69: {  	_ =	shalt  }
0x6a: {  	_ =	shalt  }
0x6b: {  	_ =	shalt  }
0x6c: {  	_ =	shalt  }
0x6d: {  	_ =	shalt  }
0x6e: {  	_ =	shalt  }
0x6f: {  	_ =	shalt  }
0x70: {  	_ =	shalt  }
0x71: {  	_ =	shalt  }
0x72: {  	_ =	shalt  }
0x73: {  	_ =	shalt  }
0x74: {  	_ =	shalt  }
0x75: {  	_ =	shalt  }
0x76: {  	_ =	shalt  }
0x77: {  	_ =	shalt  }
0x78: {  	_ =	shalt  }
0x79: {  	_ =	shalt  }
0x7a: {  	_ =	shalt  }
0x7b: {  	_ =	shalt  }
0x7c: {  	_ =	shalt  }
0x7d: {  	_ =	shalt  }
0x7e: {  	_ =	shalt  }
0x7f: {  	_ =	shalt  }
0x80: {  	_ =	shalt  }
0x81: {  	_ =	shalt  }
0x82: {  	_ =	shalt  }
0x83: {  	_ =	shalt  }
0x84: {  	_ =	shalt  }
0x85: {  	_ =	shalt  }
0x86: {  	_ =	shalt  }
0x87: {  	_ =	shalt  }
.Lfunc_end0:
.L_simem_size_0:
called_computation.1_lowered:
.L_overlay_start_0:
0x88: {  	s2 =	sld [smem:$0x3FD9]  }
0x89: {  	s3 =	sld [smem:$0x3FFE];
	_ =	sdelay $0x1  }
0x8a: {  	s1 =	srdreg.scid  }
0x8b: {  	s0 =	sand.u32 $0x1, s1  }
0x8c: {  	s17 =	sshll.u32 s0, $0xA;
	s2 =	sadd.s32 s3, s2  }
0x8d: {  	s2 =	sadd.s32 s2, s17  }
0x8e: {  	[smem:$0x3FC0] =	sst s2  }
0x8f: {  	_ = 	snop  }
0x90: {  	s18 =	sld [smem:$0x3FC8];
	(tm) =	ssettm $0x1  }
0x91: {  	s19 =	sld [smem:$0x3FFB];
	_ =	sdelay $0x3  }
0x92: {  	_ =	strace s19  }
0x93: {  	s2 =	sld [smem:$0x3FFC];
	_ =	sdelay $0x3  }
0x94: {  	_ =	strace s2  }
0x95: {  	s2 =	sld [smem:$0x3FFD];
	_ =	sdelay $0x3  }
0x96: {  	_ =	strace s2  }
0x97: {  	_ =	strace $0x8FFFFFFF  }
0x98: {  	s20 =	sld [smem:$0x3FDB];
	_ =	sdelay $0x1  }
0x99: {  	s4 =	simm.s32 $_scs_section_size  }
0x9a: {  	s5 =	simm.s32 $_size__tile_overlayer_lowered;
	s6 =	simm.s32 $_tile_overlayer_lowered  }
0x9b: {  	s7 =	simm.s32 $0x1BFF;
	s21 =	sshll.u32 s6, $0x1;
	s4 =	sadd.s32 s4, s20  }
0x9c: {  	s22 =	simm.s32 $0x0;
	s5 =	sshll.u32 s5, $0x1;
	s6 =	sadd.s32 s21, s4  }
0x9d: {  	[timem:s22], [sflag:s7] =	dma.local [hbm:s6], s5  }
0x9e: {  	_ =	swait.ge [sflag:s7], s5  }
0x9f: {  	s5 =	ssub.s32 $0x0, s5;
	[sflag:s7] =	ssyncset.done $0x0  }
0xa0: {  	[sflag:s7] =	ssyncadd.s32 s5;
	_ =	sdelay $0x1  }
0xa1: {  	s23 =	simm.s32 $0x1B8B  }
0xa2: {  	_ =	swait.ge [sflag:s23], $0x1  }
0xa3: {  	[sflag:s23] =	ssyncset.done $0x0  }
0xa4: {  	[sflag:s23] =	ssyncadd.s32 $0xFFFFFFFF  }
0xa5: {  	s5 =	sld [smem:$0x0]  }
0xa6: {  	s6 =	sand.u32 $0xFFFFFFFE, s1  }
0xa7: {  	p0 =	sne.s32 s1, s6  }
0xa8: {  	s6 =	sshll.u32 @p0 s6, $0xE  }
0xa9: {  	s6 =	sadd.s32 @p0 $0x11B8D, s6;
	s7 =	sshll.u32 @p0 s5, $0x11  }
0xaa: {  	s6 =	sor.u32 @p0 s7, s6  }
0xab: {  	[sflag:s6] =	ssyncadd.remote.s32 @p0 $0x1;
	_ =	sdelay $0x1  }
0xac: {  	s6 =	simm.s32 @p0 $0x1B8D  }
0xad: {  	_ =	swait.eq @p0 [sflag:s6], $0x1  }
0xae: {  	[sflag:s6] =	ssyncadd.s32 @p0 $0xFFFFFFFF  }
0xaf: {  	s7 =	sshll.u32 @!p0 s1, $0xE  }
0xb0: {  	s7 =	sor.u32 @!p0 $0x4000, s7;
	s6 =	simm.s32 @!p0 $0x1B8D  }
0xb1: {  	s5 =	sshll.u32 @!p0 s5, $0x11;
	s7 =	sadd.s32 @!p0 $0x11B8D, s7;
	_ =	swait.eq @!p0 [sflag:s6], $0x1  }
0xb2: {  	s5 =	sor.u32 @!p0 s5, s7;
	[sflag:s6] =	ssyncadd.s32 @!p0 $0xFFFFFFFF  }
0xb3: {  	s25 =	simm.s32 $0x1B8E;
	s24 =	sld [smem:$0x3FFE];
	[sflag:s5] =	ssyncadd.remote.s32 @!p0 $0x1  }
0xb4: {  	s26 =	simm.s32 $execute0_lowered;
	[smem:$0x3FD2] =	sst s25  }
0xb5: {  	s6 =	sshll.u32 s26, $0x1;
	_ =	strace $0x80000049;
	[dreg:$0x1] =	wrdreg $0xFFFFFFFF  }
0xb6: {  	s28 =	simm.s32 $_size_execute0_lowered;
	s4 =	sadd.s32 s4, s6;
	[dreg:$0x0] =	wrdreg $0x0  }
0xb7: {  	s6 =	sshll.u32 s28, $0x1;
	[dreg:$0x2] =	wrdreg s4  }
0xb8: {  	[dreg:$0x3] =	wrdreg s6  }
0xb9: {  	[dreg:$0x4] =	wrdreg $0xC0  }
0xba: {  	_ =	task [dreg:s22], $0x5FFFF  }
0xbb: {  	[dreg:$0x1] =	wrdreg $0xFFFFFFFF  }
0xbc: {  	[dreg:$0x0] =	wrdreg $0x60  }
0xbd: {  	[dreg:$0x2] =	wrdreg s18  }
0xbe: {  	[dreg:$0x3] =	wrdreg s24  }
0xbf: {  	[dreg:$0x4] =	wrdreg $0xA  }
0xc0: {  	_ =	task.clear_ibuf [dreg:s22], $0x5FFFF;
	_ =	strace $0x90000049  }
0xc1: {  	s29 =	simm.s32 $0xA;
	_ =	strace $0x8000004B  }
0xc2: {  	_ =	swait.ge [sflag:s29], $0x1  }
0xc3: {  	[sflag:s29] =	ssyncadd.s32 $0xFFFFFFFF  }
0xc4: {  	_ =	strace $0x9000004B  }
0xc5: {  	_ =	sfence  }
0xc6: {  	s30 =	sld [smem:$0x0];
	_ =	sdelay $0x2  }
0xc7: {  	s31 =	sshll.u32 s1, $0xD;
	s1 =	sshrl.u32 s1, $0x2  }
0xc8: {  	s4 =	sand.u32 $0x4000, s31;
	s1 =	sadd.s32 s1, s30  }
0xc9: {  	s0 =	sor.u32 s4, s0;
	s1 =	sshll.u32 s1, $0x11  }
0xca: {  	s0 =	sor.u32 s1, s0  }
0xcb: {  	s0 =	sadd.s32 $0x8F2B, s0  }
0xcc: {  	[sflag:s0] =	ssyncadd.remote.s32 $0x1  }
0xcd: {  	_ =	sfence.sel $0xFFFF  }
0xce: {  	[dreg:$0x0] =	wrdreg $0xFFFFFFFF;
	(pc) =	sbr.abs _section_cstart, $3  }
0xcf: {  	[dreg:$0x1] =	wrdreg $0xFFFFFFFF  }
0xd0: {  	_ =	task.clear_ibuf [dreg:s22], $0x2FFFF;
	_ =	strace $0x9FFFFFFF  }
0xd1: {  	(tm) =	ssettm $0x7FFFFFFF  }
tec
execute0_lowered:
.L_overlay_start_1:
0x0: {  	(tag) =	ssettag $0x1  }
0x1: {  	s1 =	srdreg.scid;
	s0 =	stileid.u32  }
0x2: {  	s29 =	sand.u32 $0x1, s1;
	s26 =	sshll.u32 s0, $0x1  }
0x3: {  	s2 =	rddreg [dreg:$0x0];
	s12 =	sor.u32 s29, s26  }
0x4: {  	s10 =	rddreg [dreg:$0x1];
	s3 =	simm.s32 $0x0;
	s4 =	sshll.u32 s12, $0x8  }
0x5: {  	s5 =	simm.s32 $0x3;
	[smem:$0x7FF] =	sst s3;
	s4 =	sadd.s32 s4, s10  }
0x6: {  	s1 =	rddreg [dreg:$0x2];
	_ =	strace $0x8000004A;
	s4 =	sadd.s32 $0x2800, s4  }
0x7: {  	[tilespmem:s3], [sflag:$0x3] =	stream.linear.gather [hbm4b:s4+s3], $0x500, $0x38;
	[tilespmem:$0x8800] =	vst v63  }
0x8: {  	_ =	swait.ge [sflag:s5], $0x500  }
0x9: {  	[sflag:s5] =	ssyncset.done $0x0  }
0xa: {  	s6 =	simm.s32 $0x80;
	s7 =	simm.s32 $0x800;
	[sflag:s5] =	ssyncadd.s32 $0xFFFFFB00  }
0xb: {  	[tilespmem:s7], [sflag:$0x1] =	stream.indirect.gather [hbm4b:s2+s6], $0x80, s3, s6, $0xb8;
	[tilespmem:$0x8800] =	vst v63  }
0xc: {  	s8 =	simm.s32 $0x4800;
	s9 =	simm.s32 $0x1;
	s11 =	smul.u32 $0x28000, s12  }
0xd: {  	[tilespmem:s8], [sflag:$0x1] =	stream.indirect.gather [hbm4b:s2+s6], $0x80, s6, s6, $0xb8;
	[tilespmem:$0x8800] =	vst v63  }
0xe: {  	_ =	swait.ge [sflag:s9], $0x4000  }
0xf: {  	s13 =	sadd.s32 $0x4800, s10;
	s31 =	sshrl.u32 s11, $0x3;
	[sflag:s9] =	ssyncset.done $0x0  }
0x10: {  	s10 =	simm.s32 $0x2;
	s11 =	sadd.s32 s13, s31;
	[sflag:s9] =	ssyncadd.s32 $0xFFFFC000  }
0x11: {  	[hbm4b:s11+s3] =	stream.linear.scatter [tilespmem:s7], [sflag:$0x2], $0x4000, $0x38;
	[tilespmem:$0x8800] =	vst v63  }
0x12: {  	_ =	swait.ge [sflag:s10], $0x4000  }
0x13: {  	[sflag:s10] =	ssyncset.done $0x0  }
0x14: {  	s14 =	smul.u32 $0x5000, s12;
	s12 =	simm.s32 $0x100;
	[sflag:s10] =	ssyncadd.s32 $0xFFFFC000  }
0x15: {  	[tilespmem:s7], [sflag:$0x1] =	stream.indirect.gather [hbm4b:s2+s6], $0x80, s12, s6, $0xb8;
	[tilespmem:$0x8800] =	vst v63  }
0x16: {  	_ =	swait.ge [sflag:s9], $0x4000  }
0x17: {  	s30 =	sadd.s32 s13, s14;
	[sflag:s9] =	ssyncset.done $0x0  }
0x18: {  	s13 =	sadd.s32 $0x800, s30;
	[sflag:s9] =	ssyncadd.s32 $0xFFFFC000  }
0x19: {  	[hbm4b:s13+s3] =	stream.linear.scatter [tilespmem:s8], [sflag:$0x2], $0x4000, $0x38;
	[tilespmem:$0x8800] =	vst v63  }
0x1a: {  	_ =	swait.ge [sflag:s10], $0x4000  }
0x1b: {  	[sflag:s10] =	ssyncset.done $0x0  }
0x1c: {  	s14 =	simm.s32 $0x180;
	[sflag:s10] =	ssyncadd.s32 $0xFFFFC000  }
0x1d: {  	[tilespmem:s8], [sflag:$0x1] =	stream.indirect.gather [hbm4b:s2+s6], $0x80, s14, s6, $0xb8;
	[tilespmem:$0x8800] =	vst v63  }
0x1e: {  	_ =	swait.ge [sflag:s9], $0x4000  }
0x1f: {  	[sflag:s9] =	ssyncset.done $0x0  }
0x20: {  	s15 =	sadd.s32 $0x1000, s11;
	[sflag:s9] =	ssyncadd.s32 $0xFFFFC000  }
0x21: {  	[hbm4b:s15+s3] =	stream.linear.scatter [tilespmem:s7], [sflag:$0x2], $0x4000, $0x38;
	[tilespmem:$0x8800] =	vst v63  }
0x22: {  	_ =	swait.ge [sflag:s10], $0x4000  }
0x23: {  	[sflag:s10] =	ssyncset.done $0x0  }
0x24: {  	s16 =	simm.s32 $0x200;
	[sflag:s10] =	ssyncadd.s32 $0xFFFFC000  }
0x25: {  	[tilespmem:s7], [sflag:$0x1] =	stream.indirect.gather [hbm4b:s2+s6], $0x80, s16, s6, $0xb8;
	[tilespmem:$0x8800] =	vst v63  }
0x26: {  	_ =	swait.ge [sflag:s9], $0x4000  }
0x27: {  	[sflag:s9] =	ssyncset.done $0x0  }
0x28: {  	s17 =	sadd.s32 $0x1800, s30;
	[sflag:s9] =	ssyncadd.s32 $0xFFFFC000  }
0x29: {  	[hbm4b:s17+s3] =	stream.linear.scatter [tilespmem:s8], [sflag:$0x2], $0x4000, $0x38;
	[tilespmem:$0x8800] =	vst v63  }
0x2a: {  	_ =	swait.ge [sflag:s10], $0x4000  }
0x2b: {  	[sflag:s10] =	ssyncset.done $0x0  }
0x2c: {  	s18 =	simm.s32 $0x280;
	[sflag:s10] =	ssyncadd.s32 $0xFFFFC000  }
0x2d: {  	[tilespmem:s8], [sflag:$0x1] =	stream.indirect.gather [hbm4b:s2+s6], $0x80, s18, s6, $0xb8;
	[tilespmem:$0x8800] =	vst v63  }
0x2e: {  	_ =	swait.ge [sflag:s9], $0x4000  }
0x2f: {  	[sflag:s9] =	ssyncset.done $0x0  }
0x30: {  	s19 =	sadd.s32 $0x2000, s11;
	[sflag:s9] =	ssyncadd.s32 $0xFFFFC000  }
0x31: {  	[hbm4b:s19+s3] =	stream.linear.scatter [tilespmem:s7], [sflag:$0x2], $0x4000, $0x38;
	[tilespmem:$0x8800] =	vst v63  }
0x32: {  	_ =	swait.ge [sflag:s10], $0x4000  }
0x33: {  	[sflag:s10] =	ssyncset.done $0x0  }
0x34: {  	s20 =	simm.s32 $0x300;
	[sflag:s10] =	ssyncadd.s32 $0xFFFFC000  }
0x35: {  	[tilespmem:s7], [sflag:$0x1] =	stream.indirect.gather [hbm4b:s2+s6], $0x80, s20, s6, $0xb8;
	[tilespmem:$0x8800] =	vst v63  }
0x36: {  	_ =	swait.ge [sflag:s9], $0x4000  }
0x37: {  	[sflag:s9] =	ssyncset.done $0x0  }
0x38: {  	s21 =	sadd.s32 $0x2800, s30;
	[sflag:s9] =	ssyncadd.s32 $0xFFFFC000  }
0x39: {  	[hbm4b:s21+s3] =	stream.linear.scatter [tilespmem:s8], [sflag:$0x2], $0x4000, $0x38;
	[tilespmem:$0x8800] =	vst v63  }
0x3a: {  	_ =	swait.ge [sflag:s10], $0x4000  }
0x3b: {  	[sflag:s10] =	ssyncset.done $0x0  }
0x3c: {  	s22 =	simm.s32 $0x380;
	[sflag:s10] =	ssyncadd.s32 $0xFFFFC000  }
0x3d: {  	[tilespmem:s8], [sflag:$0x1] =	stream.indirect.gather [hbm4b:s2+s6], $0x80, s22, s6, $0xb8;
	[tilespmem:$0x8800] =	vst v63  }
0x3e: {  	_ =	swait.ge [sflag:s9], $0x4000  }
0x3f: {  	[sflag:s9] =	ssyncset.done $0x0  }
0x40: {  	s23 =	sadd.s32 $0x3000, s11;
	[sflag:s9] =	ssyncadd.s32 $0xFFFFC000  }
0x41: {  	[hbm4b:s23+s3] =	stream.linear.scatter [tilespmem:s7], [sflag:$0x2], $0x4000, $0x38;
	[tilespmem:$0x8800] =	vst v63  }
0x42: {  	_ =	swait.ge [sflag:s10], $0x4000  }
0x43: {  	[sflag:s10] =	ssyncset.done $0x0  }
0x44: {  	s24 =	simm.s32 $0x400;
	[sflag:s10] =	ssyncadd.s32 $0xFFFFC000  }
0x45: {  	[tilespmem:s7], [sflag:$0x1] =	stream.indirect.gather [hbm4b:s2+s6], $0x80, s24, s6, $0xb8;
	[tilespmem:$0x8800] =	vst v63  }
0x46: {  	_ =	swait.ge [sflag:s9], $0x4000  }
0x47: {  	[sflag:s9] =	ssyncset.done $0x0  }
0x48: {  	s25 =	sadd.s32 $0x3800, s30;
	[sflag:s9] =	ssyncadd.s32 $0xFFFFC000  }
0x49: {  	[hbm4b:s25+s3] =	stream.linear.scatter [tilespmem:s8], [sflag:$0x2], $0x4000, $0x38;
	[tilespmem:$0x8800] =	vst v63  }
0x4a: {  	_ =	swait.ge [sflag:s10], $0x4000  }
0x4b: {  	[sflag:s10] =	ssyncset.done $0x0  }
0x4c: {  	s26 =	simm.s32 $0x480;
	[sflag:s10] =	ssyncadd.s32 $0xFFFFC000  }
0x4d: {  	[tilespmem:s8], [sflag:$0x1] =	stream.indirect.gather [hbm4b:s2+s6], $0x80, s26, s6, $0xb8;
	[tilespmem:$0x8800] =	vst v63  }
0x4e: {  	_ =	swait.ge [sflag:s9], $0x4000  }
0x4f: {  	[sflag:s9] =	ssyncset.done $0x0  }
0x50: {  	s29 =	ssub.s32 $0x2, s29;
	s28 =	sadd.s32 $0x4000, s11;
	[sflag:s9] =	ssyncadd.s32 $0xFFFFC000  }
0x51: {  	[hbm4b:s28+s3] =	stream.linear.scatter [tilespmem:s7], [sflag:$0x2], $0x4000, $0x38;
	[tilespmem:$0x8800] =	vst v63  }
0x52: {  	s31 =	sshrl.u32 s29, $0x1;
	_ =	swait.ge [sflag:s10], $0x4000  }
0x53: {  	s29 =	ssub.s32 s29, s31;
	[sflag:s10] =	ssyncset.done $0x0  }
0x54: {  	s31 =	smax.u32 s29, $0x1;
	[sflag:s10] =	ssyncadd.s32 $0xFFFFC000  }
0x55: {  	p0 =	sne.s32 s31, $0x1;
	_ =	swait.ge [sflag:s9], $0x4000  }
.Ltmp0:
0x56: {  	[sflag:s9] =	ssyncset.done $0x0;
	(pc) =	sbr.rel @!p0 .LBB2_2-.Ltmp0, $4  }
0x57: {  	s29 =	sadd.s32 $0x4800, s30;
	[sflag:s9] =	ssyncadd.s32 $0xFFFFC000  }
0x58: {  	[hbm4b:s29+s3] =	stream.linear.scatter [tilespmem:s8], [sflag:$0x2], $0x4000, $0x38;
	[tilespmem:$0x8800] =	vst v63  }
0x59: {  	_ =	swait.ge [sflag:s10], $0x4000  }
0x5a: {  	s30 =	sadd.s32 $0xFFFFFFFF, s31;
	[sflag:s10] =	ssyncset.done $0x0  }
.LBB2_1:
0x5b: {  	p0 =	sne.s32 s30, $0x1;
	s30 =	sadd.s32 $0xFFFFFFFF, s30;
	[sflag:s10] =	ssyncadd.s32 $0xFFFFC000  }
0x5c: {  	[tilespmem:s3], [sflag:$0x3] =	stream.linear.gather [hbm4b:s4+s3], $0x500, $0x38;
	[tilespmem:$0x8800] =	vst v63  }
0x5d: {  	_ =	swait.ge [sflag:s5], $0x500  }
0x5e: {  	[sflag:s5] =	ssyncset.done $0x0  }
0x5f: {  	[sflag:s5] =	ssyncadd.s32 $0xFFFFFB00  }
0x60: {  	[tilespmem:s7], [sflag:$0x1] =	stream.indirect.gather [hbm4b:s2+s6], $0x80, s3, s6, $0xb8;
	[tilespmem:$0x8800] =	vst v63  }
0x61: {  	_ = 	snop  }
0x62: {  	[tilespmem:s8], [sflag:$0x1] =	stream.indirect.gather [hbm4b:s2+s6], $0x80, s6, s6, $0xb8;
	[tilespmem:$0x8800] =	vst v63  }
0x63: {  	_ =	swait.ge [sflag:s9], $0x4000  }
0x64: {  	[sflag:s9] =	ssyncset.done $0x0  }
0x65: {  	[sflag:s9] =	ssyncadd.s32 $0xFFFFC000  }
0x66: {  	[hbm4b:s11+s3] =	stream.linear.scatter [tilespmem:s7], [sflag:$0x2], $0x4000, $0x38;
	[tilespmem:$0x8800] =	vst v63  }
0x67: {  	_ =	swait.ge [sflag:s10], $0x4000  }
0x68: {  	[sflag:s10] =	ssyncset.done $0x0  }
0x69: {  	[sflag:s10] =	ssyncadd.s32 $0xFFFFC000  }
0x6a: {  	[tilespmem:s7], [sflag:$0x1] =	stream.indirect.gather [hbm4b:s2+s6], $0x80, s12, s6, $0xb8;
	[tilespmem:$0x8800] =	vst v63  }
0x6b: {  	_ =	swait.ge [sflag:s9], $0x4000  }
0x6c: {  	[sflag:s9] =	ssyncset.done $0x0  }
0x6d: {  	[sflag:s9] =	ssyncadd.s32 $0xFFFFC000  }
0x6e: {  	[hbm4b:s13+s3] =	stream.linear.scatter [tilespmem:s8], [sflag:$0x2], $0x4000, $0x38;
	[tilespmem:$0x8800] =	vst v63  }
0x6f: {  	_ =	swait.ge [sflag:s10], $0x4000  }
0x70: {  	[sflag:s10] =	ssyncset.done $0x0  }
0x71: {  	[sflag:s10] =	ssyncadd.s32 $0xFFFFC000  }
0x72: {  	[tilespmem:s8], [sflag:$0x1] =	stream.indirect.gather [hbm4b:s2+s6], $0x80, s14, s6, $0xb8;
	[tilespmem:$0x8800] =	vst v63  }
0x73: {  	_ =	swait.ge [sflag:s9], $0x4000  }
0x74: {  	[sflag:s9] =	ssyncset.done $0x0  }
0x75: {  	[sflag:s9] =	ssyncadd.s32 $0xFFFFC000  }
0x76: {  	[hbm4b:s15+s3] =	stream.linear.scatter [tilespmem:s7], [sflag:$0x2], $0x4000, $0x38;
	[tilespmem:$0x8800] =	vst v63  }
0x77: {  	_ =	swait.ge [sflag:s10], $0x4000  }
0x78: {  	[sflag:s10] =	ssyncset.done $0x0  }
0x79: {  	[sflag:s10] =	ssyncadd.s32 $0xFFFFC000  }
0x7a: {  	[tilespmem:s7], [sflag:$0x1] =	stream.indirect.gather [hbm4b:s2+s6], $0x80, s16, s6, $0xb8;
	[tilespmem:$0x8800] =	vst v63  }
0x7b: {  	_ =	swait.ge [sflag:s9], $0x4000  }
0x7c: {  	[sflag:s9] =	ssyncset.done $0x0  }
0x7d: {  	[sflag:s9] =	ssyncadd.s32 $0xFFFFC000  }
0x7e: {  	[hbm4b:s17+s3] =	stream.linear.scatter [tilespmem:s8], [sflag:$0x2], $0x4000, $0x38;
	[tilespmem:$0x8800] =	vst v63  }
0x7f: {  	_ =	swait.ge [sflag:s10], $0x4000  }
0x80: {  	[sflag:s10] =	ssyncset.done $0x0  }
0x81: {  	[sflag:s10] =	ssyncadd.s32 $0xFFFFC000  }
0x82: {  	[tilespmem:s8], [sflag:$0x1] =	stream.indirect.gather [hbm4b:s2+s6], $0x80, s18, s6, $0xb8;
	[tilespmem:$0x8800] =	vst v63  }
0x83: {  	_ =	swait.ge [sflag:s9], $0x4000  }
0x84: {  	[sflag:s9] =	ssyncset.done $0x0  }
0x85: {  	[sflag:s9] =	ssyncadd.s32 $0xFFFFC000  }
0x86: {  	[hbm4b:s19+s3] =	stream.linear.scatter [tilespmem:s7], [sflag:$0x2], $0x4000, $0x38;
	[tilespmem:$0x8800] =	vst v63  }
0x87: {  	_ =	swait.ge [sflag:s10], $0x4000  }
0x88: {  	[sflag:s10] =	ssyncset.done $0x0  }
0x89: {  	[sflag:s10] =	ssyncadd.s32 $0xFFFFC000  }
0x8a: {  	[tilespmem:s7], [sflag:$0x1] =	stream.indirect.gather [hbm4b:s2+s6], $0x80, s20, s6, $0xb8;
	[tilespmem:$0x8800] =	vst v63  }
0x8b: {  	_ =	swait.ge [sflag:s9], $0x4000  }
0x8c: {  	[sflag:s9] =	ssyncset.done $0x0  }
0x8d: {  	[sflag:s9] =	ssyncadd.s32 $0xFFFFC000  }
0x8e: {  	[hbm4b:s21+s3] =	stream.linear.scatter [tilespmem:s8], [sflag:$0x2], $0x4000, $0x38;
	[tilespmem:$0x8800] =	vst v63  }
0x8f: {  	_ =	swait.ge [sflag:s10], $0x4000  }
0x90: {  	[sflag:s10] =	ssyncset.done $0x0  }
0x91: {  	[sflag:s10] =	ssyncadd.s32 $0xFFFFC000  }
0x92: {  	[tilespmem:s8], [sflag:$0x1] =	stream.indirect.gather [hbm4b:s2+s6], $0x80, s22, s6, $0xb8;
	[tilespmem:$0x8800] =	vst v63  }
0x93: {  	_ =	swait.ge [sflag:s9], $0x4000  }
0x94: {  	[sflag:s9] =	ssyncset.done $0x0  }
0x95: {  	[sflag:s9] =	ssyncadd.s32 $0xFFFFC000  }
0x96: {  	[hbm4b:s23+s3] =	stream.linear.scatter [tilespmem:s7], [sflag:$0x2], $0x4000, $0x38;
	[tilespmem:$0x8800] =	vst v63  }
0x97: {  	_ =	swait.ge [sflag:s10], $0x4000  }
0x98: {  	[sflag:s10] =	ssyncset.done $0x0  }
0x99: {  	[sflag:s10] =	ssyncadd.s32 $0xFFFFC000  }
0x9a: {  	[tilespmem:s7], [sflag:$0x1] =	stream.indirect.gather [hbm4b:s2+s6], $0x80, s24, s6, $0xb8;
	[tilespmem:$0x8800] =	vst v63  }
0x9b: {  	_ =	swait.ge [sflag:s9], $0x4000  }
0x9c: {  	[sflag:s9] =	ssyncset.done $0x0  }
0x9d: {  	[sflag:s9] =	ssyncadd.s32 $0xFFFFC000  }
0x9e: {  	[hbm4b:s25+s3] =	stream.linear.scatter [tilespmem:s8], [sflag:$0x2], $0x4000, $0x38;
	[tilespmem:$0x8800] =	vst v63  }
0x9f: {  	_ =	swait.ge [sflag:s10], $0x4000  }
0xa0: {  	[sflag:s10] =	ssyncset.done $0x0  }
0xa1: {  	[sflag:s10] =	ssyncadd.s32 $0xFFFFC000  }
0xa2: {  	[tilespmem:s8], [sflag:$0x1] =	stream.indirect.gather [hbm4b:s2+s6], $0x80, s26, s6, $0xb8;
	[tilespmem:$0x8800] =	vst v63  }
0xa3: {  	_ =	swait.ge [sflag:s9], $0x4000  }
0xa4: {  	[sflag:s9] =	ssyncset.done $0x0  }
0xa5: {  	[sflag:s9] =	ssyncadd.s32 $0xFFFFC000  }
0xa6: {  	[hbm4b:s28+s3] =	stream.linear.scatter [tilespmem:s7], [sflag:$0x2], $0x4000, $0x38;
	[tilespmem:$0x8800] =	vst v63  }
0xa7: {  	_ =	swait.ge [sflag:s10], $0x4000  }
0xa8: {  	[sflag:s10] =	ssyncset.done $0x0  }
0xa9: {  	[sflag:s10] =	ssyncadd.s32 $0xFFFFC000  }
0xaa: {  	_ =	swait.ge [sflag:s9], $0x4000  }
.Ltmp1:
0xab: {  	[sflag:s9] =	ssyncset.done $0x0;
	(pc) =	sbr.rel @p0 .LBB2_1-.Ltmp1, $4  }
0xac: {  	[sflag:s9] =	ssyncadd.s32 $0xFFFFC000  }
0xad: {  	[hbm4b:s29+s3] =	stream.linear.scatter [tilespmem:s8], [sflag:$0x2], $0x4000, $0x38;
	[tilespmem:$0x8800] =	vst v63  }
0xae: {  	_ =	swait.ge [sflag:s10], $0x4000  }
0xaf: {  	[sflag:s10] =	ssyncset.done $0x0  }
.LBB2_2:
0xb0: {  	[sflag:s10] =	ssyncadd.s32 $0xFFFFC000  }
0xb1: {  	_ =	sfence.sel $0x180000  }
0xb2: {  	[bflag:$0x0] =	sbarrier.arrive $0xFFFF  }
0xb3: {  	p0 =	sne.s32 s0, $0x0;
	_ =	strace $0x9000004A  }
0xb4: {  	s0 =	sadd.s32 @!p0 $0x100000, s1;
	[bflag:$0x2] =	sbarrier.arrive $0xFFFF  }
0xb5: {  	[sflag:s0] =	ssyncadd.tile.s32 @!p0 $0x1;
	_ =	shalt  }
.Lfunc_end2:
_tile_overlayer_lowered:
.L_overlay_start_2:
0xb6: {  	(tag) =	ssettag $0x2  }
0xb7: {  	s0 =	rddreg [dreg:$0x0];
	s2 =	stileid.u32  }
0xb8: {  	s1 =	rddreg [dreg:$0x1];
	p0 =	sne.s32 s2, $0x0  }
0xb9: {  	s3 =	rddreg [dreg:$0x2];
	[bflag:$0x3] =	sbarrier.arrive $0xFFFF;
	s2 =	simm.s32 @!p0 $0x1C03  }
0xba: {  	[timem:s3], [sflag:s2] =	dma.local @!p0 [hbm:s0], s1  }
0xbb: {  	s0 =	simm.s32 @!p0 $0x3  }
0xbc: {  	_ =	swait.ge @!p0 [sflag:s0], s1  }
0xbd: {  	s1 =	ssub.s32 @!p0 $0x0, s1;
	[sflag:s0] =	ssyncset.done @!p0 $0x0  }
0xbe: {  	[sflag:s0] =	ssyncadd.s32 @!p0 s1  }
0xbf: {  	[bflag:$0x3] =	sbarrier.arrive $0xFFFF  }
0xc0: {  	_ =	shalt  }

// kernel: kernel.16.cloned.1.call-start
scs
__scs_entry_jumppad:
0x0: {  	(pc) =	sbr.rel $0x88, $3  }
0x1: {  	(tag) =	ssettag $0x0;
	lr =	simm.s32 $0x1  }
0x2: {  	[smem:$0x3F99] =	sst lr;
	_ =	strace $0xD0000000  }
0x3: {  	_ = 	snop  }
0x4: {  	_ = 	snop  }
0x5: {  	_ = 	snop  }
0x6: {  	_ = 	snop  }
0x7: {  	_ = 	snop  }
__scs_overlays_trampoline_lowered:
0x8: {  	[smem:$0x3FA8] =	sst s0  }
0x9: {  	[smem:$0x3FA9] =	sst s1  }
0xa: {  	[smem:$0x3FAA] =	sst s2  }
0xb: {  	[smem:$0x3FAB] =	sst s3  }
0xc: {  	[smem:$0x3FAC] =	sst s4  }
0xd: {  	[smem:$0x3FAD] =	sst s5  }
0xe: {  	[smem:$0x3FAE] =	sst s6  }
0xf: {  	[smem:$0x3FAF] =	sst s7  }
0x10: {  	[smem:$0x3FB0] =	sst s8  }
0x11: {  	[smem:$0x3FB1] =	sst s9;
	s0 =	simm.s32 @!p0 $0x0  }
0x12: {  	s1 =	sld [smem:$0x3F97];
	s0 =	simm.s32 @p0 $0x1  }
0x13: {  	[smem:$0x3FB2] =	sst s0;
	s0 =	simm.s32 @!p1 $0x0  }
0x14: {  	s2 =	sld [smem:$0x3F96];
	s0 =	simm.s32 @p1 $0x1  }
0x15: {  	[smem:$0x3FB3] =	sst s0;
	s0 =	simm.s32 @!p2 $0x0  }
0x16: {  	s3 =	sld [smem:$0x3FDB];
	s0 =	simm.s32 @p2 $0x1  }
0x17: {  	s4 =	simm.s32 $0x1BF5;
	[smem:$0x3FB5] =	sst s0  }
0x18: {  	s0 =	sld [smem:$0x3F98];
	_ =	swait.ge [sflag:s4], $0x0  }
0x19: {  	s7 =	sld [smem:$0x3F99]  }
0x1a: {  	s8 =	sadd.s32 $0xFFFFE003, lr  }
0x1b: {  	s9 =	sadd.s32 $0xFFFFFEF7, lr;
	s5 =	simm.s32 $0xFFFFFFFF;
	p2 =	slt.u32 s8, $0xFFFFF086  }
0x1c: {  	p1 =	slt.u32 s9, $0xF7A;
	s5 =	simm.s32 @!p2 $0x0  }
0x1d: {  	s5 =	simm.s32 @p1 $0x1;
	p0 =	seq.s32 s7, s2  }
0x1e: {  	s7 =	smul.u32 @!p0 $0xF7A, s2;
	p2 =	seq.s32 @!p0 s5, $0x0  }
0x1f: {  	s9 =	smul.u32 $0xF7A, s1;
	s8 =	simm.s32 @!p0 $0x1BF5;
	p2 =	por !p2, p0  }
0x20: {  	[sflag:s8] =	ssyncset.s32 @!p0 $0xFFFFF086;
	s6 =	sadd.s32 @!p0 s3, s7;
	s7 =	simm.s32 @!p0 $0x108  }
0x21: {  	s3 =	sadd.s32 s3, s9;
	s6 =	sadd.s32 @!p0 $0x88, s6;
	s7 =	simm.s32 @p2 $0x1082  }
0x22: {  	[simem:s7], [sflag:s8] =	dma.local @!p0 [hbm:s6], $0xF7A  }
0x23: {  	s9 =	sor.u32 $0xD0000000, s2;
	s6 =	simm.s32 $0x108;
	_ =	swait.ge @!p0 [sflag:s8], $0x0  }
0x24: {  	s3 =	sadd.s32 $0x88, s3;
	s6 =	simm.s32 @!p1 $0x1082;
	[sflag:s4] =	ssyncset.s32 $0xFFFFF086  }
0x25: {  	[simem:s6], [sflag:s4] =	dma.local [hbm:s3], $0xF7A  }
0x26: {  	[smem:$0x3F99] =	sst s1;
	(tag) =	ssettag s2;
	_ =	strace s9  }
0x27: {  	s1 =	sld [smem:$0x3FA9]  }
0x28: {  	s2 =	sld [smem:$0x3FAA]  }
0x29: {  	s4 =	sld [smem:$0x3FAC]  }
0x2a: {  	p0 =	seq.s32 s5, $0x0;
	s5 =	sld [smem:$0x3FAD]  }
0x2b: {  	s6 =	sld [smem:$0x3FAE]  }
0x2c: {  	s7 =	sld [smem:$0x3FAF]  }
0x2d: {  	s3 =	simm.s32 $0x108;
	s8 =	sld [smem:$0x3FB0]  }
0x2e: {  	s3 =	simm.s32 @!p0 $0x1082;
	s9 =	sld [smem:$0x3FB1]  }
0x2f: {  	lr =	sadd.s32 s0, s3;
	s0 =	sld [smem:$0x3FA8]  }
0x30: {  	s3 =	sld [smem:$0x3FAB]  }
0x31: {  	[smem:$0x3FB4] =	sst s10  }
0x32: {  	s10 =	sld [smem:$0x3FB2];
	_ =	sdelay $0x3  }
0x33: {  	p0 =	seq.s32 s10, $0x1;
	s10 =	sld [smem:$0x3FB4];
	_ =	sdelay $0x3  }
0x34: {  	[smem:$0x3FB4] =	sst s10  }
0x35: {  	s10 =	sld [smem:$0x3FB3];
	_ =	sdelay $0x3  }
0x36: {  	p1 =	seq.s32 s10, $0x1;
	s10 =	sld [smem:$0x3FB4];
	_ =	sdelay $0x3  }
0x37: {  	[smem:$0x3FB4] =	sst s10  }
0x38: {  	s10 =	sld [smem:$0x3FB5]  }
0x39: {  	_ = 	snop;
	(pc) =	sbr.ind lr, $3  }
0x3a: {  	_ = 	snop  }
0x3b: {  	_ = 	snop  }
0x3c: {  	p2 =	seq.s32 s10, $0x1;
	s10 =	sld [smem:$0x3FB4]  }
0x3d: {  	_ =	shalt  }
0x3e: {  	_ =	shalt  }
0x3f: {  	_ =	shalt  }
0x40: {  	_ =	shalt  }
0x41: {  	_ =	shalt  }
0x42: {  	_ =	shalt  }
0x43: {  	_ =	shalt  }
0x44: {  	_ =	shalt  }
0x45: {  	_ =	shalt  }
0x46: {  	_ =	shalt  }
0x47: {  	_ =	shalt  }
0x48: {  	_ =	shalt  }
0x49: {  	_ =	shalt  }
0x4a: {  	_ =	shalt  }
0x4b: {  	_ =	shalt  }
0x4c: {  	_ =	shalt  }
0x4d: {  	_ =	shalt  }
0x4e: {  	_ =	shalt  }
0x4f: {  	_ =	shalt  }
0x50: {  	_ =	shalt  }
0x51: {  	_ =	shalt  }
0x52: {  	_ =	shalt  }
0x53: {  	_ =	shalt  }
0x54: {  	_ =	shalt  }
0x55: {  	_ =	shalt  }
0x56: {  	_ =	shalt  }
0x57: {  	_ =	shalt  }
0x58: {  	_ =	shalt  }
0x59: {  	_ =	shalt  }
0x5a: {  	_ =	shalt  }
0x5b: {  	_ =	shalt  }
0x5c: {  	_ =	shalt  }
0x5d: {  	_ =	shalt  }
0x5e: {  	_ =	shalt  }
0x5f: {  	_ =	shalt  }
0x60: {  	_ =	shalt  }
0x61: {  	_ =	shalt  }
0x62: {  	_ =	shalt  }
0x63: {  	_ =	shalt  }
0x64: {  	_ =	shalt  }
0x65: {  	_ =	shalt  }
0x66: {  	_ =	shalt  }
0x67: {  	_ =	shalt  }
0x68: {  	_ =	shalt  }
0x69: {  	_ =	shalt  }
0x6a: {  	_ =	shalt  }
0x6b: {  	_ =	shalt  }
0x6c: {  	_ =	shalt  }
0x6d: {  	_ =	shalt  }
0x6e: {  	_ =	shalt  }
0x6f: {  	_ =	shalt  }
0x70: {  	_ =	shalt  }
0x71: {  	_ =	shalt  }
0x72: {  	_ =	shalt  }
0x73: {  	_ =	shalt  }
0x74: {  	_ =	shalt  }
0x75: {  	_ =	shalt  }
0x76: {  	_ =	shalt  }
0x77: {  	_ =	shalt  }
0x78: {  	_ =	shalt  }
0x79: {  	_ =	shalt  }
0x7a: {  	_ =	shalt  }
0x7b: {  	_ =	shalt  }
0x7c: {  	_ =	shalt  }
0x7d: {  	_ =	shalt  }
0x7e: {  	_ =	shalt  }
0x7f: {  	_ =	shalt  }
0x80: {  	_ =	shalt  }
0x81: {  	_ =	shalt  }
0x82: {  	_ =	shalt  }
0x83: {  	_ =	shalt  }
0x84: {  	_ =	shalt  }
0x85: {  	_ =	shalt  }
0x86: {  	_ =	shalt  }
0x87: {  	_ =	shalt  }
.Lfunc_end0:
.L_simem_size_0:
called_computation.2_lowered:
.L_overlay_start_0:
0x88: {  	s2 =	sld [smem:$0x3FD9]  }
0x89: {  	s3 =	sld [smem:$0x3FFE];
	_ =	sdelay $0x1  }
0x8a: {  	s1 =	srdreg.scid  }
0x8b: {  	s0 =	sand.u32 $0x1, s1  }
0x8c: {  	s17 =	sshll.u32 s0, $0xA;
	s2 =	sadd.s32 s3, s2  }
0x8d: {  	s2 =	sadd.s32 s2, s17  }
0x8e: {  	[smem:$0x3FC0] =	sst s2  }
0x8f: {  	_ = 	snop  }
0x90: {  	s18 =	sld [smem:$0x3FC8];
	(tm) =	ssettm $0x1  }
0x91: {  	s19 =	sld [smem:$0x3FFB];
	_ =	sdelay $0x3  }
0x92: {  	_ =	strace s19  }
0x93: {  	s2 =	sld [smem:$0x3FFC];
	_ =	sdelay $0x3  }
0x94: {  	_ =	strace s2  }
0x95: {  	s2 =	sld [smem:$0x3FFD];
	_ =	sdelay $0x3  }
0x96: {  	_ =	strace s2  }
0x97: {  	_ =	strace $0x8FFFFFFF  }
0x98: {  	s20 =	sld [smem:$0x3FDB];
	_ =	sdelay $0x1  }
0x99: {  	s4 =	simm.s32 $_scs_section_size  }
0x9a: {  	s5 =	simm.s32 $_size__tile_overlayer_lowered;
	s6 =	simm.s32 $_tile_overlayer_lowered  }
0x9b: {  	s7 =	simm.s32 $0x1BFF;
	s21 =	sshll.u32 s6, $0x1;
	s4 =	sadd.s32 s4, s20  }
0x9c: {  	s22 =	simm.s32 $0x0;
	s5 =	sshll.u32 s5, $0x1;
	s6 =	sadd.s32 s21, s4  }
0x9d: {  	[timem:s22], [sflag:s7] =	dma.local [hbm:s6], s5  }
0x9e: {  	_ =	swait.ge [sflag:s7], s5  }
0x9f: {  	s5 =	ssub.s32 $0x0, s5;
	[sflag:s7] =	ssyncset.done $0x0  }
0xa0: {  	[sflag:s7] =	ssyncadd.s32 s5;
	_ =	sdelay $0x1  }
0xa1: {  	s23 =	simm.s32 $0x1B8B  }
0xa2: {  	_ =	swait.ge [sflag:s23], $0x1  }
0xa3: {  	[sflag:s23] =	ssyncset.done $0x0  }
0xa4: {  	[sflag:s23] =	ssyncadd.s32 $0xFFFFFFFF  }
0xa5: {  	s5 =	sld [smem:$0x0]  }
0xa6: {  	s6 =	sand.u32 $0xFFFFFFFE, s1  }
0xa7: {  	p0 =	sne.s32 s1, s6  }
0xa8: {  	s6 =	sshll.u32 @p0 s6, $0xE  }
0xa9: {  	s6 =	sadd.s32 @p0 $0x11B8D, s6;
	s7 =	sshll.u32 @p0 s5, $0x11  }
0xaa: {  	s6 =	sor.u32 @p0 s7, s6  }
0xab: {  	[sflag:s6] =	ssyncadd.remote.s32 @p0 $0x1;
	_ =	sdelay $0x1  }
0xac: {  	s6 =	simm.s32 @p0 $0x1B8D  }
0xad: {  	_ =	swait.eq @p0 [sflag:s6], $0x1  }
0xae: {  	[sflag:s6] =	ssyncadd.s32 @p0 $0xFFFFFFFF  }
0xaf: {  	s7 =	sshll.u32 @!p0 s1, $0xE  }
0xb0: {  	s7 =	sor.u32 @!p0 $0x4000, s7;
	s6 =	simm.s32 @!p0 $0x1B8D  }
0xb1: {  	s5 =	sshll.u32 @!p0 s5, $0x11;
	s7 =	sadd.s32 @!p0 $0x11B8D, s7;
	_ =	swait.eq @!p0 [sflag:s6], $0x1  }
0xb2: {  	s5 =	sor.u32 @!p0 s5, s7;
	[sflag:s6] =	ssyncadd.s32 @!p0 $0xFFFFFFFF  }
0xb3: {  	s25 =	simm.s32 $0x1B8E;
	s24 =	sld [smem:$0x3FFE];
	[sflag:s5] =	ssyncadd.remote.s32 @!p0 $0x1  }
0xb4: {  	s26 =	simm.s32 $execute0_lowered;
	[smem:$0x3FD2] =	sst s25  }
0xb5: {  	s6 =	sshll.u32 s26, $0x1;
	_ =	strace $0x8000004C;
	[dreg:$0x1] =	wrdreg $0xFFFFFFFF  }
0xb6: {  	s28 =	simm.s32 $_size_execute0_lowered;
	s4 =	sadd.s32 s4, s6;
	[dreg:$0x0] =	wrdreg $0x0  }
0xb7: {  	s6 =	sshll.u32 s28, $0x1;
	[dreg:$0x2] =	wrdreg s4  }
0xb8: {  	[dreg:$0x3] =	wrdreg s6  }
0xb9: {  	[dreg:$0x4] =	wrdreg $0xC0  }
0xba: {  	_ =	task [dreg:s22], $0x5FFFF  }
0xbb: {  	[dreg:$0x1] =	wrdreg $0xFFFFFFFF  }
0xbc: {  	[dreg:$0x0] =	wrdreg $0x60  }
0xbd: {  	[dreg:$0x2] =	wrdreg s18  }
0xbe: {  	[dreg:$0x3] =	wrdreg s24  }
0xbf: {  	[dreg:$0x4] =	wrdreg $0xB  }
0xc0: {  	_ =	task.clear_ibuf [dreg:s22], $0x5FFFF;
	_ =	strace $0x9000004C  }
0xc1: {  	s29 =	simm.s32 $0xB;
	_ =	strace $0x8000004E  }
0xc2: {  	_ =	swait.ge [sflag:s29], $0x1  }
0xc3: {  	[sflag:s29] =	ssyncadd.s32 $0xFFFFFFFF  }
0xc4: {  	_ =	strace $0x9000004E  }
0xc5: {  	_ =	sfence  }
0xc6: {  	s30 =	sld [smem:$0x0];
	_ =	sdelay $0x2  }
0xc7: {  	s31 =	sshll.u32 s1, $0xD;
	s1 =	sshrl.u32 s1, $0x2  }
0xc8: {  	s4 =	sand.u32 $0x4000, s31;
	s1 =	sadd.s32 s1, s30  }
0xc9: {  	s0 =	sor.u32 s4, s0;
	s1 =	sshll.u32 s1, $0x11  }
0xca: {  	s0 =	sor.u32 s1, s0  }
0xcb: {  	s0 =	sadd.s32 $0x8F2B, s0  }
0xcc: {  	[sflag:s0] =	ssyncadd.remote.s32 $0x1  }
0xcd: {  	_ =	sfence.sel $0xFFFF  }
0xce: {  	[dreg:$0x0] =	wrdreg $0xFFFFFFFF;
	(pc) =	sbr.abs _section_cstart, $3  }
0xcf: {  	[dreg:$0x1] =	wrdreg $0xFFFFFFFF  }
0xd0: {  	_ =	task.clear_ibuf [dreg:s22], $0x2FFFF;
	_ =	strace $0x9FFFFFFF  }
0xd1: {  	(tm) =	ssettm $0x7FFFFFFF  }
tec
execute0_lowered:
.L_overlay_start_1:
0x0: {  	(tag) =	ssettag $0x1  }
0x1: {  	s1 =	srdreg.scid  }
0x2: {  	s0 =	stileid.u32;
	s1 =	sand.u32 $0x1, s1  }
0x3: {  	s3 =	sshll.u32 s0, $0xC;
	s4 =	sshll.u32 s1, $0xB  }
0x4: {  	s2 =	rddreg [dreg:$0x0];
	s4 =	sor.u32 s4, s3  }
0x5: {  	s5 =	rddreg [dreg:$0x1];
	s6 =	sshrl.u32 s4, $0x3  }
0x6: {  	s3 =	simm.s32 $0x0;
	s4 =	sshll.u32 s4, $0x4;
	s6 =	sadd.s32 s6, s5  }
0x7: {  	[smem:$0x7FF] =	sst s3;
	s31 =	sadd.s32 s4, s5;
	s16 =	sadd.s32 $0xA4800, s6  }
0x8: {  	_ =	strace $0x8000004D;
	s17 =	sadd.s32 $0xA6800, s31;
	[dreg:$0x3] =	wrdreg s16  }
0x9: {  	s18 =	sadd.s32 $0xA7000, s31;
	[dreg:$0x4] =	wrdreg s17  }
0xa: {  	s19 =	sadd.s32 $0xA7800, s31;
	[dreg:$0x5] =	wrdreg s18  }
0xb: {  	s20 =	sadd.s32 $0xA8000, s31;
	[dreg:$0x6] =	wrdreg s19  }
0xc: {  	s21 =	sadd.s32 $0xA8800, s31;
	[dreg:$0x7] =	wrdreg s20  }
0xd: {  	s22 =	sadd.s32 $0xA9000, s31;
	[dreg:$0x8] =	wrdreg s21  }
0xe: {  	s23 =	sadd.s32 $0xA9800, s31;
	[dreg:$0x9] =	wrdreg s22  }
0xf: {  	s24 =	sadd.s32 $0xAA000, s31;
	[dreg:$0xa] =	wrdreg s23  }
0x10: {  	s26 =	sadd.s32 $0xAA800, s31;
	[dreg:$0xb] =	wrdreg s24  }
0x11: {  	[dreg:$0xc] =	wrdreg s26  }
0x12: {  	s4 =	simm.s32 $0x3;
	s25 =	rddreg [dreg:$0x3]  }
0x13: {  	[tilespmem:s3], [sflag:$0x3] =	stream.linear.gather [hbm4b:s25+s3], $0x800, $0x38;
	[tilespmem:$0x8800] =	vst v63  }
0x14: {  	_ =	swait.ge [sflag:s4], $0x800  }
0x15: {  	[sflag:s4] =	ssyncset.done $0x0  }
0x16: {  	s5 =	simm.s32 $0x80;
	s6 =	simm.s32 $0x800;
	[sflag:s4] =	ssyncadd.s32 $0xFFFFF800  }
0x17: {  	[tilespmem:s6], [sflag:$0x1] =	stream.indirect.gather [hbm4b:s2+s5], $0x80, s3, s5, $0xb8;
	[tilespmem:$0x8800] =	vst v63  }
0x18: {  	s7 =	simm.s32 $0x4800;
	s8 =	simm.s32 $0x1  }
0x19: {  	[tilespmem:s7], [sflag:$0x1] =	stream.indirect.gather [hbm4b:s2+s5], $0x80, s5, s5, $0xb8;
	[tilespmem:$0x8800] =	vst v63  }
0x1a: {  	_ =	swait.ge [sflag:s8], $0x4000  }
0x1b: {  	[sflag:s8] =	ssyncset.done $0x0  }
0x1c: {  	s9 =	simm.s32 $0x2;
	s10 =	rddreg [dreg:$0x4];
	[sflag:s8] =	ssyncadd.s32 $0xFFFFC000  }
0x1d: {  	[hbm4b:s10+s3] =	stream.linear.scatter [tilespmem:s6], [sflag:$0x2], $0x4000, $0x38;
	[tilespmem:$0x8800] =	vst v63  }
0x1e: {  	_ =	swait.ge [sflag:s9], $0x4000  }
0x1f: {  	[sflag:s9] =	ssyncset.done $0x0  }
0x20: {  	s10 =	simm.s32 $0x100;
	[sflag:s9] =	ssyncadd.s32 $0xFFFFC000  }
0x21: {  	[tilespmem:s6], [sflag:$0x1] =	stream.indirect.gather [hbm4b:s2+s5], $0x80, s10, s5, $0xb8;
	[tilespmem:$0x8800] =	vst v63  }
0x22: {  	_ =	swait.ge [sflag:s8], $0x4000  }
0x23: {  	[sflag:s8] =	ssyncset.done $0x0  }
0x24: {  	s11 =	rddreg [dreg:$0x5];
	[sflag:s8] =	ssyncadd.s32 $0xFFFFC000  }
0x25: {  	[hbm4b:s11+s3] =	stream.linear.scatter [tilespmem:s7], [sflag:$0x2], $0x4000, $0x38;
	[tilespmem:$0x8800] =	vst v63  }
0x26: {  	_ =	swait.ge [sflag:s9], $0x4000  }
0x27: {  	[sflag:s9] =	ssyncset.done $0x0  }
0x28: {  	s11 =	simm.s32 $0x180;
	[sflag:s9] =	ssyncadd.s32 $0xFFFFC000  }
0x29: {  	[tilespmem:s7], [sflag:$0x1] =	stream.indirect.gather [hbm4b:s2+s5], $0x80, s11, s5, $0xb8;
	[tilespmem:$0x8800] =	vst v63  }
0x2a: {  	_ =	swait.ge [sflag:s8], $0x4000  }
0x2b: {  	[sflag:s8] =	ssyncset.done $0x0  }
0x2c: {  	s12 =	rddreg [dreg:$0x6];
	[sflag:s8] =	ssyncadd.s32 $0xFFFFC000  }
0x2d: {  	[hbm4b:s12+s3] =	stream.linear.scatter [tilespmem:s6], [sflag:$0x2], $0x4000, $0x38;
	[tilespmem:$0x8800] =	vst v63  }
0x2e: {  	_ =	swait.ge [sflag:s9], $0x4000  }
0x2f: {  	[sflag:s9] =	ssyncset.done $0x0  }
0x30: {  	s12 =	simm.s32 $0x200;
	[sflag:s9] =	ssyncadd.s32 $0xFFFFC000  }
0x31: {  	[tilespmem:s6], [sflag:$0x1] =	stream.indirect.gather [hbm4b:s2+s5], $0x80, s12, s5, $0xb8;
	[tilespmem:$0x8800] =	vst v63  }
0x32: {  	_ =	swait.ge [sflag:s8], $0x4000  }
0x33: {  	[sflag:s8] =	ssyncset.done $0x0  }
0x34: {  	s13 =	rddreg [dreg:$0x7];
	[sflag:s8] =	ssyncadd.s32 $0xFFFFC000  }
0x35: {  	[hbm4b:s13+s3] =	stream.linear.scatter [tilespmem:s7], [sflag:$0x2], $0x4000, $0x38;
	[tilespmem:$0x8800] =	vst v63  }
0x36: {  	_ =	swait.ge [sflag:s9], $0x4000  }
0x37: {  	[sflag:s9] =	ssyncset.done $0x0  }
0x38: {  	s13 =	simm.s32 $0x280;
	[sflag:s9] =	ssyncadd.s32 $0xFFFFC000  }
0x39: {  	[tilespmem:s7], [sflag:$0x1] =	stream.indirect.gather [hbm4b:s2+s5], $0x80, s13, s5, $0xb8;
	[tilespmem:$0x8800] =	vst v63  }
0x3a: {  	_ =	swait.ge [sflag:s8], $0x4000  }
0x3b: {  	[sflag:s8] =	ssyncset.done $0x0  }
0x3c: {  	s14 =	rddreg [dreg:$0x8];
	[sflag:s8] =	ssyncadd.s32 $0xFFFFC000  }
0x3d: {  	[hbm4b:s14+s3] =	stream.linear.scatter [tilespmem:s6], [sflag:$0x2], $0x4000, $0x38;
	[tilespmem:$0x8800] =	vst v63  }
0x3e: {  	_ =	swait.ge [sflag:s9], $0x4000  }
0x3f: {  	[sflag:s9] =	ssyncset.done $0x0  }
0x40: {  	s14 =	simm.s32 $0x300;
	[sflag:s9] =	ssyncadd.s32 $0xFFFFC000  }
0x41: {  	[tilespmem:s6], [sflag:$0x1] =	stream.indirect.gather [hbm4b:s2+s5], $0x80, s14, s5, $0xb8;
	[tilespmem:$0x8800] =	vst v63  }
0x42: {  	_ =	swait.ge [sflag:s8], $0x4000  }
0x43: {  	[sflag:s8] =	ssyncset.done $0x0  }
0x44: {  	s15 =	rddreg [dreg:$0x9];
	[sflag:s8] =	ssyncadd.s32 $0xFFFFC000  }
0x45: {  	[hbm4b:s15+s3] =	stream.linear.scatter [tilespmem:s7], [sflag:$0x2], $0x4000, $0x38;
	[tilespmem:$0x8800] =	vst v63  }
0x46: {  	_ =	swait.ge [sflag:s9], $0x4000  }
0x47: {  	[sflag:s9] =	ssyncset.done $0x0  }
0x48: {  	s15 =	simm.s32 $0x380;
	[sflag:s9] =	ssyncadd.s32 $0xFFFFC000  }
0x49: {  	[tilespmem:s7], [sflag:$0x1] =	stream.indirect.gather [hbm4b:s2+s5], $0x80, s15, s5, $0xb8;
	[tilespmem:$0x8800] =	vst v63  }
0x4a: {  	_ =	swait.ge [sflag:s8], $0x4000  }
0x4b: {  	[sflag:s8] =	ssyncset.done $0x0  }
0x4c: {  	s16 =	rddreg [dreg:$0xa];
	[sflag:s8] =	ssyncadd.s32 $0xFFFFC000  }
0x4d: {  	[hbm4b:s16+s3] =	stream.linear.scatter [tilespmem:s6], [sflag:$0x2], $0x4000, $0x38;
	[tilespmem:$0x8800] =	vst v63  }
0x4e: {  	_ =	swait.ge [sflag:s9], $0x4000  }
0x4f: {  	[sflag:s9] =	ssyncset.done $0x0  }
0x50: {  	s16 =	simm.s32 $0x400;
	[sflag:s9] =	ssyncadd.s32 $0xFFFFC000  }
0x51: {  	[tilespmem:s6], [sflag:$0x1] =	stream.indirect.gather [hbm4b:s2+s5], $0x80, s16, s5, $0xb8;
	[tilespmem:$0x8800] =	vst v63  }
0x52: {  	_ =	swait.ge [sflag:s8], $0x4000  }
0x53: {  	[sflag:s8] =	ssyncset.done $0x0  }
0x54: {  	s17 =	rddreg [dreg:$0xb];
	[sflag:s8] =	ssyncadd.s32 $0xFFFFC000  }
0x55: {  	[hbm4b:s17+s3] =	stream.linear.scatter [tilespmem:s7], [sflag:$0x2], $0x4000, $0x38;
	[tilespmem:$0x8800] =	vst v63  }
0x56: {  	_ =	swait.ge [sflag:s9], $0x4000  }
0x57: {  	[sflag:s9] =	ssyncset.done $0x0  }
0x58: {  	s17 =	simm.s32 $0x480;
	[sflag:s9] =	ssyncadd.s32 $0xFFFFC000  }
0x59: {  	[tilespmem:s7], [sflag:$0x1] =	stream.indirect.gather [hbm4b:s2+s5], $0x80, s17, s5, $0xb8;
	[tilespmem:$0x8800] =	vst v63  }
0x5a: {  	_ =	swait.ge [sflag:s8], $0x4000  }
0x5b: {  	[sflag:s8] =	ssyncset.done $0x0  }
0x5c: {  	s18 =	rddreg [dreg:$0xc];
	[sflag:s8] =	ssyncadd.s32 $0xFFFFC000  }
0x5d: {  	[hbm4b:s18+s3] =	stream.linear.scatter [tilespmem:s6], [sflag:$0x2], $0x4000, $0x38;
	[tilespmem:$0x8800] =	vst v63  }
0x5e: {  	_ =	swait.ge [sflag:s9], $0x4000  }
0x5f: {  	[sflag:s9] =	ssyncset.done $0x0  }
0x60: {  	s18 =	simm.s32 $0x500;
	[sflag:s9] =	ssyncadd.s32 $0xFFFFC000  }
0x61: {  	[tilespmem:s6], [sflag:$0x1] =	stream.indirect.gather [hbm4b:s2+s5], $0x80, s18, s5, $0xb8;
	[tilespmem:$0x8800] =	vst v63  }
0x62: {  	_ =	swait.ge [sflag:s8], $0x4000  }
0x63: {  	[sflag:s8] =	ssyncset.done $0x0  }
0x64: {  	s19 =	sadd.s32 $0xAB000, s31;
	[sflag:s8] =	ssyncadd.s32 $0xFFFFC000  }
0x65: {  	[hbm4b:s19+s3] =	stream.linear.scatter [tilespmem:s7], [sflag:$0x2], $0x4000, $0x38;
	[tilespmem:$0x8800] =	vst v63  }
0x66: {  	_ =	swait.ge [sflag:s9], $0x4000  }
0x67: {  	[sflag:s9] =	ssyncset.done $0x0  }
0x68: {  	s20 =	simm.s32 $0x580;
	[sflag:s9] =	ssyncadd.s32 $0xFFFFC000  }
0x69: {  	[tilespmem:s7], [sflag:$0x1] =	stream.indirect.gather [hbm4b:s2+s5], $0x80, s20, s5, $0xb8;
	[tilespmem:$0x8800] =	vst v63  }
0x6a: {  	_ =	swait.ge [sflag:s8], $0x4000  }
0x6b: {  	[sflag:s8] =	ssyncset.done $0x0  }
0x6c: {  	s21 =	sadd.s32 $0xAB800, s31;
	[sflag:s8] =	ssyncadd.s32 $0xFFFFC000  }
0x6d: {  	[hbm4b:s21+s3] =	stream.linear.scatter [tilespmem:s6], [sflag:$0x2], $0x4000, $0x38;
	[tilespmem:$0x8800] =	vst v63  }
0x6e: {  	_ =	swait.ge [sflag:s9], $0x4000  }
0x6f: {  	[sflag:s9] =	ssyncset.done $0x0  }
0x70: {  	s22 =	simm.s32 $0x600;
	[sflag:s9] =	ssyncadd.s32 $0xFFFFC000  }
0x71: {  	[tilespmem:s6], [sflag:$0x1] =	stream.indirect.gather [hbm4b:s2+s5], $0x80, s22, s5, $0xb8;
	[tilespmem:$0x8800] =	vst v63  }
0x72: {  	_ =	swait.ge [sflag:s8], $0x4000  }
0x73: {  	[sflag:s8] =	ssyncset.done $0x0  }
0x74: {  	s23 =	sadd.s32 $0xAC000, s31;
	[sflag:s8] =	ssyncadd.s32 $0xFFFFC000  }
0x75: {  	[hbm4b:s23+s3] =	stream.linear.scatter [tilespmem:s7], [sflag:$0x2], $0x4000, $0x38;
	[tilespmem:$0x8800] =	vst v63  }
0x76: {  	_ =	swait.ge [sflag:s9], $0x4000  }
0x77: {  	[sflag:s9] =	ssyncset.done $0x0  }
0x78: {  	s24 =	simm.s32 $0x680;
	[sflag:s9] =	ssyncadd.s32 $0xFFFFC000  }
0x79: {  	[tilespmem:s7], [sflag:$0x1] =	stream.indirect.gather [hbm4b:s2+s5], $0x80, s24, s5, $0xb8;
	[tilespmem:$0x8800] =	vst v63  }
0x7a: {  	_ =	swait.ge [sflag:s8], $0x4000  }
0x7b: {  	[sflag:s8] =	ssyncset.done $0x0  }
0x7c: {  	s25 =	sadd.s32 $0xAC800, s31;
	[sflag:s8] =	ssyncadd.s32 $0xFFFFC000  }
0x7d: {  	[hbm4b:s25+s3] =	stream.linear.scatter [tilespmem:s6], [sflag:$0x2], $0x4000, $0x38;
	[tilespmem:$0x8800] =	vst v63  }
0x7e: {  	_ =	swait.ge [sflag:s9], $0x4000  }
0x7f: {  	[sflag:s9] =	ssyncset.done $0x0  }
0x80: {  	s26 =	simm.s32 $0x700;
	[sflag:s9] =	ssyncadd.s32 $0xFFFFC000  }
0x81: {  	[tilespmem:s6], [sflag:$0x1] =	stream.indirect.gather [hbm4b:s2+s5], $0x80, s26, s5, $0xb8;
	[tilespmem:$0x8800] =	vst v63  }
0x82: {  	_ =	swait.ge [sflag:s8], $0x4000  }
0x83: {  	[sflag:s8] =	ssyncset.done $0x0  }
0x84: {  	s28 =	sadd.s32 $0xAD000, s31;
	[sflag:s8] =	ssyncadd.s32 $0xFFFFC000  }
0x85: {  	[hbm4b:s28+s3] =	stream.linear.scatter [tilespmem:s7], [sflag:$0x2], $0x4000, $0x38;
	[tilespmem:$0x8800] =	vst v63  }
0x86: {  	_ =	swait.ge [sflag:s9], $0x4000  }
0x87: {  	[sflag:s9] =	ssyncset.done $0x0  }
0x88: {  	s29 =	simm.s32 $0x780;
	[sflag:s9] =	ssyncadd.s32 $0xFFFFC000  }
0x89: {  	[tilespmem:s7], [sflag:$0x1] =	stream.indirect.gather [hbm4b:s2+s5], $0x80, s29, s5, $0xb8;
	[tilespmem:$0x8800] =	vst v63  }
0x8a: {  	_ =	swait.ge [sflag:s8], $0x4000  }
0x8b: {  	s1 =	ssub.s32 $0x2, s1;
	[sflag:s8] =	ssyncset.done $0x0  }
0x8c: {  	s0 =	sshrl.u32 s1, $0x1;
	s30 =	sadd.s32 $0xAD800, s31;
	[sflag:s8] =	ssyncadd.s32 $0xFFFFC000  }
0x8d: {  	[hbm4b:s30+s3] =	stream.linear.scatter [tilespmem:s6], [sflag:$0x2], $0x4000, $0x38;
	[tilespmem:$0x8800] =	vst v63  }
0x8e: {  	s0 =	ssub.s32 s1, s0;
	_ =	swait.ge [sflag:s9], $0x4000  }
0x8f: {  	s0 =	smax.u32 s0, $0x1;
	[sflag:s9] =	ssyncset.done $0x0  }
0x90: {  	p0 =	sne.s32 s0, $0x1;
	[sflag:s9] =	ssyncadd.s32 $0xFFFFC000  }
.Ltmp0:
0x91: {  	_ =	swait.ge [sflag:s8], $0x4000;
	(pc) =	sbr.rel @!p0 .LBB2_2-.Ltmp0, $4  }
0x92: {  	[sflag:s8] =	ssyncset.done $0x0  }
0x93: {  	s31 =	sadd.s32 $0xAE000, s31;
	[sflag:s8] =	ssyncadd.s32 $0xFFFFC000  }
0x94: {  	[hbm4b:s31+s3] =	stream.linear.scatter [tilespmem:s7], [sflag:$0x2], $0x4000, $0x38;
	[tilespmem:$0x8800] =	vst v63  }
0x95: {  	s1 =	sadd.s32 $0xFFFFFFFF, s0;
	_ =	swait.ge [sflag:s9], $0x4000  }
.LBB2_1:
0x96: {  	[sflag:s9] =	ssyncset.done $0x0  }
0x97: {  	s0 =	rddreg [dreg:$0x3];
	[sflag:s9] =	ssyncadd.s32 $0xFFFFC000  }
0x98: {  	[tilespmem:s3], [sflag:$0x3] =	stream.linear.gather [hbm4b:s0+s3], $0x800, $0x38;
	[tilespmem:$0x8800] =	vst v63  }
0x99: {  	_ =	swait.ge [sflag:s4], $0x800  }
0x9a: {  	[sflag:s4] =	ssyncset.done $0x0  }
0x9b: {  	[sflag:s4] =	ssyncadd.s32 $0xFFFFF800  }
0x9c: {  	[tilespmem:s6], [sflag:$0x1] =	stream.indirect.gather [hbm4b:s2+s5], $0x80, s3, s5, $0xb8;
	[tilespmem:$0x8800] =	vst v63  }
0x9d: {  	_ = 	snop  }
0x9e: {  	[tilespmem:s7], [sflag:$0x1] =	stream.indirect.gather [hbm4b:s2+s5], $0x80, s5, s5, $0xb8;
	[tilespmem:$0x8800] =	vst v63  }
0x9f: {  	_ =	swait.ge [sflag:s8], $0x4000  }
0xa0: {  	[sflag:s8] =	ssyncset.done $0x0  }
0xa1: {  	s0 =	rddreg [dreg:$0x4];
	[sflag:s8] =	ssyncadd.s32 $0xFFFFC000  }
0xa2: {  	[hbm4b:s0+s3] =	stream.linear.scatter [tilespmem:s6], [sflag:$0x2], $0x4000, $0x38;
	[tilespmem:$0x8800] =	vst v63  }
0xa3: {  	_ =	swait.ge [sflag:s9], $0x4000  }
0xa4: {  	[sflag:s9] =	ssyncset.done $0x0  }
0xa5: {  	[sflag:s9] =	ssyncadd.s32 $0xFFFFC000  }
0xa6: {  	[tilespmem:s6], [sflag:$0x1] =	stream.indirect.gather [hbm4b:s2+s5], $0x80, s10, s5, $0xb8;
	[tilespmem:$0x8800] =	vst v63  }
0xa7: {  	_ =	swait.ge [sflag:s8], $0x4000  }
0xa8: {  	[sflag:s8] =	ssyncset.done $0x0  }
0xa9: {  	s0 =	rddreg [dreg:$0x5];
	[sflag:s8] =	ssyncadd.s32 $0xFFFFC000  }
0xaa: {  	[hbm4b:s0+s3] =	stream.linear.scatter [tilespmem:s7], [sflag:$0x2], $0x4000, $0x38;
	[tilespmem:$0x8800] =	vst v63  }
0xab: {  	_ =	swait.ge [sflag:s9], $0x4000  }
0xac: {  	[sflag:s9] =	ssyncset.done $0x0  }
0xad: {  	[sflag:s9] =	ssyncadd.s32 $0xFFFFC000  }
0xae: {  	[tilespmem:s7], [sflag:$0x1] =	stream.indirect.gather [hbm4b:s2+s5], $0x80, s11, s5, $0xb8;
	[tilespmem:$0x8800] =	vst v63  }
0xaf: {  	_ =	swait.ge [sflag:s8], $0x4000  }
0xb0: {  	[sflag:s8] =	ssyncset.done $0x0  }
0xb1: {  	s0 =	rddreg [dreg:$0x6];
	[sflag:s8] =	ssyncadd.s32 $0xFFFFC000  }
0xb2: {  	[hbm4b:s0+s3] =	stream.linear.scatter [tilespmem:s6], [sflag:$0x2], $0x4000, $0x38;
	[tilespmem:$0x8800] =	vst v63  }
0xb3: {  	_ =	swait.ge [sflag:s9], $0x4000  }
0xb4: {  	[sflag:s9] =	ssyncset.done $0x0  }
0xb5: {  	[sflag:s9] =	ssyncadd.s32 $0xFFFFC000  }
0xb6: {  	[tilespmem:s6], [sflag:$0x1] =	stream.indirect.gather [hbm4b:s2+s5], $0x80, s12, s5, $0xb8;
	[tilespmem:$0x8800] =	vst v63  }
0xb7: {  	_ =	swait.ge [sflag:s8], $0x4000  }
0xb8: {  	[sflag:s8] =	ssyncset.done $0x0  }
0xb9: {  	s0 =	rddreg [dreg:$0x7];
	[sflag:s8] =	ssyncadd.s32 $0xFFFFC000  }
0xba: {  	[hbm4b:s0+s3] =	stream.linear.scatter [tilespmem:s7], [sflag:$0x2], $0x4000, $0x38;
	[tilespmem:$0x8800] =	vst v63  }
0xbb: {  	_ =	swait.ge [sflag:s9], $0x4000  }
0xbc: {  	[sflag:s9] =	ssyncset.done $0x0  }
0xbd: {  	[sflag:s9] =	ssyncadd.s32 $0xFFFFC000  }
0xbe: {  	[tilespmem:s7], [sflag:$0x1] =	stream.indirect.gather [hbm4b:s2+s5], $0x80, s13, s5, $0xb8;
	[tilespmem:$0x8800] =	vst v63  }
0xbf: {  	_ =	swait.ge [sflag:s8], $0x4000  }
0xc0: {  	[sflag:s8] =	ssyncset.done $0x0  }
0xc1: {  	s0 =	rddreg [dreg:$0x8];
	[sflag:s8] =	ssyncadd.s32 $0xFFFFC000  }
0xc2: {  	[hbm4b:s0+s3] =	stream.linear.scatter [tilespmem:s6], [sflag:$0x2], $0x4000, $0x38;
	[tilespmem:$0x8800] =	vst v63  }
0xc3: {  	_ =	swait.ge [sflag:s9], $0x4000  }
0xc4: {  	[sflag:s9] =	ssyncset.done $0x0  }
0xc5: {  	[sflag:s9] =	ssyncadd.s32 $0xFFFFC000  }
0xc6: {  	[tilespmem:s6], [sflag:$0x1] =	stream.indirect.gather [hbm4b:s2+s5], $0x80, s14, s5, $0xb8;
	[tilespmem:$0x8800] =	vst v63  }
0xc7: {  	_ =	swait.ge [sflag:s8], $0x4000  }
0xc8: {  	[sflag:s8] =	ssyncset.done $0x0  }
0xc9: {  	s0 =	rddreg [dreg:$0x9];
	[sflag:s8] =	ssyncadd.s32 $0xFFFFC000  }
0xca: {  	[hbm4b:s0+s3] =	stream.linear.scatter [tilespmem:s7], [sflag:$0x2], $0x4000, $0x38;
	[tilespmem:$0x8800] =	vst v63  }
0xcb: {  	_ =	swait.ge [sflag:s9], $0x4000  }
0xcc: {  	[sflag:s9] =	ssyncset.done $0x0  }
0xcd: {  	[sflag:s9] =	ssyncadd.s32 $0xFFFFC000  }
0xce: {  	[tilespmem:s7], [sflag:$0x1] =	stream.indirect.gather [hbm4b:s2+s5], $0x80, s15, s5, $0xb8;
	[tilespmem:$0x8800] =	vst v63  }
0xcf: {  	_ =	swait.ge [sflag:s8], $0x4000  }
0xd0: {  	[sflag:s8] =	ssyncset.done $0x0  }
0xd1: {  	s0 =	rddreg [dreg:$0xa];
	[sflag:s8] =	ssyncadd.s32 $0xFFFFC000  }
0xd2: {  	[hbm4b:s0+s3] =	stream.linear.scatter [tilespmem:s6], [sflag:$0x2], $0x4000, $0x38;
	[tilespmem:$0x8800] =	vst v63  }
0xd3: {  	_ =	swait.ge [sflag:s9], $0x4000  }
0xd4: {  	[sflag:s9] =	ssyncset.done $0x0  }
0xd5: {  	[sflag:s9] =	ssyncadd.s32 $0xFFFFC000  }
0xd6: {  	[tilespmem:s6], [sflag:$0x1] =	stream.indirect.gather [hbm4b:s2+s5], $0x80, s16, s5, $0xb8;
	[tilespmem:$0x8800] =	vst v63  }
0xd7: {  	_ =	swait.ge [sflag:s8], $0x4000  }
0xd8: {  	[sflag:s8] =	ssyncset.done $0x0  }
0xd9: {  	s0 =	rddreg [dreg:$0xb];
	[sflag:s8] =	ssyncadd.s32 $0xFFFFC000  }
0xda: {  	[hbm4b:s0+s3] =	stream.linear.scatter [tilespmem:s7], [sflag:$0x2], $0x4000, $0x38;
	[tilespmem:$0x8800] =	vst v63  }
0xdb: {  	_ =	swait.ge [sflag:s9], $0x4000  }
0xdc: {  	[sflag:s9] =	ssyncset.done $0x0  }
0xdd: {  	[sflag:s9] =	ssyncadd.s32 $0xFFFFC000  }
0xde: {  	[tilespmem:s7], [sflag:$0x1] =	stream.indirect.gather [hbm4b:s2+s5], $0x80, s17, s5, $0xb8;
	[tilespmem:$0x8800] =	vst v63  }
0xdf: {  	_ =	swait.ge [sflag:s8], $0x4000  }
0xe0: {  	[sflag:s8] =	ssyncset.done $0x0  }
0xe1: {  	s0 =	rddreg [dreg:$0xc];
	[sflag:s8] =	ssyncadd.s32 $0xFFFFC000  }
0xe2: {  	[hbm4b:s0+s3] =	stream.linear.scatter [tilespmem:s6], [sflag:$0x2], $0x4000, $0x38;
	[tilespmem:$0x8800] =	vst v63  }
0xe3: {  	_ =	swait.ge [sflag:s9], $0x4000  }
0xe4: {  	[sflag:s9] =	ssyncset.done $0x0  }
0xe5: {  	[sflag:s9] =	ssyncadd.s32 $0xFFFFC000  }
0xe6: {  	[tilespmem:s6], [sflag:$0x1] =	stream.indirect.gather [hbm4b:s2+s5], $0x80, s18, s5, $0xb8;
	[tilespmem:$0x8800] =	vst v63  }
0xe7: {  	_ =	swait.ge [sflag:s8], $0x4000  }
0xe8: {  	[sflag:s8] =	ssyncset.done $0x0  }
0xe9: {  	[sflag:s8] =	ssyncadd.s32 $0xFFFFC000  }
0xea: {  	[hbm4b:s19+s3] =	stream.linear.scatter [tilespmem:s7], [sflag:$0x2], $0x4000, $0x38;
	[tilespmem:$0x8800] =	vst v63  }
0xeb: {  	_ =	swait.ge [sflag:s9], $0x4000  }
0xec: {  	[sflag:s9] =	ssyncset.done $0x0  }
0xed: {  	[sflag:s9] =	ssyncadd.s32 $0xFFFFC000  }
0xee: {  	[tilespmem:s7], [sflag:$0x1] =	stream.indirect.gather [hbm4b:s2+s5], $0x80, s20, s5, $0xb8;
	[tilespmem:$0x8800] =	vst v63  }
0xef: {  	_ =	swait.ge [sflag:s8], $0x4000  }
0xf0: {  	[sflag:s8] =	ssyncset.done $0x0  }
0xf1: {  	[sflag:s8] =	ssyncadd.s32 $0xFFFFC000  }
0xf2: {  	[hbm4b:s21+s3] =	stream.linear.scatter [tilespmem:s6], [sflag:$0x2], $0x4000, $0x38;
	[tilespmem:$0x8800] =	vst v63  }
0xf3: {  	_ =	swait.ge [sflag:s9], $0x4000  }
0xf4: {  	[sflag:s9] =	ssyncset.done $0x0  }
0xf5: {  	[sflag:s9] =	ssyncadd.s32 $0xFFFFC000  }
0xf6: {  	[tilespmem:s6], [sflag:$0x1] =	stream.indirect.gather [hbm4b:s2+s5], $0x80, s22, s5, $0xb8;
	[tilespmem:$0x8800] =	vst v63  }
0xf7: {  	_ =	swait.ge [sflag:s8], $0x4000  }
0xf8: {  	[sflag:s8] =	ssyncset.done $0x0  }
0xf9: {  	[sflag:s8] =	ssyncadd.s32 $0xFFFFC000  }
0xfa: {  	[hbm4b:s23+s3] =	stream.linear.scatter [tilespmem:s7], [sflag:$0x2], $0x4000, $0x38;
	[tilespmem:$0x8800] =	vst v63  }
0xfb: {  	_ =	swait.ge [sflag:s9], $0x4000  }
0xfc: {  	[sflag:s9] =	ssyncset.done $0x0  }
0xfd: {  	[sflag:s9] =	ssyncadd.s32 $0xFFFFC000  }
0xfe: {  	[tilespmem:s7], [sflag:$0x1] =	stream.indirect.gather [hbm4b:s2+s5], $0x80, s24, s5, $0xb8;
	[tilespmem:$0x8800] =	vst v63  }
0xff: {  	_ =	swait.ge [sflag:s8], $0x4000  }
0x100: {  	[sflag:s8] =	ssyncset.done $0x0  }
0x101: {  	[sflag:s8] =	ssyncadd.s32 $0xFFFFC000  }
0x102: {  	[hbm4b:s25+s3] =	stream.linear.scatter [tilespmem:s6], [sflag:$0x2], $0x4000, $0x38;
	[tilespmem:$0x8800] =	vst v63  }
0x103: {  	_ =	swait.ge [sflag:s9], $0x4000  }
0x104: {  	[sflag:s9] =	ssyncset.done $0x0  }
0x105: {  	[sflag:s9] =	ssyncadd.s32 $0xFFFFC000  }
0x106: {  	[tilespmem:s6], [sflag:$0x1] =	stream.indirect.gather [hbm4b:s2+s5], $0x80, s26, s5, $0xb8;
	[tilespmem:$0x8800] =	vst v63  }
0x107: {  	_ =	swait.ge [sflag:s8], $0x4000  }
0x108: {  	[sflag:s8] =	ssyncset.done $0x0  }
0x109: {  	[sflag:s8] =	ssyncadd.s32 $0xFFFFC000  }
0x10a: {  	[hbm4b:s28+s3] =	stream.linear.scatter [tilespmem:s7], [sflag:$0x2], $0x4000, $0x38;
	[tilespmem:$0x8800] =	vst v63  }
0x10b: {  	_ =	swait.ge [sflag:s9], $0x4000  }
0x10c: {  	[sflag:s9] =	ssyncset.done $0x0  }
0x10d: {  	[sflag:s9] =	ssyncadd.s32 $0xFFFFC000  }
0x10e: {  	[tilespmem:s7], [sflag:$0x1] =	stream.indirect.gather [hbm4b:s2+s5], $0x80, s29, s5, $0xb8;
	[tilespmem:$0x8800] =	vst v63  }
0x10f: {  	_ =	swait.ge [sflag:s8], $0x4000  }
0x110: {  	[sflag:s8] =	ssyncset.done $0x0  }
0x111: {  	[sflag:s8] =	ssyncadd.s32 $0xFFFFC000  }
0x112: {  	[hbm4b:s30+s3] =	stream.linear.scatter [tilespmem:s6], [sflag:$0x2], $0x4000, $0x38;
	[tilespmem:$0x8800] =	vst v63  }
0x113: {  	_ =	swait.ge [sflag:s9], $0x4000  }
0x114: {  	[sflag:s9] =	ssyncset.done $0x0  }
0x115: {  	p0 =	sne.s32 s1, $0x1;
	[sflag:s9] =	ssyncadd.s32 $0xFFFFC000  }
.Ltmp1:
0x116: {  	_ =	swait.ge [sflag:s8], $0x4000;
	(pc) =	sbr.rel @p0 .LBB2_1-.Ltmp1, $4  }
0x117: {  	[sflag:s8] =	ssyncset.done $0x0  }
0x118: {  	[sflag:s8] =	ssyncadd.s32 $0xFFFFC000  }
0x119: {  	[hbm4b:s31+s3] =	stream.linear.scatter [tilespmem:s7], [sflag:$0x2], $0x4000, $0x38;
	[tilespmem:$0x8800] =	vst v63  }
0x11a: {  	s1 =	sadd.s32 $0xFFFFFFFF, s1;
	_ =	swait.ge [sflag:s9], $0x4000  }
.LBB2_2:
0x11b: {  	[sflag:s9] =	ssyncset.done $0x0  }
0x11c: {  	[sflag:s9] =	ssyncadd.s32 $0xFFFFC000  }
0x11d: {  	_ =	sfence.sel $0x180000  }
0x11e: {  	[bflag:$0x0] =	sbarrier.arrive $0xFFFF  }
0x11f: {  	_ =	strace $0x9000004D  }
0x120: {  	s0 =	stileid.u32;
	[bflag:$0x2] =	sbarrier.arrive $0xFFFF  }
0x121: {  	p0 =	sne.s32 s0, $0x0;
	s0 =	rddreg [dreg:$0x2]  }
0x122: {  	s0 =	sadd.s32 @!p0 $0x100000, s0  }
0x123: {  	[sflag:s0] =	ssyncadd.tile.s32 @!p0 $0x1;
	_ =	shalt  }
.Lfunc_end2:
_tile_overlayer_lowered:
.L_overlay_start_2:
0x124: {  	(tag) =	ssettag $0x2  }
0x125: {  	s0 =	rddreg [dreg:$0x0];
	s2 =	stileid.u32  }
0x126: {  	s1 =	rddreg [dreg:$0x1];
	p0 =	sne.s32 s2, $0x0  }
0x127: {  	s3 =	rddreg [dreg:$0x2];
	[bflag:$0x3] =	sbarrier.arrive $0xFFFF;
	s2 =	simm.s32 @!p0 $0x1C03  }
0x128: {  	[timem:s3], [sflag:s2] =	dma.local @!p0 [hbm:s0], s1  }
0x129: {  	s0 =	simm.s32 @!p0 $0x3  }
0x12a: {  	_ =	swait.ge @!p0 [sflag:s0], s1  }
0x12b: {  	s1 =	ssub.s32 @!p0 $0x0, s1;
	[sflag:s0] =	ssyncset.done @!p0 $0x0  }
0x12c: {  	[sflag:s0] =	ssyncadd.s32 @!p0 s1  }
0x12d: {  	[bflag:$0x3] =	sbarrier.arrive $0xFFFF  }
0x12e: {  	_ =	shalt  }

// kernel: kernel.19.cloned.1.call-start
scs
__scs_entry_jumppad:
0x0: {  	(pc) =	sbr.rel $0x88, $3  }
0x1: {  	(tag) =	ssettag $0x0;
	lr =	simm.s32 $0x1  }
0x2: {  	[smem:$0x3F99] =	sst lr;
	_ =	strace $0xD0000000  }
0x3: {  	_ = 	snop  }
0x4: {  	_ = 	snop  }
0x5: {  	_ = 	snop  }
0x6: {  	_ = 	snop  }
0x7: {  	_ = 	snop  }
__scs_overlays_trampoline_lowered:
0x8: {  	[smem:$0x3FA8] =	sst s0  }
0x9: {  	[smem:$0x3FA9] =	sst s1  }
0xa: {  	[smem:$0x3FAA] =	sst s2  }
0xb: {  	[smem:$0x3FAB] =	sst s3  }
0xc: {  	[smem:$0x3FAC] =	sst s4  }
0xd: {  	[smem:$0x3FAD] =	sst s5  }
0xe: {  	[smem:$0x3FAE] =	sst s6  }
0xf: {  	[smem:$0x3FAF] =	sst s7  }
0x10: {  	[smem:$0x3FB0] =	sst s8  }
0x11: {  	[smem:$0x3FB1] =	sst s9;
	s0 =	simm.s32 @!p0 $0x0  }
0x12: {  	s1 =	sld [smem:$0x3F97];
	s0 =	simm.s32 @p0 $0x1  }
0x13: {  	[smem:$0x3FB2] =	sst s0;
	s0 =	simm.s32 @!p1 $0x0  }
0x14: {  	s2 =	sld [smem:$0x3F96];
	s0 =	simm.s32 @p1 $0x1  }
0x15: {  	[smem:$0x3FB3] =	sst s0;
	s0 =	simm.s32 @!p2 $0x0  }
0x16: {  	s3 =	sld [smem:$0x3FDB];
	s0 =	simm.s32 @p2 $0x1  }
0x17: {  	s4 =	simm.s32 $0x1BF5;
	[smem:$0x3FB5] =	sst s0  }
0x18: {  	s0 =	sld [smem:$0x3F98];
	_ =	swait.ge [sflag:s4], $0x0  }
0x19: {  	s7 =	sld [smem:$0x3F99]  }
0x1a: {  	s8 =	sadd.s32 $0xFFFFE003, lr  }
0x1b: {  	s9 =	sadd.s32 $0xFFFFFEF7, lr;
	s5 =	simm.s32 $0xFFFFFFFF;
	p2 =	slt.u32 s8, $0xFFFFF086  }
0x1c: {  	p1 =	slt.u32 s9, $0xF7A;
	s5 =	simm.s32 @!p2 $0x0  }
0x1d: {  	s5 =	simm.s32 @p1 $0x1;
	p0 =	seq.s32 s7, s2  }
0x1e: {  	s7 =	smul.u32 @!p0 $0xF7A, s2;
	p2 =	seq.s32 @!p0 s5, $0x0  }
0x1f: {  	s9 =	smul.u32 $0xF7A, s1;
	s8 =	simm.s32 @!p0 $0x1BF5;
	p2 =	por !p2, p0  }
0x20: {  	[sflag:s8] =	ssyncset.s32 @!p0 $0xFFFFF086;
	s6 =	sadd.s32 @!p0 s3, s7;
	s7 =	simm.s32 @!p0 $0x108  }
0x21: {  	s3 =	sadd.s32 s3, s9;
	s6 =	sadd.s32 @!p0 $0x88, s6;
	s7 =	simm.s32 @p2 $0x1082  }
0x22: {  	[simem:s7], [sflag:s8] =	dma.local @!p0 [hbm:s6], $0xF7A  }
0x23: {  	s9 =	sor.u32 $0xD0000000, s2;
	s6 =	simm.s32 $0x108;
	_ =	swait.ge @!p0 [sflag:s8], $0x0  }
0x24: {  	s3 =	sadd.s32 $0x88, s3;
	s6 =	simm.s32 @!p1 $0x1082;
	[sflag:s4] =	ssyncset.s32 $0xFFFFF086  }
0x25: {  	[simem:s6], [sflag:s4] =	dma.local [hbm:s3], $0xF7A  }
0x26: {  	[smem:$0x3F99] =	sst s1;
	(tag) =	ssettag s2;
	_ =	strace s9  }
0x27: {  	s1 =	sld [smem:$0x3FA9]  }
0x28: {  	s2 =	sld [smem:$0x3FAA]  }
0x29: {  	s4 =	sld [smem:$0x3FAC]  }
0x2a: {  	p0 =	seq.s32 s5, $0x0;
	s5 =	sld [smem:$0x3FAD]  }
0x2b: {  	s6 =	sld [smem:$0x3FAE]  }
0x2c: {  	s7 =	sld [smem:$0x3FAF]  }
0x2d: {  	s3 =	simm.s32 $0x108;
	s8 =	sld [smem:$0x3FB0]  }
0x2e: {  	s3 =	simm.s32 @!p0 $0x1082;
	s9 =	sld [smem:$0x3FB1]  }
0x2f: {  	lr =	sadd.s32 s0, s3;
	s0 =	sld [smem:$0x3FA8]  }
0x30: {  	s3 =	sld [smem:$0x3FAB]  }
0x31: {  	[smem:$0x3FB4] =	sst s10  }
0x32: {  	s10 =	sld [smem:$0x3FB2];
	_ =	sdelay $0x3  }
0x33: {  	p0 =	seq.s32 s10, $0x1;
	s10 =	sld [smem:$0x3FB4];
	_ =	sdelay $0x3  }
0x34: {  	[smem:$0x3FB4] =	sst s10  }
0x35: {  	s10 =	sld [smem:$0x3FB3];
	_ =	sdelay $0x3  }
0x36: {  	p1 =	seq.s32 s10, $0x1;
	s10 =	sld [smem:$0x3FB4];
	_ =	sdelay $0x3  }
0x37: {  	[smem:$0x3FB4] =	sst s10  }
0x38: {  	s10 =	sld [smem:$0x3FB5]  }
0x39: {  	_ = 	snop;
	(pc) =	sbr.ind lr, $3  }
0x3a: {  	_ = 	snop  }
0x3b: {  	_ = 	snop  }
0x3c: {  	p2 =	seq.s32 s10, $0x1;
	s10 =	sld [smem:$0x3FB4]  }
0x3d: {  	_ =	shalt  }
0x3e: {  	_ =	shalt  }
0x3f: {  	_ =	shalt  }
0x40: {  	_ =	shalt  }
0x41: {  	_ =	shalt  }
0x42: {  	_ =	shalt  }
0x43: {  	_ =	shalt  }
0x44: {  	_ =	shalt  }
0x45: {  	_ =	shalt  }
0x46: {  	_ =	shalt  }
0x47: {  	_ =	shalt  }
0x48: {  	_ =	shalt  }
0x49: {  	_ =	shalt  }
0x4a: {  	_ =	shalt  }
0x4b: {  	_ =	shalt  }
0x4c: {  	_ =	shalt  }
0x4d: {  	_ =	shalt  }
0x4e: {  	_ =	shalt  }
0x4f: {  	_ =	shalt  }
0x50: {  	_ =	shalt  }
0x51: {  	_ =	shalt  }
0x52: {  	_ =	shalt  }
0x53: {  	_ =	shalt  }
0x54: {  	_ =	shalt  }
0x55: {  	_ =	shalt  }
0x56: {  	_ =	shalt  }
0x57: {  	_ =	shalt  }
0x58: {  	_ =	shalt  }
0x59: {  	_ =	shalt  }
0x5a: {  	_ =	shalt  }
0x5b: {  	_ =	shalt  }
0x5c: {  	_ =	shalt  }
0x5d: {  	_ =	shalt  }
0x5e: {  	_ =	shalt  }
0x5f: {  	_ =	shalt  }
0x60: {  	_ =	shalt  }
0x61: {  	_ =	shalt  }
0x62: {  	_ =	shalt  }
0x63: {  	_ =	shalt  }
0x64: {  	_ =	shalt  }
0x65: {  	_ =	shalt  }
0x66: {  	_ =	shalt  }
0x67: {  	_ =	shalt  }
0x68: {  	_ =	shalt  }
0x69: {  	_ =	shalt  }
0x6a: {  	_ =	shalt  }
0x6b: {  	_ =	shalt  }
0x6c: {  	_ =	shalt  }
0x6d: {  	_ =	shalt  }
0x6e: {  	_ =	shalt  }
0x6f: {  	_ =	shalt  }
0x70: {  	_ =	shalt  }
0x71: {  	_ =	shalt  }
0x72: {  	_ =	shalt  }
0x73: {  	_ =	shalt  }
0x74: {  	_ =	shalt  }
0x75: {  	_ =	shalt  }
0x76: {  	_ =	shalt  }
0x77: {  	_ =	shalt  }
0x78: {  	_ =	shalt  }
0x79: {  	_ =	shalt  }
0x7a: {  	_ =	shalt  }
0x7b: {  	_ =	shalt  }
0x7c: {  	_ =	shalt  }
0x7d: {  	_ =	shalt  }
0x7e: {  	_ =	shalt  }
0x7f: {  	_ =	shalt  }
0x80: {  	_ =	shalt  }
0x81: {  	_ =	shalt  }
0x82: {  	_ =	shalt  }
0x83: {  	_ =	shalt  }
0x84: {  	_ =	shalt  }
0x85: {  	_ =	shalt  }
0x86: {  	_ =	shalt  }
0x87: {  	_ =	shalt  }
.Lfunc_end0:
.L_simem_size_0:
called_computation.3_lowered:
.L_overlay_start_0:
0x88: {  	s2 =	sld [smem:$0x3FD9]  }
0x89: {  	s3 =	sld [smem:$0x3FFE];
	_ =	sdelay $0x1  }
0x8a: {  	s1 =	srdreg.scid  }
0x8b: {  	s0 =	sand.u32 $0x1, s1  }
0x8c: {  	s17 =	sshll.u32 s0, $0xA;
	s2 =	sadd.s32 s3, s2  }
0x8d: {  	s2 =	sadd.s32 s2, s17  }
0x8e: {  	[smem:$0x3FC0] =	sst s2  }
0x8f: {  	_ = 	snop  }
0x90: {  	s18 =	sld [smem:$0x3FC8];
	(tm) =	ssettm $0x1  }
0x91: {  	s19 =	sld [smem:$0x3FFB];
	_ =	sdelay $0x3  }
0x92: {  	_ =	strace s19  }
0x93: {  	s2 =	sld [smem:$0x3FFC];
	_ =	sdelay $0x3  }
0x94: {  	_ =	strace s2  }
0x95: {  	s2 =	sld [smem:$0x3FFD];
	_ =	sdelay $0x3  }
0x96: {  	_ =	strace s2  }
0x97: {  	_ =	strace $0x8FFFFFFF  }
0x98: {  	s20 =	sld [smem:$0x3FDB];
	_ =	sdelay $0x1  }
0x99: {  	s4 =	simm.s32 $_scs_section_size  }
0x9a: {  	s5 =	simm.s32 $_size__tile_overlayer_lowered;
	s6 =	simm.s32 $_tile_overlayer_lowered  }
0x9b: {  	s7 =	simm.s32 $0x1BFF;
	s21 =	sshll.u32 s6, $0x1;
	s4 =	sadd.s32 s4, s20  }
0x9c: {  	s22 =	simm.s32 $0x0;
	s5 =	sshll.u32 s5, $0x1;
	s6 =	sadd.s32 s21, s4  }
0x9d: {  	[timem:s22], [sflag:s7] =	dma.local [hbm:s6], s5  }
0x9e: {  	_ =	swait.ge [sflag:s7], s5  }
0x9f: {  	s5 =	ssub.s32 $0x0, s5;
	[sflag:s7] =	ssyncset.done $0x0  }
0xa0: {  	[sflag:s7] =	ssyncadd.s32 s5;
	_ =	sdelay $0x1  }
0xa1: {  	s23 =	simm.s32 $0x1B8B  }
0xa2: {  	_ =	swait.ge [sflag:s23], $0x1  }
0xa3: {  	[sflag:s23] =	ssyncset.done $0x0  }
0xa4: {  	[sflag:s23] =	ssyncadd.s32 $0xFFFFFFFF  }
0xa5: {  	s5 =	sld [smem:$0x0]  }
0xa6: {  	s6 =	sand.u32 $0xFFFFFFFE, s1  }
0xa7: {  	p0 =	sne.s32 s1, s6  }
0xa8: {  	s6 =	sshll.u32 @p0 s6, $0xE  }
0xa9: {  	s6 =	sadd.s32 @p0 $0x11B8D, s6;
	s7 =	sshll.u32 @p0 s5, $0x11  }
0xaa: {  	s6 =	sor.u32 @p0 s7, s6  }
0xab: {  	[sflag:s6] =	ssyncadd.remote.s32 @p0 $0x1;
	_ =	sdelay $0x1  }
0xac: {  	s6 =	simm.s32 @p0 $0x1B8D  }
0xad: {  	_ =	swait.eq @p0 [sflag:s6], $0x1  }
0xae: {  	[sflag:s6] =	ssyncadd.s32 @p0 $0xFFFFFFFF  }
0xaf: {  	s7 =	sshll.u32 @!p0 s1, $0xE  }
0xb0: {  	s7 =	sor.u32 @!p0 $0x4000, s7;
	s6 =	simm.s32 @!p0 $0x1B8D  }
0xb1: {  	s5 =	sshll.u32 @!p0 s5, $0x11;
	s7 =	sadd.s32 @!p0 $0x11B8D, s7;
	_ =	swait.eq @!p0 [sflag:s6], $0x1  }
0xb2: {  	s5 =	sor.u32 @!p0 s5, s7;
	[sflag:s6] =	ssyncadd.s32 @!p0 $0xFFFFFFFF  }
0xb3: {  	s25 =	simm.s32 $0x1B8E;
	s24 =	sld [smem:$0x3FFE];
	[sflag:s5] =	ssyncadd.remote.s32 @!p0 $0x1  }
0xb4: {  	s26 =	simm.s32 $execute0_lowered;
	[smem:$0x3FD2] =	sst s25  }
0xb5: {  	s6 =	sshll.u32 s26, $0x1;
	_ =	strace $0x8000004F;
	[dreg:$0x1] =	wrdreg $0xFFFFFFFF  }
0xb6: {  	s28 =	simm.s32 $_size_execute0_lowered;
	s4 =	sadd.s32 s4, s6;
	[dreg:$0x0] =	wrdreg $0x0  }
0xb7: {  	s6 =	sshll.u32 s28, $0x1;
	[dreg:$0x2] =	wrdreg s4  }
0xb8: {  	[dreg:$0x3] =	wrdreg s6  }
0xb9: {  	[dreg:$0x4] =	wrdreg $0xC0  }
0xba: {  	_ =	task [dreg:s22], $0x5FFFF  }
0xbb: {  	[dreg:$0x1] =	wrdreg $0xFFFFFFFF  }
0xbc: {  	[dreg:$0x0] =	wrdreg $0x60  }
0xbd: {  	[dreg:$0x2] =	wrdreg s18  }
0xbe: {  	[dreg:$0x3] =	wrdreg s24  }
0xbf: {  	[dreg:$0x4] =	wrdreg $0xC  }
0xc0: {  	_ =	task.clear_ibuf [dreg:s22], $0x5FFFF;
	_ =	strace $0x9000004F  }
0xc1: {  	s29 =	simm.s32 $0xC;
	_ =	strace $0x80000051  }
0xc2: {  	_ =	swait.ge [sflag:s29], $0x1  }
0xc3: {  	[sflag:s29] =	ssyncadd.s32 $0xFFFFFFFF  }
0xc4: {  	_ =	strace $0x90000051  }
0xc5: {  	_ =	sfence  }
0xc6: {  	s30 =	sld [smem:$0x0];
	_ =	sdelay $0x2  }
0xc7: {  	s31 =	sshll.u32 s1, $0xD;
	s1 =	sshrl.u32 s1, $0x2  }
0xc8: {  	s4 =	sand.u32 $0x4000, s31;
	s1 =	sadd.s32 s1, s30  }
0xc9: {  	s0 =	sor.u32 s4, s0;
	s1 =	sshll.u32 s1, $0x11  }
0xca: {  	s0 =	sor.u32 s1, s0  }
0xcb: {  	s0 =	sadd.s32 $0x8F2B, s0  }
0xcc: {  	[sflag:s0] =	ssyncadd.remote.s32 $0x1  }
0xcd: {  	_ =	sfence.sel $0xFFFF  }
0xce: {  	[dreg:$0x0] =	wrdreg $0xFFFFFFFF;
	(pc) =	sbr.abs _section_cstart, $3  }
0xcf: {  	[dreg:$0x1] =	wrdreg $0xFFFFFFFF  }
0xd0: {  	_ =	task.clear_ibuf [dreg:s22], $0x2FFFF;
	_ =	strace $0x9FFFFFFF  }
0xd1: {  	(tm) =	ssettm $0x7FFFFFFF  }
tec
execute0_lowered:
.L_overlay_start_1:
0x0: {  	(tag) =	ssettag $0x1  }
0x1: {  	s2 =	rddreg [dreg:$0x0];
	s1 =	srdreg.scid  }
0x2: {  	s0 =	stileid.u32;
	s4 =	rddreg [dreg:$0x1];
	s3 =	simm.s32 $0x0  }
0x3: {  	s15 =	simm.s32 $0x4C00;
	s16 =	simm.s32 $0x1;
	s17 =	simm.s32 $0x2  }
0x4: {  	s18 =	simm.s32 $0x100;
	s19 =	simm.s32 $0x980;
	s26 =	smul.u32 $0xA0000, s0  }
0x5: {  	s20 =	simm.s32 $0x0;
	s7 =	sand.u32 $0x1, s1;
	s30 =	smul.u32 $0x14000, s0  }
0x6: {  	s5 =	sshll.u32 s0, $0x1;
	s1 =	rddreg [dreg:$0x2];
	s29 =	smul.u32 $0x50000, s7  }
0x7: {  	[smem:$0x7FF] =	sst s3;
	s5 =	sor.u32 s7, s5;
	s31 =	smul.u32 $0xA000, s7  }
0x8: {  	s12 =	sadd.s32 $0x1A9800, s4;
	s8 =	ssub.s32 $0x2, s7;
	s6 =	smul.u32 $0x180, s5  }
0x9: {  	_ =	strace $0x80000050;
	s9 =	smul.u32 $0x50000, s5;
	s10 =	sshrl.u32 s8, $0x1  }
0xa: {  	s11 =	smul.u32 $0xA000, s5;
	s25 =	ssub.s32 s8, s10;
	s8 =	sadd.s32 s29, s26  }
0xb: {  	s10 =	sadd.s32 s30, s12;
	s6 =	sadd.s32 s6, s4;
	s28 =	sshrl.u32 s9, $0x3  }
0xc: {  	s5 =	smax.u32 s25, $0x1;
	s11 =	sadd.s32 s12, s11;
	s13 =	sor.u32 $0x8000, s8  }
0xd: {  	s14 =	sadd.s32 s31, s10;
	s4 =	sadd.s32 $0x1A6800, s6;
	s6 =	sadd.s32 s12, s28  }
0xe: {  	s7 =	sadd.s32 $0x800, s11;
	s13 =	sshrl.u32 s13, $0x3;
	s9 =	sadd.s32 $0x9800, s11  }
0xf: {  	s11 =	sadd.s32 $0x1800, s14;
	s14 =	simm.s32 $0xC00;
	s8 =	sadd.s32 $0x9000, s6  }
0x10: {  	s10 =	sadd.s32 s13, s12;
	s12 =	simm.s32 $0x3;
	s13 =	simm.s32 $0x80  }
.LBB2_1:
0x11: {  	[tilespmem:s3], [sflag:$0x3] =	stream.linear.gather [hbm4b:s4+s3], $0xA00, $0x38;
	[tilespmem:$0x8C00] =	vst v63  }
0x12: {  	_ =	swait.ge [sflag:s12], $0xA00  }
0x13: {  	[sflag:s12] =	ssyncset.done $0x0  }
0x14: {  	[sflag:s12] =	ssyncadd.s32 $0xFFFFF600  }
0x15: {  	[tilespmem:s14], [sflag:$0x1] =	stream.indirect.gather [hbm4b:s2+s13], $0x80, s3, s13, $0xb8;
	[tilespmem:$0x8C00] =	vst v63  }
0x16: {  	_ = 	snop  }
0x17: {  	[tilespmem:s15], [sflag:$0x1] =	stream.indirect.gather [hbm4b:s2+s13], $0x80, s13, s13, $0xb8;
	[tilespmem:$0x8C00] =	vst v63  }
0x18: {  	_ =	swait.ge [sflag:s16], $0x4000  }
0x19: {  	[sflag:s16] =	ssyncset.done $0x0  }
0x1a: {  	[sflag:s16] =	ssyncadd.s32 $0xFFFFC000  }
0x1b: {  	[hbm4b:s6+s3] =	stream.linear.scatter [tilespmem:s14], [sflag:$0x2], $0x4000, $0x38;
	[tilespmem:$0x8C00] =	vst v63  }
0x1c: {  	_ =	swait.ge [sflag:s17], $0x4000  }
0x1d: {  	[sflag:s17] =	ssyncset.done $0x0  }
0x1e: {  	[sflag:s17] =	ssyncadd.s32 $0xFFFFC000  }
0x1f: {  	[tilespmem:s14], [sflag:$0x1] =	stream.indirect.gather [hbm4b:s2+s13], $0x80, s18, s13, $0xb8;
	[tilespmem:$0x8C00] =	vst v63  }
0x20: {  	_ =	swait.ge [sflag:s16], $0x4000  }
0x21: {  	[sflag:s16] =	ssyncset.done $0x0  }
0x22: {  	[sflag:s16] =	ssyncadd.s32 $0xFFFFC000  }
0x23: {  	[hbm4b:s7+s3] =	stream.linear.scatter [tilespmem:s15], [sflag:$0x2], $0x4000, $0x38;
	[tilespmem:$0x8C00] =	vst v63  }
0x24: {  	_ =	swait.ge [sflag:s17], $0x4000  }
0x25: {  	[sflag:s17] =	ssyncset.done $0x0  }
0x26: {  	s21 =	simm.s32 $0x180;
	[sflag:s17] =	ssyncadd.s32 $0xFFFFC000  }
0x27: {  	[tilespmem:s15], [sflag:$0x1] =	stream.indirect.gather [hbm4b:s2+s13], $0x80, s21, s13, $0xb8;
	[tilespmem:$0x8C00] =	vst v63  }
0x28: {  	_ =	swait.ge [sflag:s16], $0x4000  }
0x29: {  	[sflag:s16] =	ssyncset.done $0x0  }
0x2a: {  	s30 =	sadd.s32 $0x0, s10;
	[sflag:s16] =	ssyncadd.s32 $0xFFFFC000  }
0x2b: {  	[hbm4b:s30+s3] =	stream.linear.scatter [tilespmem:s14], [sflag:$0x2], $0x4000, $0x38;
	[tilespmem:$0x8C00] =	vst v63  }
0x2c: {  	_ =	swait.ge [sflag:s17], $0x4000  }
0x2d: {  	[sflag:s17] =	ssyncset.done $0x0  }
0x2e: {  	s31 =	simm.s32 $0x200;
	[sflag:s17] =	ssyncadd.s32 $0xFFFFC000  }
0x2f: {  	[tilespmem:s14], [sflag:$0x1] =	stream.indirect.gather [hbm4b:s2+s13], $0x80, s31, s13, $0xb8;
	[tilespmem:$0x8C00] =	vst v63  }
0x30: {  	_ =	swait.ge [sflag:s16], $0x4000  }
0x31: {  	s23 =	sadd.s32 $0x0, s11;
	[sflag:s16] =	ssyncset.done $0x0  }
0x32: {  	s22 =	simm.s32 $0x300;
	s21 =	simm.s32 $0x1000;
	[sflag:s16] =	ssyncadd.s32 $0xFFFFC000  }
.LBB2_2:
0x33: {  	[hbm4b:s23+s3] =	stream.linear.scatter [tilespmem:s15], [sflag:$0x2], $0x4000, $0x38;
	[tilespmem:$0x8C00] =	vst v63  }
0x34: {  	s23 =	smov.u32 s21  }
0x35: {  	p0 =	sne.s32 s21, $0x7000;
	s21 =	sadd.s32 $0x1000, s21;
	_ =	swait.ge [sflag:s17], $0x4000  }
0x36: {  	[sflag:s17] =	ssyncset.done $0x0  }
0x37: {  	s24 =	sadd.s32 $0xFFFFFF80, s22;
	[sflag:s17] =	ssyncadd.s32 $0xFFFFC000  }
0x38: {  	[tilespmem:s15], [sflag:$0x1] =	stream.indirect.gather [hbm4b:s2+s13], $0x80, s24, s13, $0xb8;
	[tilespmem:$0x8C00] =	vst v63  }
0x39: {  	_ =	swait.ge [sflag:s16], $0x4000  }
0x3a: {  	[sflag:s16] =	ssyncset.done $0x0  }
0x3b: {  	s24 =	sadd.s32 s23, s10;
	[sflag:s16] =	ssyncadd.s32 $0xFFFFC000  }
0x3c: {  	[hbm4b:s24+s3] =	stream.linear.scatter [tilespmem:s14], [sflag:$0x2], $0x4000, $0x38;
	[tilespmem:$0x8C00] =	vst v63  }
0x3d: {  	_ =	swait.ge [sflag:s17], $0x4000  }
0x3e: {  	[sflag:s17] =	ssyncset.done $0x0  }
.Ltmp0:
0x3f: {  	[sflag:s17] =	ssyncadd.s32 $0xFFFFC000;
	(pc) =	sbr.rel @p0 .LBB2_2-.Ltmp0, $4  }
0x40: {  	[tilespmem:s14], [sflag:$0x1] =	stream.indirect.gather [hbm4b:s2+s13], $0x80, s22, s13, $0xb8;
	[tilespmem:$0x8C00] =	vst v63  }
0x41: {  	_ =	swait.ge [sflag:s16], $0x4000  }
0x42: {  	[sflag:s16] =	ssyncset.done $0x0  }
0x43: {  	s23 =	sadd.s32 s23, s11;
	s22 =	sadd.s32 $0x100, s22;
	[sflag:s16] =	ssyncadd.s32 $0xFFFFC000  }
0x44: {  	[hbm4b:s23+s3] =	stream.linear.scatter [tilespmem:s15], [sflag:$0x2], $0x4000, $0x38;
	[tilespmem:$0x8C00] =	vst v63  }
0x45: {  	_ =	swait.ge [sflag:s17], $0x4000  }
0x46: {  	[sflag:s17] =	ssyncset.done $0x0  }
0x47: {  	[sflag:s17] =	ssyncadd.s32 $0xFFFFC000  }
0x48: {  	[tilespmem:s15], [sflag:$0x1] =	stream.indirect.gather [hbm4b:s2+s13], $0x80, s19, s13, $0xb8;
	[tilespmem:$0x8C00] =	vst v63  }
0x49: {  	_ =	swait.ge [sflag:s16], $0x4000  }
0x4a: {  	[sflag:s16] =	ssyncset.done $0x0  }
0x4b: {  	[sflag:s16] =	ssyncadd.s32 $0xFFFFC000  }
0x4c: {  	[hbm4b:s8+s3] =	stream.linear.scatter [tilespmem:s14], [sflag:$0x2], $0x4000, $0x38;
	[tilespmem:$0x8C00] =	vst v63  }
0x4d: {  	_ =	swait.ge [sflag:s17], $0x4000  }
0x4e: {  	[sflag:s17] =	ssyncset.done $0x0  }
0x4f: {  	[sflag:s17] =	ssyncadd.s32 $0xFFFFC000  }
0x50: {  	s20 =	sadd.s32 $0x1, s20;
	_ =	swait.ge [sflag:s16], $0x4000  }
0x51: {  	p0 =	sne.s32 s20, s5;
	[sflag:s16] =	ssyncset.done $0x0  }
.Ltmp1:
0x52: {  	[sflag:s16] =	ssyncadd.s32 $0xFFFFC000;
	(pc) =	sbr.rel @p0 .LBB2_1-.Ltmp1, $4  }
0x53: {  	[hbm4b:s9+s3] =	stream.linear.scatter [tilespmem:s15], [sflag:$0x2], $0x4000, $0x38;
	[tilespmem:$0x8C00] =	vst v63  }
0x54: {  	_ =	swait.ge [sflag:s17], $0x4000  }
0x55: {  	[sflag:s17] =	ssyncset.done $0x0  }
0x56: {  	[sflag:s17] =	ssyncadd.s32 $0xFFFFC000  }
0x57: {  	_ =	sfence.sel $0x180000  }
0x58: {  	[bflag:$0x0] =	sbarrier.arrive $0xFFFF  }
0x59: {  	p0 =	sne.s32 s0, $0x0;
	_ =	strace $0x90000050  }
0x5a: {  	s0 =	sadd.s32 @!p0 $0x100000, s1;
	[bflag:$0x2] =	sbarrier.arrive $0xFFFF  }
0x5b: {  	[sflag:s0] =	ssyncadd.tile.s32 @!p0 $0x1;
	_ =	shalt  }
.Lfunc_end2:
_tile_overlayer_lowered:
.L_overlay_start_2:
0x5c: {  	(tag) =	ssettag $0x2  }
0x5d: {  	s0 =	rddreg [dreg:$0x0];
	s2 =	stileid.u32  }
0x5e: {  	s1 =	rddreg [dreg:$0x1];
	p0 =	sne.s32 s2, $0x0  }
0x5f: {  	s3 =	rddreg [dreg:$0x2];
	[bflag:$0x3] =	sbarrier.arrive $0xFFFF;
	s2 =	simm.s32 @!p0 $0x1C03  }
0x60: {  	[timem:s3], [sflag:s2] =	dma.local @!p0 [hbm:s0], s1  }
0x61: {  	s0 =	simm.s32 @!p0 $0x3  }
0x62: {  	_ =	swait.ge @!p0 [sflag:s0], s1  }
0x63: {  	s1 =	ssub.s32 @!p0 $0x0, s1;
	[sflag:s0] =	ssyncset.done @!p0 $0x0  }
0x64: {  	[sflag:s0] =	ssyncadd.s32 @!p0 s1  }
0x65: {  	[bflag:$0x3] =	sbarrier.arrive $0xFFFF  }
0x66: {  	_ =	shalt  }

</sc_bundles>
